<compile_context>
chip_gen: v7x
topology: tpu7x:2x2x1
jax: 0.10.2.dev20260603
libtpu: 0.0.44.dev20260713+nightly
codegen_flags: <defaults>
</compile_context>

<pallas_src>
import functools

import jax
import jax.numpy as jnp
from jax import lax
from jax.experimental import pallas as pl
from jax.experimental.pallas import tpu as pltpu
from jax.experimental.pallas import tpu_sc as plsc

N_NODES = 10000
N_EDGES = 320000
D = 128

NC = 2
NS = 16
NW = NC * NS

CHUNK = 128
NROWS = N_EDGES // CHUNK
CHUNKS_T = NROWS // NW
XBASE = NW * CHUNKS_T
NEXTRA = NROWS - XBASE
IBLK = 16
BLOCKS = [IBLK] * (CHUNKS_T // IBLK) + (
    [CHUNKS_T % IBLK] if CHUNKS_T % IBLK else [])
N_PAD = 10112
ZROWS = N_PAD // NS


def _sc_aggregate(edges3, x):
    mesh = plsc.VectorSubcoreMesh(core_axis_name="c", subcore_axis_name="s")

    @functools.partial(
        pl.kernel,
        out_type=jax.ShapeDtypeStruct((NC * N_PAD, D), jnp.float32),
        mesh=mesh,
        compiler_params=pltpu.CompilerParams(use_tc_tiling_on_sc=False),
        scratch_types=[
            pltpu.VMEM((2, IBLK, CHUNK), jnp.int32),
            pltpu.VMEM((2, IBLK, CHUNK), jnp.int32),
            pltpu.VMEM((CHUNK, D), jnp.float32),
            pltpu.VMEM((CHUNK, D), jnp.float32),
            pltpu.VMEM_SHARED((N_PAD, D), jnp.float32),
            pltpu.SemaphoreType.DMA,
            pltpu.SemaphoreType.DMA,
            pltpu.SemaphoreType.DMA,
        ],
    )
    def sc_kernel(e_hbm, x_hbm, out_hbm,
                  src_v, dst_v, bufa, bufb, agg, sema, semb, semi):
        cid = lax.axis_index("c")
        sid = lax.axis_index("s")
        tid = cid * NS + sid
        src_hbm = e_hbm.at[0]
        dst_hbm = e_hbm.at[1]

        base = tid * CHUNKS_T
        pltpu.sync_copy(src_hbm.at[pl.ds(base, IBLK)], src_v.at[0])
        pltpu.sync_copy(dst_hbm.at[pl.ds(base, IBLK)], dst_v.at[0])
        pltpu.async_copy(x_hbm.at[src_v.at[0, 0]], bufa, sema)

        @pl.loop(0, CHUNK)
        def _(i):
            for k in range(D // 16):
                bufb[i, pl.ds(k * 16, 16)] = jnp.zeros((16,), jnp.float32)

        zbase = sid * ZROWS
        nfull = ZROWS // CHUNK
        for z in range(nfull):
            pltpu.sync_copy(bufb, agg.at[pl.ds(zbase + z * CHUNK, CHUNK)])
        rem = ZROWS - nfull * CHUNK
        if rem:
            pltpu.sync_copy(bufb.at[pl.ds(0, rem)],
                            agg.at[pl.ds(zbase + nfull * CHUNK, rem)])
        plsc.subcore_barrier()

        for blk, blen in enumerate(BLOCKS):
            cur = blk % 2
            nxt = 1 - cur
            if blk + 1 < len(BLOCKS):
                hs = pltpu.async_copy(
                    src_hbm.at[pl.ds(base + (blk + 1) * IBLK, IBLK)],
                    src_v.at[nxt], semi)
                hd = pltpu.async_copy(
                    dst_hbm.at[pl.ds(base + (blk + 1) * IBLK, IBLK)],
                    dst_v.at[nxt], semi)
            sv = src_v.at[cur]
            dv = dst_v.at[cur]
            if blk > 0:
                pltpu.async_copy(x_hbm.at[sv.at[0]], bufa, sema)

            @pl.loop(0, blen // 2)
            def _(g):
                j0 = g * 2
                j1 = j0 + 1
                pltpu.async_copy(x_hbm.at[sv.at[j1]], bufb, semb)
                pltpu.make_async_copy(x_hbm.at[sv.at[j0]], bufa, sema).wait()
                pltpu.sync_copy(bufa, agg.at[dv.at[j0]], add=True)

                @pl.when(j1 + 1 < blen)
                def _():
                    pltpu.async_copy(x_hbm.at[sv.at[j1 + 1]], bufa, sema)

                pltpu.make_async_copy(x_hbm.at[sv.at[j1]], bufb, semb).wait()
                pltpu.sync_copy(bufb, agg.at[dv.at[j1]], add=True)

            if blk + 1 < len(BLOCKS):
                hs.wait()
                hd.wait()

        @pl.when(tid < NEXTRA)
        def _():
            pltpu.sync_copy(src_hbm.at[pl.ds(XBASE, NEXTRA)],
                            src_v.at[0, pl.ds(0, NEXTRA)])
            pltpu.sync_copy(dst_hbm.at[pl.ds(XBASE, NEXTRA)],
                            dst_v.at[0, pl.ds(0, NEXTRA)])
            pltpu.sync_copy(x_hbm.at[src_v.at[0, tid]], bufa)
            pltpu.sync_copy(bufa, agg.at[dst_v.at[0, tid]], add=True)

        plsc.subcore_barrier()

        obase = sid * ZROWS
        hbase = cid * N_PAD + obase
        pieces = [(p * CHUNK, CHUNK) for p in range(ZROWS // CHUNK)]
        if ZROWS % CHUNK:
            pieces.append((ZROWS - ZROWS % CHUNK, ZROWS % CHUNK))
        bufp = (bufa, bufb)
        for p, (off, ln) in enumerate(pieces):
            pb = bufp[p % 2].at[pl.ds(0, ln)]
            if p >= 2:
                poff, pln = pieces[p - 2]
                pltpu.make_async_copy(
                    bufp[p % 2].at[pl.ds(0, pln)],
                    out_hbm.at[pl.ds(hbase + poff, pln)], semi).wait()
            pltpu.sync_copy(agg.at[pl.ds(obase + off, ln)], pb)
            pltpu.async_copy(pb, out_hbm.at[pl.ds(hbase + off, ln)], semi)
        for p in range(max(len(pieces) - 2, 0), len(pieces)):
            off, ln = pieces[p]
            pltpu.make_async_copy(
                bufp[p % 2].at[pl.ds(0, ln)],
                out_hbm.at[pl.ds(hbase + off, ln)], semi).wait()

    return sc_kernel(edges3, x)


def _tc_body(x_ref, a0_ref, a1_ref, w_ref, b_ref, o_ref):
    h = x_ref[...] + a0_ref[0] + a1_ref[0]
    o_ref[...] = lax.dot_general(
        h, w_ref[...],
        dimension_numbers=(((1,), (1,)), ((), ())),
        preferred_element_type=jnp.float32,
    ) + b_ref[...]


def kernel(x, edge_index, W, b):
    edges3 = edge_index.reshape(2, NROWS, CHUNK)

    agg = _sc_aggregate(edges3, x).reshape(NC, N_PAD, D)

    BM = 2000
    nb = N_NODES // BM
    out = pl.pallas_call(
        _tc_body,
        grid=(nb,),
        in_specs=[
            pl.BlockSpec((BM, D), lambda i: (i, 0)),
            pl.BlockSpec((1, BM, D), lambda i: (0, i, 0)),
            pl.BlockSpec((1, BM, D), lambda i: (1, i, 0)),
            pl.BlockSpec((D, D), lambda i: (0, 0)),
            pl.BlockSpec((1, D), lambda i: (0, 0)),
        ],
        out_specs=pl.BlockSpec((BM, D), lambda i: (i, 0)),
        out_shape=jax.ShapeDtypeStruct((N_NODES, D), jnp.float32),
    )(x, agg, agg, W, b.reshape(1, D))
    return out

# --- scband reference (transcript-rebuilt; emitter-appended) ---
"""Pipeline reference for scband-gin-1layer-48266842472560 (READ-ONLY COPY).

The authoritative reference and input builder live on the scoring server;
editing this copy changes nothing except your own understanding.
"""

import jax, jax.numpy as jnp
import numpy as np

N_NODES = 10000
N_EDGES = 320000
D_IN = 128
D_OUT = 128

def setup_inputs(seed: int = 0) -> dict:
    key = jax.random.key(seed)
    k1, k2, k3, k4 = jax.random.split(key, 4)
    x = jax.random.normal(k1, (N_NODES, D_IN), dtype=jnp.float32)
    edge_index = jax.random.randint(k2, (2, N_EDGES), 0, N_NODES, dtype=jnp.int32)
    # Linear layer params (torch.nn.Linear(input_feat, classes)): W [out, in], b [out]
    limit = 1.0 / np.sqrt(D_IN)
    W = jax.random.uniform(k3, (D_OUT, D_IN), dtype=jnp.float32, minval=-limit, maxval=limit)
    b = jax.random.uniform(k4, (D_OUT,), dtype=jnp.float32, minval=-limit, maxval=limit)
    return {"x": x, "edge_index": edge_index, "W": W, "b": b}

def reference(x, edge_index, W, b):
    # GINConv with default eps=0: h_i = mlp((1 + eps) * x_i + sum_{j in N(i)} x_j)
    src = edge_index[0]
    dst = edge_index[1]
    msgs = jnp.take(x, src, axis=0)                      # gather source node features
    agg = jax.ops.segment_sum(msgs, dst, num_segments=x.shape[0])  # scatter-add to dst
    h = (1.0 + 0.0) * x + agg
    out = h @ W.T + b                                     # mlp_gin1 (single Linear)
    return out

if __name__ == "__main__":
    import jax
    _d = setup_inputs()
    print(jax.jit(kernel)(*tuple(_d.values())))

</pallas_src>

<mosaic_0001>
#map = affine_map<(d0, d1) -> (0, 0, 0)>
#map1 = affine_map<(d0, d1) -> (0, 0)>
module attributes {stable_mosaic.version = 14 : i64} {
  func.func @sc_kernel(%arg0: i32, %arg1: i32, %arg2: memref<2x2500x128xi32, #tpu.memory_space<hbm>>, %arg3: memref<10000x128xf32, #tpu.memory_space<hbm>>, %arg4: memref<20224x128xf32, #tpu.memory_space<hbm>>, %arg5: memref<2x16x128xi32, #tpu.memory_space<vmem>>, %arg6: memref<2x16x128xi32, #tpu.memory_space<vmem>>, %arg7: memref<128x128xf32, #tpu.memory_space<vmem>>, %arg8: memref<128x128xf32, #tpu.memory_space<vmem>>, %arg9: memref<10112x128xf32, #tpu.memory_space<vmem_shared>>, %arg10: memref<!tpu.dma_semaphore, #tpu.memory_space<semaphore_mem>>, %arg11: memref<!tpu.dma_semaphore, #tpu.memory_space<semaphore_mem>>, %arg12: memref<!tpu.dma_semaphore, #tpu.memory_space<semaphore_mem>>) attributes {dimension_semantics = [#tpu.dimension_semantics<core_parallel>, #tpu.dimension_semantics<subcore_parallel>], iteration_bounds = array<i64: 2, 16>, scalar_prefetch = 0 : i64, scratch_operands = 8 : i64, tpu.core_type = #tpu.core_type<sc_vector_subcore>, window_params = [{transform_indices = #map}, {transform_indices = #map1}, {transform_indices = #map1}]} {
    %mul3A = arith.constant 16 : i32
    %mul3A_0 = arith.muli %arg0, %mul3A : i32
    %add3A = arith.addi %mul3A_0, %arg1 : i32
    %mul3A_1 = arith.constant 78 : i32
    %mul3A_2 = arith.muli %add3A, %mul3A_1 : i32
    %run_scoped3A = arith.constant 0 : i32
    %run_scoped3A_3 = arith.constant 0 : i32
    "tpu.region"() ({
      %run_scoped3A_619 = tpu.sem_alloc : memref<!tpu.dma_semaphore, #tpu.memory_space<semaphore_mem>>
      %dma_start3A_620 = arith.constant 0 : i32
      %dma_start3A_621 = arith.constant 0 : i32
      %dma_start3A_622 = tpu.memref_slice %arg5[%run_scoped3A_3, %dma_start3A_620, %dma_start3A_621] : memref<2x16x128xi32, #tpu.memory_space<vmem>> -> memref<1x16x128xi32, #tpu.memory_space<vmem>>
      %dma_start3A_623 = tpu.memref_squeeze %dma_start3A_622 : memref<1x16x128xi32, #tpu.memory_space<vmem>> -> memref<16x128xi32, #tpu.memory_space<vmem>>
      %dma_start3A_624 = arith.constant 0 : i32
      %dma_start3A_625 = arith.constant 0 : i32
      %dma_start3A_626 = tpu.memref_slice %arg2[%run_scoped3A, %dma_start3A_624, %dma_start3A_625] : memref<2x2500x128xi32, #tpu.memory_space<hbm>> -> memref<1x2500x128xi32, #tpu.memory_space<hbm>>
      %dma_start3A_627 = tpu.memref_squeeze %dma_start3A_626 : memref<1x2500x128xi32, #tpu.memory_space<hbm>> -> memref<2500x128xi32, #tpu.memory_space<hbm>>
      %dma_start3A_628 = arith.constant 0 : i32
      %dma_start3A_629 = tpu.memref_slice %dma_start3A_627[%mul3A_2, %dma_start3A_628] : memref<2500x128xi32, #tpu.memory_space<hbm>> -> memref<16x128xi32, #tpu.memory_space<hbm>>
      %dma_start3A_630 = arith.constant 0 : i32
      %dma_start3A_631 = arith.constant 0 : i32
      %dma_start3A_632 = tpu.memref_slice %arg5[%run_scoped3A_3, %dma_start3A_630, %dma_start3A_631] : memref<2x16x128xi32, #tpu.memory_space<vmem>> -> memref<1x16x128xi32, #tpu.memory_space<vmem>>
      %dma_start3A_633 = tpu.memref_squeeze %dma_start3A_632 : memref<1x16x128xi32, #tpu.memory_space<vmem>> -> memref<16x128xi32, #tpu.memory_space<vmem>>
      %dma_start3A_634 = arith.constant 0 : i32
      %dma_start3A_635 = arith.constant 0 : i32
      %dma_start3A_636 = tpu.memref_slice %arg2[%run_scoped3A, %dma_start3A_634, %dma_start3A_635] : memref<2x2500x128xi32, #tpu.memory_space<hbm>> -> memref<1x2500x128xi32, #tpu.memory_space<hbm>>
      %dma_start3A_637 = tpu.memref_squeeze %dma_start3A_636 : memref<1x2500x128xi32, #tpu.memory_space<hbm>> -> memref<2500x128xi32, #tpu.memory_space<hbm>>
      %dma_start3A_638 = arith.constant 0 : i32
      %dma_start3A_639 = tpu.memref_slice %dma_start3A_637[%mul3A_2, %dma_start3A_638] : memref<2500x128xi32, #tpu.memory_space<hbm>> -> memref<16x128xi32, #tpu.memory_space<hbm>>
      tpu.enqueue_dma source(%dma_start3A_639 : memref<16x128xi32, #tpu.memory_space<hbm>>) target(%dma_start3A_633 : memref<16x128xi32, #tpu.memory_space<vmem>>) target_semaphore(%run_scoped3A_619 : memref<!tpu.dma_semaphore, #tpu.memory_space<semaphore_mem>>)
      %dma_wait3A_640 = arith.constant 0 : i32
      %dma_wait3A_641 = arith.constant 0 : i32
      %dma_wait3A_642 = tpu.memref_slice %arg5[%run_scoped3A_3, %dma_wait3A_640, %dma_wait3A_641] : memref<2x16x128xi32, #tpu.memory_space<vmem>> -> memref<1x16x128xi32, #tpu.memory_space<vmem>>
      %dma_wait3A_643 = tpu.memref_squeeze %dma_wait3A_642 : memref<1x16x128xi32, #tpu.memory_space<vmem>> -> memref<16x128xi32, #tpu.memory_space<vmem>>
      %dma_wait3A_644 = arith.constant 0 : i32
      %dma_wait3A_645 = arith.constant 0 : i32
      %dma_wait3A_646 = tpu.memref_slice %arg2[%run_scoped3A, %dma_wait3A_644, %dma_wait3A_645] : memref<2x2500x128xi32, #tpu.memory_space<hbm>> -> memref<1x2500x128xi32, #tpu.memory_space<hbm>>
      %dma_wait3A_647 = tpu.memref_squeeze %dma_wait3A_646 : memref<1x2500x128xi32, #tpu.memory_space<hbm>> -> memref<2500x128xi32, #tpu.memory_space<hbm>>
      %dma_wait3A_648 = arith.constant 0 : i32
      %dma_wait3A_649 = tpu.memref_slice %dma_wait3A_647[%mul3A_2, %dma_wait3A_648] : memref<2500x128xi32, #tpu.memory_space<hbm>> -> memref<16x128xi32, #tpu.memory_space<hbm>>
      %dma_wait3A_650 = arith.constant 0 : i32
      %dma_wait3A_651 = arith.constant 0 : i32
      %dma_wait3A_652 = tpu.memref_slice %arg5[%run_scoped3A_3, %dma_wait3A_650, %dma_wait3A_651] : memref<2x16x128xi32, #tpu.memory_space<vmem>> -> memref<1x16x128xi32, #tpu.memory_space<vmem>>
      %dma_wait3A_653 = tpu.memref_squeeze %dma_wait3A_652 : memref<1x16x128xi32, #tpu.memory_space<vmem>> -> memref<16x128xi32, #tpu.memory_space<vmem>>
      %dma_wait3A_654 = arith.constant 0 : i32
      %dma_wait3A_655 = arith.constant 0 : i32
      %dma_wait3A_656 = tpu.memref_slice %arg2[%run_scoped3A, %dma_wait3A_654, %dma_wait3A_655] : memref<2x2500x128xi32, #tpu.memory_space<hbm>> -> memref<1x2500x128xi32, #tpu.memory_space<hbm>>
      %dma_wait3A_657 = tpu.memref_squeeze %dma_wait3A_656 : memref<1x2500x128xi32, #tpu.memory_space<hbm>> -> memref<2500x128xi32, #tpu.memory_space<hbm>>
      %dma_wait3A_658 = arith.constant 0 : i32
      %dma_wait3A_659 = tpu.memref_slice %dma_wait3A_657[%mul3A_2, %dma_wait3A_658] : memref<2500x128xi32, #tpu.memory_space<hbm>> -> memref<16x128xi32, #tpu.memory_space<hbm>>
      tpu.wait_dma2 semaphore(%run_scoped3A_619 : memref<!tpu.dma_semaphore, #tpu.memory_space<semaphore_mem>>) src(%dma_wait3A_659 : memref<16x128xi32, #tpu.memory_space<hbm>>) dst(%dma_wait3A_653 : memref<16x128xi32, #tpu.memory_space<vmem>>)
      tpu.yield
    }) : () -> ()
    %run_scoped3A_4 = arith.constant 1 : i32
    %run_scoped3A_5 = arith.constant 0 : i32
    "tpu.region"() ({
      %run_scoped3A_619 = tpu.sem_alloc : memref<!tpu.dma_semaphore, #tpu.memory_space<semaphore_mem>>
      %dma_start3A_620 = arith.constant 0 : i32
      %dma_start3A_621 = arith.constant 0 : i32
      %dma_start3A_622 = tpu.memref_slice %arg6[%run_scoped3A_5, %dma_start3A_620, %dma_start3A_621] : memref<2x16x128xi32, #tpu.memory_space<vmem>> -> memref<1x16x128xi32, #tpu.memory_space<vmem>>
      %dma_start3A_623 = tpu.memref_squeeze %dma_start3A_622 : memref<1x16x128xi32, #tpu.memory_space<vmem>> -> memref<16x128xi32, #tpu.memory_space<vmem>>
      %dma_start3A_624 = arith.constant 0 : i32
      %dma_start3A_625 = arith.constant 0 : i32
      %dma_start3A_626 = tpu.memref_slice %arg2[%run_scoped3A_4, %dma_start3A_624, %dma_start3A_625] : memref<2x2500x128xi32, #tpu.memory_space<hbm>> -> memref<1x2500x128xi32, #tpu.memory_space<hbm>>
      %dma_start3A_627 = tpu.memref_squeeze %dma_start3A_626 : memref<1x2500x128xi32, #tpu.memory_space<hbm>> -> memref<2500x128xi32, #tpu.memory_space<hbm>>
      %dma_start3A_628 = arith.constant 0 : i32
      %dma_start3A_629 = tpu.memref_slice %dma_start3A_627[%mul3A_2, %dma_start3A_628] : memref<2500x128xi32, #tpu.memory_space<hbm>> -> memref<16x128xi32, #tpu.memory_space<hbm>>
      %dma_start3A_630 = arith.constant 0 : i32
      %dma_start3A_631 = arith.constant 0 : i32
      %dma_start3A_632 = tpu.memref_slice %arg6[%run_scoped3A_5, %dma_start3A_630, %dma_start3A_631] : memref<2x16x128xi32, #tpu.memory_space<vmem>> -> memref<1x16x128xi32, #tpu.memory_space<vmem>>
      %dma_start3A_633 = tpu.memref_squeeze %dma_start3A_632 : memref<1x16x128xi32, #tpu.memory_space<vmem>> -> memref<16x128xi32, #tpu.memory_space<vmem>>
      %dma_start3A_634 = arith.constant 0 : i32
      %dma_start3A_635 = arith.constant 0 : i32
      %dma_start3A_636 = tpu.memref_slice %arg2[%run_scoped3A_4, %dma_start3A_634, %dma_start3A_635] : memref<2x2500x128xi32, #tpu.memory_space<hbm>> -> memref<1x2500x128xi32, #tpu.memory_space<hbm>>
      %dma_start3A_637 = tpu.memref_squeeze %dma_start3A_636 : memref<1x2500x128xi32, #tpu.memory_space<hbm>> -> memref<2500x128xi32, #tpu.memory_space<hbm>>
      %dma_start3A_638 = arith.constant 0 : i32
      %dma_start3A_639 = tpu.memref_slice %dma_start3A_637[%mul3A_2, %dma_start3A_638] : memref<2500x128xi32, #tpu.memory_space<hbm>> -> memref<16x128xi32, #tpu.memory_space<hbm>>
      tpu.enqueue_dma source(%dma_start3A_639 : memref<16x128xi32, #tpu.memory_space<hbm>>) target(%dma_start3A_633 : memref<16x128xi32, #tpu.memory_space<vmem>>) target_semaphore(%run_scoped3A_619 : memref<!tpu.dma_semaphore, #tpu.memory_space<semaphore_mem>>)
      %dma_wait3A_640 = arith.constant 0 : i32
      %dma_wait3A_641 = arith.constant 0 : i32
      %dma_wait3A_642 = tpu.memref_slice %arg6[%run_scoped3A_5, %dma_wait3A_640, %dma_wait3A_641] : memref<2x16x128xi32, #tpu.memory_space<vmem>> -> memref<1x16x128xi32, #tpu.memory_space<vmem>>
      %dma_wait3A_643 = tpu.memref_squeeze %dma_wait3A_642 : memref<1x16x128xi32, #tpu.memory_space<vmem>> -> memref<16x128xi32, #tpu.memory_space<vmem>>
      %dma_wait3A_644 = arith.constant 0 : i32
      %dma_wait3A_645 = arith.constant 0 : i32
      %dma_wait3A_646 = tpu.memref_slice %arg2[%run_scoped3A_4, %dma_wait3A_644, %dma_wait3A_645] : memref<2x2500x128xi32, #tpu.memory_space<hbm>> -> memref<1x2500x128xi32, #tpu.memory_space<hbm>>
      %dma_wait3A_647 = tpu.memref_squeeze %dma_wait3A_646 : memref<1x2500x128xi32, #tpu.memory_space<hbm>> -> memref<2500x128xi32, #tpu.memory_space<hbm>>
      %dma_wait3A_648 = arith.constant 0 : i32
      %dma_wait3A_649 = tpu.memref_slice %dma_wait3A_647[%mul3A_2, %dma_wait3A_648] : memref<2500x128xi32, #tpu.memory_space<hbm>> -> memref<16x128xi32, #tpu.memory_space<hbm>>
      %dma_wait3A_650 = arith.constant 0 : i32
      %dma_wait3A_651 = arith.constant 0 : i32
      %dma_wait3A_652 = tpu.memref_slice %arg6[%run_scoped3A_5, %dma_wait3A_650, %dma_wait3A_651] : memref<2x16x128xi32, #tpu.memory_space<vmem>> -> memref<1x16x128xi32, #tpu.memory_space<vmem>>
      %dma_wait3A_653 = tpu.memref_squeeze %dma_wait3A_652 : memref<1x16x128xi32, #tpu.memory_space<vmem>> -> memref<16x128xi32, #tpu.memory_space<vmem>>
      %dma_wait3A_654 = arith.constant 0 : i32
      %dma_wait3A_655 = arith.constant 0 : i32
      %dma_wait3A_656 = tpu.memref_slice %arg2[%run_scoped3A_4, %dma_wait3A_654, %dma_wait3A_655] : memref<2x2500x128xi32, #tpu.memory_space<hbm>> -> memref<1x2500x128xi32, #tpu.memory_space<hbm>>
      %dma_wait3A_657 = tpu.memref_squeeze %dma_wait3A_656 : memref<1x2500x128xi32, #tpu.memory_space<hbm>> -> memref<2500x128xi32, #tpu.memory_space<hbm>>
      %dma_wait3A_658 = arith.constant 0 : i32
      %dma_wait3A_659 = tpu.memref_slice %dma_wait3A_657[%mul3A_2, %dma_wait3A_658] : memref<2500x128xi32, #tpu.memory_space<hbm>> -> memref<16x128xi32, #tpu.memory_space<hbm>>
      tpu.wait_dma2 semaphore(%run_scoped3A_619 : memref<!tpu.dma_semaphore, #tpu.memory_space<semaphore_mem>>) src(%dma_wait3A_659 : memref<16x128xi32, #tpu.memory_space<hbm>>) dst(%dma_wait3A_653 : memref<16x128xi32, #tpu.memory_space<vmem>>)
      tpu.yield
    }) : () -> ()
    %dma_start3A = arith.constant 0 : i32
    %dma_start3A_6 = arith.constant 0 : i32
    %dma_start3A_7 = arith.constant 0 : i32
    %dma_start3A_8 = tpu.memref_slice %arg5[%dma_start3A, %dma_start3A_6, %dma_start3A_7] : memref<2x16x128xi32, #tpu.memory_space<vmem>> -> memref<1x1x128xi32, #tpu.memory_space<vmem>>
    %dma_start3A_9 = tpu.memref_squeeze %dma_start3A_8 : memref<1x1x128xi32, #tpu.memory_space<vmem>> -> memref<128xi32, #tpu.memory_space<vmem>>
    %dma_start3A_10 = arith.constant 0 : i32
    %dma_start3A_11 = arith.constant 0 : i32
    %dma_start3A_12 = tpu.memref_slice %arg3[%dma_start3A_10, %dma_start3A_11] : memref<10000x128xf32, #tpu.memory_space<hbm>> -> memref<10000x128xf32, #tpu.memory_space<hbm>>
    tpu.enqueue_indirect_dma source(%dma_start3A_12 : memref<10000x128xf32, #tpu.memory_space<hbm>>) target(%arg7 : memref<128x128xf32, #tpu.memory_space<vmem>>) offsets(%dma_start3A_9 : memref<128xi32, #tpu.memory_space<vmem>>) semaphore(%arg10 : memref<!tpu.dma_semaphore, #tpu.memory_space<semaphore_mem>>)
    %scan3A = arith.constant 0 : i32
    %scan3A_13 = arith.constant 128 : i32
    %scan3A_14 = arith.addi %scan3A, %scan3A_13 : i32
    %scan3A_15 = arith.constant 1 : i32
    scf.for %scan3A_619 = %scan3A to %scan3A_14 step %scan3A_15  : i32 {
      %mul3A_620 = arith.constant 1 : i32
      %mul3A_621 = arith.muli %scan3A_619, %mul3A_620 : i32
      %add3A_622 = arith.constant 0 : i32
      %add3A_623 = arith.addi %add3A_622, %mul3A_621 : i32
      %broadcast_in_dim3A = arith.constant 0.000000e+00 : f32
      %broadcast_in_dim3A_624 = vector.broadcast %broadcast_in_dim3A : f32 to vector<16xf32>
      %swap3A = arith.index_cast %add3A_623 : i32 to index
      %swap3A_625 = arith.constant 0 : index
      %swap3A_626 = tpu.vector_load %arg8[%swap3A, %swap3A_625] {strides = array<i32>} : memref<128x128xf32, #tpu.memory_space<vmem>>, vector<1x16xf32>,
      %swap3A_627 = vector.shape_cast %swap3A_626 : vector<1x16xf32> to vector<16xf32>
      %swap3A_628 = vector.shape_cast %broadcast_in_dim3A_624 : vector<16xf32> to vector<1x16xf32>
      tpu.vector_store %arg8[%swap3A, %swap3A_625], %swap3A_628 {strides = array<i32>} : memref<128x128xf32, #tpu.memory_space<vmem>>, vector<1x16xf32>,
      %broadcast_in_dim3A_629 = arith.constant 0.000000e+00 : f32
      %broadcast_in_dim3A_630 = vector.broadcast %broadcast_in_dim3A_629 : f32 to vector<16xf32>
      %swap3A_631 = arith.index_cast %add3A_623 : i32 to index
      %swap3A_632 = arith.constant 16 : index
      %swap3A_633 = tpu.vector_load %arg8[%swap3A_631, %swap3A_632] {strides = array<i32>} : memref<128x128xf32, #tpu.memory_space<vmem>>, vector<1x16xf32>,
      %swap3A_634 = vector.shape_cast %swap3A_633 : vector<1x16xf32> to vector<16xf32>
      %swap3A_635 = vector.shape_cast %broadcast_in_dim3A_630 : vector<16xf32> to vector<1x16xf32>
      tpu.vector_store %arg8[%swap3A_631, %swap3A_632], %swap3A_635 {strides = array<i32>} : memref<128x128xf32, #tpu.memory_space<vmem>>, vector<1x16xf32>,
      %broadcast_in_dim3A_636 = arith.constant 0.000000e+00 : f32
      %broadcast_in_dim3A_637 = vector.broadcast %broadcast_in_dim3A_636 : f32 to vector<16xf32>
      %swap3A_638 = arith.index_cast %add3A_623 : i32 to index
      %swap3A_639 = arith.constant 32 : index
      %swap3A_640 = tpu.vector_load %arg8[%swap3A_638, %swap3A_639] {strides = array<i32>} : memref<128x128xf32, #tpu.memory_space<vmem>>, vector<1x16xf32>,
      %swap3A_641 = vector.shape_cast %swap3A_640 : vector<1x16xf32> to vector<16xf32>
      %swap3A_642 = vector.shape_cast %broadcast_in_dim3A_637 : vector<16xf32> to vector<1x16xf32>
      tpu.vector_store %arg8[%swap3A_638, %swap3A_639], %swap3A_642 {strides = array<i32>} : memref<128x128xf32, #tpu.memory_space<vmem>>, vector<1x16xf32>,
      %broadcast_in_dim3A_643 = arith.constant 0.000000e+00 : f32
      %broadcast_in_dim3A_644 = vector.broadcast %broadcast_in_dim3A_643 : f32 to vector<16xf32>
      %swap3A_645 = arith.index_cast %add3A_623 : i32 to index
      %swap3A_646 = arith.constant 48 : index
      %swap3A_647 = tpu.vector_load %arg8[%swap3A_645, %swap3A_646] {strides = array<i32>} : memref<128x128xf32, #tpu.memory_space<vmem>>, vector<1x16xf32>,
      %swap3A_648 = vector.shape_cast %swap3A_647 : vector<1x16xf32> to vector<16xf32>
      %swap3A_649 = vector.shape_cast %broadcast_in_dim3A_644 : vector<16xf32> to vector<1x16xf32>
      tpu.vector_store %arg8[%swap3A_645, %swap3A_646], %swap3A_649 {strides = array<i32>} : memref<128x128xf32, #tpu.memory_space<vmem>>, vector<1x16xf32>,
      %broadcast_in_dim3A_650 = arith.constant 0.000000e+00 : f32
      %broadcast_in_dim3A_651 = vector.broadcast %broadcast_in_dim3A_650 : f32 to vector<16xf32>
      %swap3A_652 = arith.index_cast %add3A_623 : i32 to index
      %swap3A_653 = arith.constant 64 : index
      %swap3A_654 = tpu.vector_load %arg8[%swap3A_652, %swap3A_653] {strides = array<i32>} : memref<128x128xf32, #tpu.memory_space<vmem>>, vector<1x16xf32>,
      %swap3A_655 = vector.shape_cast %swap3A_654 : vector<1x16xf32> to vector<16xf32>
      %swap3A_656 = vector.shape_cast %broadcast_in_dim3A_651 : vector<16xf32> to vector<1x16xf32>
      tpu.vector_store %arg8[%swap3A_652, %swap3A_653], %swap3A_656 {strides = array<i32>} : memref<128x128xf32, #tpu.memory_space<vmem>>, vector<1x16xf32>,
      %broadcast_in_dim3A_657 = arith.constant 0.000000e+00 : f32
      %broadcast_in_dim3A_658 = vector.broadcast %broadcast_in_dim3A_657 : f32 to vector<16xf32>
      %swap3A_659 = arith.index_cast %add3A_623 : i32 to index
      %swap3A_660 = arith.constant 80 : index
      %swap3A_661 = tpu.vector_load %arg8[%swap3A_659, %swap3A_660] {strides = array<i32>} : memref<128x128xf32, #tpu.memory_space<vmem>>, vector<1x16xf32>,
      %swap3A_662 = vector.shape_cast %swap3A_661 : vector<1x16xf32> to vector<16xf32>
      %swap3A_663 = vector.shape_cast %broadcast_in_dim3A_658 : vector<16xf32> to vector<1x16xf32>
      tpu.vector_store %arg8[%swap3A_659, %swap3A_660], %swap3A_663 {strides = array<i32>} : memref<128x128xf32, #tpu.memory_space<vmem>>, vector<1x16xf32>,
      %broadcast_in_dim3A_664 = arith.constant 0.000000e+00 : f32
      %broadcast_in_dim3A_665 = vector.broadcast %broadcast_in_dim3A_664 : f32 to vector<16xf32>
      %swap3A_666 = arith.index_cast %add3A_623 : i32 to index
      %swap3A_667 = arith.constant 96 : index
      %swap3A_668 = tpu.vector_load %arg8[%swap3A_666, %swap3A_667] {strides = array<i32>} : memref<128x128xf32, #tpu.memory_space<vmem>>, vector<1x16xf32>,
      %swap3A_669 = vector.shape_cast %swap3A_668 : vector<1x16xf32> to vector<16xf32>
      %swap3A_670 = vector.shape_cast %broadcast_in_dim3A_665 : vector<16xf32> to vector<1x16xf32>
      tpu.vector_store %arg8[%swap3A_666, %swap3A_667], %swap3A_670 {strides = array<i32>} : memref<128x128xf32, #tpu.memory_space<vmem>>, vector<1x16xf32>,
      %broadcast_in_dim3A_671 = arith.constant 0.000000e+00 : f32
      %broadcast_in_dim3A_672 = vector.broadcast %broadcast_in_dim3A_671 : f32 to vector<16xf32>
      %swap3A_673 = arith.index_cast %add3A_623 : i32 to index
      %swap3A_674 = arith.constant 112 : index
      %swap3A_675 = tpu.vector_load %arg8[%swap3A_673, %swap3A_674] {strides = array<i32>} : memref<128x128xf32, #tpu.memory_space<vmem>>, vector<1x16xf32>,
      %swap3A_676 = vector.shape_cast %swap3A_675 : vector<1x16xf32> to vector<16xf32>
      %swap3A_677 = vector.shape_cast %broadcast_in_dim3A_672 : vector<16xf32> to vector<1x16xf32>
      tpu.vector_store %arg8[%swap3A_673, %swap3A_674], %swap3A_677 {strides = array<i32>} : memref<128x128xf32, #tpu.memory_space<vmem>>, vector<1x16xf32>,
    }
    %scan3A_16 = arith.constant 128 : i32
    %mul3A_17 = arith.constant 632 : i32
    %mul3A_18 = arith.muli %arg1, %mul3A_17 : i32
    %add3A_19 = arith.constant 0 : i32
    %add3A_20 = arith.addi %mul3A_18, %add3A_19 : i32
    "tpu.region"() ({
      %run_scoped3A_619 = tpu.sem_alloc : memref<!tpu.dma_semaphore, #tpu.memory_space<semaphore_mem>>
      %dma_start3A_620 = arith.constant 0 : i32
      %dma_start3A_621 = tpu.memref_slice %arg9[%add3A_20, %dma_start3A_620] : memref<10112x128xf32, #tpu.memory_space<vmem_shared>> -> memref<128x128xf32, #tpu.memory_space<vmem_shared>>
      %dma_start3A_622 = arith.constant 0 : i32
      %dma_start3A_623 = tpu.memref_slice %arg9[%add3A_20, %dma_start3A_622] : memref<10112x128xf32, #tpu.memory_space<vmem_shared>> -> memref<128x128xf32, #tpu.memory_space<vmem_shared>>
      tpu.enqueue_dma source(%arg8 : memref<128x128xf32, #tpu.memory_space<vmem>>) target(%dma_start3A_623 : memref<128x128xf32, #tpu.memory_space<vmem_shared>>) target_semaphore(%run_scoped3A_619 : memref<!tpu.dma_semaphore, #tpu.memory_space<semaphore_mem>>)
      %dma_wait3A_624 = arith.constant 0 : i32
      %dma_wait3A_625 = tpu.memref_slice %arg9[%add3A_20, %dma_wait3A_624] : memref<10112x128xf32, #tpu.memory_space<vmem_shared>> -> memref<128x128xf32, #tpu.memory_space<vmem_shared>>
      %dma_wait3A_626 = arith.constant 0 : i32
      %dma_wait3A_627 = tpu.memref_slice %arg9[%add3A_20, %dma_wait3A_626] : memref<10112x128xf32, #tpu.memory_space<vmem_shared>> -> memref<128x128xf32, #tpu.memory_space<vmem_shared>>
      tpu.wait_dma2 semaphore(%run_scoped3A_619 : memref<!tpu.dma_semaphore, #tpu.memory_space<semaphore_mem>>) src(%arg8 : memref<128x128xf32, #tpu.memory_space<vmem>>) dst(%dma_wait3A_627 : memref<128x128xf32, #tpu.memory_space<vmem_shared>>)
      tpu.yield
    }) : () -> ()
    %add3A_21 = arith.constant 128 : i32
    %add3A_22 = arith.addi %mul3A_18, %add3A_21 : i32
    "tpu.region"() ({
      %run_scoped3A_619 = tpu.sem_alloc : memref<!tpu.dma_semaphore, #tpu.memory_space<semaphore_mem>>
      %dma_start3A_620 = arith.constant 0 : i32
      %dma_start3A_621 = tpu.memref_slice %arg9[%add3A_22, %dma_start3A_620] : memref<10112x128xf32, #tpu.memory_space<vmem_shared>> -> memref<128x128xf32, #tpu.memory_space<vmem_shared>>
      %dma_start3A_622 = arith.constant 0 : i32
      %dma_start3A_623 = tpu.memref_slice %arg9[%add3A_22, %dma_start3A_622] : memref<10112x128xf32, #tpu.memory_space<vmem_shared>> -> memref<128x128xf32, #tpu.memory_space<vmem_shared>>
      tpu.enqueue_dma source(%arg8 : memref<128x128xf32, #tpu.memory_space<vmem>>) target(%dma_start3A_623 : memref<128x128xf32, #tpu.memory_space<vmem_shared>>) target_semaphore(%run_scoped3A_619 : memref<!tpu.dma_semaphore, #tpu.memory_space<semaphore_mem>>)
      %dma_wait3A_624 = arith.constant 0 : i32
      %dma_wait3A_625 = tpu.memref_slice %arg9[%add3A_22, %dma_wait3A_624] : memref<10112x128xf32, #tpu.memory_space<vmem_shared>> -> memref<128x128xf32, #tpu.memory_space<vmem_shared>>
      %dma_wait3A_626 = arith.constant 0 : i32
      %dma_wait3A_627 = tpu.memref_slice %arg9[%add3A_22, %dma_wait3A_626] : memref<10112x128xf32, #tpu.memory_space<vmem_shared>> -> memref<128x128xf32, #tpu.memory_space<vmem_shared>>
      tpu.wait_dma2 semaphore(%run_scoped3A_619 : memref<!tpu.dma_semaphore, #tpu.memory_space<semaphore_mem>>) src(%arg8 : memref<128x128xf32, #tpu.memory_space<vmem>>) dst(%dma_wait3A_627 : memref<128x128xf32, #tpu.memory_space<vmem_shared>>)
      tpu.yield
    }) : () -> ()
    %add3A_23 = arith.constant 256 : i32
    %add3A_24 = arith.addi %mul3A_18, %add3A_23 : i32
    "tpu.region"() ({
      %run_scoped3A_619 = tpu.sem_alloc : memref<!tpu.dma_semaphore, #tpu.memory_space<semaphore_mem>>
      %dma_start3A_620 = arith.constant 0 : i32
      %dma_start3A_621 = tpu.memref_slice %arg9[%add3A_24, %dma_start3A_620] : memref<10112x128xf32, #tpu.memory_space<vmem_shared>> -> memref<128x128xf32, #tpu.memory_space<vmem_shared>>
      %dma_start3A_622 = arith.constant 0 : i32
      %dma_start3A_623 = tpu.memref_slice %arg9[%add3A_24, %dma_start3A_622] : memref<10112x128xf32, #tpu.memory_space<vmem_shared>> -> memref<128x128xf32, #tpu.memory_space<vmem_shared>>
      tpu.enqueue_dma source(%arg8 : memref<128x128xf32, #tpu.memory_space<vmem>>) target(%dma_start3A_623 : memref<128x128xf32, #tpu.memory_space<vmem_shared>>) target_semaphore(%run_scoped3A_619 : memref<!tpu.dma_semaphore, #tpu.memory_space<semaphore_mem>>)
      %dma_wait3A_624 = arith.constant 0 : i32
      %dma_wait3A_625 = tpu.memref_slice %arg9[%add3A_24, %dma_wait3A_624] : memref<10112x128xf32, #tpu.memory_space<vmem_shared>> -> memref<128x128xf32, #tpu.memory_space<vmem_shared>>
      %dma_wait3A_626 = arith.constant 0 : i32
      %dma_wait3A_627 = tpu.memref_slice %arg9[%add3A_24, %dma_wait3A_626] : memref<10112x128xf32, #tpu.memory_space<vmem_shared>> -> memref<128x128xf32, #tpu.memory_space<vmem_shared>>
      tpu.wait_dma2 semaphore(%run_scoped3A_619 : memref<!tpu.dma_semaphore, #tpu.memory_space<semaphore_mem>>) src(%arg8 : memref<128x128xf32, #tpu.memory_space<vmem>>) dst(%dma_wait3A_627 : memref<128x128xf32, #tpu.memory_space<vmem_shared>>)
      tpu.yield
    }) : () -> ()
    %add3A_25 = arith.constant 384 : i32
    %add3A_26 = arith.addi %mul3A_18, %add3A_25 : i32
    "tpu.region"() ({
      %run_scoped3A_619 = tpu.sem_alloc : memref<!tpu.dma_semaphore, #tpu.memory_space<semaphore_mem>>
      %dma_start3A_620 = arith.constant 0 : i32
      %dma_start3A_621 = tpu.memref_slice %arg9[%add3A_26, %dma_start3A_620] : memref<10112x128xf32, #tpu.memory_space<vmem_shared>> -> memref<128x128xf32, #tpu.memory_space<vmem_shared>>
      %dma_start3A_622 = arith.constant 0 : i32
      %dma_start3A_623 = tpu.memref_slice %arg9[%add3A_26, %dma_start3A_622] : memref<10112x128xf32, #tpu.memory_space<vmem_shared>> -> memref<128x128xf32, #tpu.memory_space<vmem_shared>>
      tpu.enqueue_dma source(%arg8 : memref<128x128xf32, #tpu.memory_space<vmem>>) target(%dma_start3A_623 : memref<128x128xf32, #tpu.memory_space<vmem_shared>>) target_semaphore(%run_scoped3A_619 : memref<!tpu.dma_semaphore, #tpu.memory_space<semaphore_mem>>)
      %dma_wait3A_624 = arith.constant 0 : i32
      %dma_wait3A_625 = tpu.memref_slice %arg9[%add3A_26, %dma_wait3A_624] : memref<10112x128xf32, #tpu.memory_space<vmem_shared>> -> memref<128x128xf32, #tpu.memory_space<vmem_shared>>
      %dma_wait3A_626 = arith.constant 0 : i32
      %dma_wait3A_627 = tpu.memref_slice %arg9[%add3A_26, %dma_wait3A_626] : memref<10112x128xf32, #tpu.memory_space<vmem_shared>> -> memref<128x128xf32, #tpu.memory_space<vmem_shared>>
      tpu.wait_dma2 semaphore(%run_scoped3A_619 : memref<!tpu.dma_semaphore, #tpu.memory_space<semaphore_mem>>) src(%arg8 : memref<128x128xf32, #tpu.memory_space<vmem>>) dst(%dma_wait3A_627 : memref<128x128xf32, #tpu.memory_space<vmem_shared>>)
      tpu.yield
    }) : () -> ()
    %add3A_27 = arith.constant 512 : i32
    %add3A_28 = arith.addi %mul3A_18, %add3A_27 : i32
    "tpu.region"() ({
      %run_scoped3A_619 = tpu.sem_alloc : memref<!tpu.dma_semaphore, #tpu.memory_space<semaphore_mem>>
      %dma_start3A_620 = arith.constant 0 : i32
      %dma_start3A_621 = arith.constant 0 : i32
      %dma_start3A_622 = tpu.memref_slice %arg8[%dma_start3A_620, %dma_start3A_621] : memref<128x128xf32, #tpu.memory_space<vmem>> -> memref<120x128xf32, #tpu.memory_space<vmem>>
      %dma_start3A_623 = arith.constant 0 : i32
      %dma_start3A_624 = tpu.memref_slice %arg9[%add3A_28, %dma_start3A_623] : memref<10112x128xf32, #tpu.memory_space<vmem_shared>> -> memref<120x128xf32, #tpu.memory_space<vmem_shared>>
      %dma_start3A_625 = arith.constant 0 : i32
      %dma_start3A_626 = tpu.memref_slice %arg9[%add3A_28, %dma_start3A_625] : memref<10112x128xf32, #tpu.memory_space<vmem_shared>> -> memref<120x128xf32, #tpu.memory_space<vmem_shared>>
      %dma_start3A_627 = arith.constant 0 : i32
      %dma_start3A_628 = arith.constant 0 : i32
      %dma_start3A_629 = tpu.memref_slice %arg8[%dma_start3A_627, %dma_start3A_628] : memref<128x128xf32, #tpu.memory_space<vmem>> -> memref<120x128xf32, #tpu.memory_space<vmem>>
      tpu.enqueue_dma source(%dma_start3A_629 : memref<120x128xf32, #tpu.memory_space<vmem>>) target(%dma_start3A_626 : memref<120x128xf32, #tpu.memory_space<vmem_shared>>) target_semaphore(%run_scoped3A_619 : memref<!tpu.dma_semaphore, #tpu.memory_space<semaphore_mem>>)
      %dma_wait3A_630 = arith.constant 0 : i32
      %dma_wait3A_631 = arith.constant 0 : i32
      %dma_wait3A_632 = tpu.memref_slice %arg8[%dma_wait3A_630, %dma_wait3A_631] : memref<128x128xf32, #tpu.memory_space<vmem>> -> memref<120x128xf32, #tpu.memory_space<vmem>>
      %dma_wait3A_633 = arith.constant 0 : i32
      %dma_wait3A_634 = tpu.memref_slice %arg9[%add3A_28, %dma_wait3A_633] : memref<10112x128xf32, #tpu.memory_space<vmem_shared>> -> memref<120x128xf32, #tpu.memory_space<vmem_shared>>
      %dma_wait3A_635 = arith.constant 0 : i32
      %dma_wait3A_636 = tpu.memref_slice %arg9[%add3A_28, %dma_wait3A_635] : memref<10112x128xf32, #tpu.memory_space<vmem_shared>> -> memref<120x128xf32, #tpu.memory_space<vmem_shared>>
      %dma_wait3A_637 = arith.constant 0 : i32
      %dma_wait3A_638 = arith.constant 0 : i32
      %dma_wait3A_639 = tpu.memref_slice %arg8[%dma_wait3A_637, %dma_wait3A_638] : memref<128x128xf32, #tpu.memory_space<vmem>> -> memref<120x128xf32, #tpu.memory_space<vmem>>
      tpu.wait_dma2 semaphore(%run_scoped3A_619 : memref<!tpu.dma_semaphore, #tpu.memory_space<semaphore_mem>>) src(%dma_wait3A_639 : memref<120x128xf32, #tpu.memory_space<vmem>>) dst(%dma_wait3A_636 : memref<120x128xf32, #tpu.memory_space<vmem_shared>>)
      tpu.yield
    }) : () -> ()
    %barrier3A = arith.constant 0 : index
    tpu.barrier barrier_id(%barrier3A)
    %add3A_29 = arith.constant 16 : i32
    %add3A_30 = arith.addi %mul3A_2, %add3A_29 : i32
    %dma_start3A_31 = arith.constant 0 : i32
    %dma_start3A_32 = arith.constant 1 : i32
    %dma_start3A_33 = arith.constant 0 : i32
    %dma_start3A_34 = arith.constant 0 : i32
    %dma_start3A_35 = tpu.memref_slice %arg5[%dma_start3A_32, %dma_start3A_33, %dma_start3A_34] : memref<2x16x128xi32, #tpu.memory_space<vmem>> -> memref<1x16x128xi32, #tpu.memory_space<vmem>>
    %dma_start3A_36 = tpu.memref_squeeze %dma_start3A_35 : memref<1x16x128xi32, #tpu.memory_space<vmem>> -> memref<16x128xi32, #tpu.memory_space<vmem>>
    %dma_start3A_37 = arith.constant 0 : i32
    %dma_start3A_38 = arith.constant 0 : i32
    %dma_start3A_39 = tpu.memref_slice %arg2[%dma_start3A_31, %dma_start3A_37, %dma_start3A_38] : memref<2x2500x128xi32, #tpu.memory_space<hbm>> -> memref<1x2500x128xi32, #tpu.memory_space<hbm>>
    %dma_start3A_40 = tpu.memref_squeeze %dma_start3A_39 : memref<1x2500x128xi32, #tpu.memory_space<hbm>> -> memref<2500x128xi32, #tpu.memory_space<hbm>>
    %dma_start3A_41 = arith.constant 0 : i32
    %dma_start3A_42 = tpu.memref_slice %dma_start3A_40[%add3A_30, %dma_start3A_41] : memref<2500x128xi32, #tpu.memory_space<hbm>> -> memref<16x128xi32, #tpu.memory_space<hbm>>
    %dma_start3A_43 = arith.constant 0 : i32
    %dma_start3A_44 = arith.constant 0 : i32
    %dma_start3A_45 = tpu.memref_slice %arg5[%dma_start3A_32, %dma_start3A_43, %dma_start3A_44] : memref<2x16x128xi32, #tpu.memory_space<vmem>> -> memref<1x16x128xi32, #tpu.memory_space<vmem>>
    %dma_start3A_46 = tpu.memref_squeeze %dma_start3A_45 : memref<1x16x128xi32, #tpu.memory_space<vmem>> -> memref<16x128xi32, #tpu.memory_space<vmem>>
    %dma_start3A_47 = arith.constant 0 : i32
    %dma_start3A_48 = arith.constant 0 : i32
    %dma_start3A_49 = tpu.memref_slice %arg2[%dma_start3A_31, %dma_start3A_47, %dma_start3A_48] : memref<2x2500x128xi32, #tpu.memory_space<hbm>> -> memref<1x2500x128xi32, #tpu.memory_space<hbm>>
    %dma_start3A_50 = tpu.memref_squeeze %dma_start3A_49 : memref<1x2500x128xi32, #tpu.memory_space<hbm>> -> memref<2500x128xi32, #tpu.memory_space<hbm>>
    %dma_start3A_51 = arith.constant 0 : i32
    %dma_start3A_52 = tpu.memref_slice %dma_start3A_50[%add3A_30, %dma_start3A_51] : memref<2500x128xi32, #tpu.memory_space<hbm>> -> memref<16x128xi32, #tpu.memory_space<hbm>>
    tpu.enqueue_dma source(%dma_start3A_52 : memref<16x128xi32, #tpu.memory_space<hbm>>) target(%dma_start3A_46 : memref<16x128xi32, #tpu.memory_space<vmem>>) target_semaphore(%arg12 : memref<!tpu.dma_semaphore, #tpu.memory_space<semaphore_mem>>)
    %add3A_53 = arith.constant 16 : i32
    %add3A_54 = arith.addi %mul3A_2, %add3A_53 : i32
    %dma_start3A_55 = arith.constant 1 : i32
    %dma_start3A_56 = arith.constant 1 : i32
    %dma_start3A_57 = arith.constant 0 : i32
    %dma_start3A_58 = arith.constant 0 : i32
    %dma_start3A_59 = tpu.memref_slice %arg6[%dma_start3A_56, %dma_start3A_57, %dma_start3A_58] : memref<2x16x128xi32, #tpu.memory_space<vmem>> -> memref<1x16x128xi32, #tpu.memory_space<vmem>>
    %dma_start3A_60 = tpu.memref_squeeze %dma_start3A_59 : memref<1x16x128xi32, #tpu.memory_space<vmem>> -> memref<16x128xi32, #tpu.memory_space<vmem>>
    %dma_start3A_61 = arith.constant 0 : i32
    %dma_start3A_62 = arith.constant 0 : i32
    %dma_start3A_63 = tpu.memref_slice %arg2[%dma_start3A_55, %dma_start3A_61, %dma_start3A_62] : memref<2x2500x128xi32, #tpu.memory_space<hbm>> -> memref<1x2500x128xi32, #tpu.memory_space<hbm>>
    %dma_start3A_64 = tpu.memref_squeeze %dma_start3A_63 : memref<1x2500x128xi32, #tpu.memory_space<hbm>> -> memref<2500x128xi32, #tpu.memory_space<hbm>>
    %dma_start3A_65 = arith.constant 0 : i32
    %dma_start3A_66 = tpu.memref_slice %dma_start3A_64[%add3A_54, %dma_start3A_65] : memref<2500x128xi32, #tpu.memory_space<hbm>> -> memref<16x128xi32, #tpu.memory_space<hbm>>
    %dma_start3A_67 = arith.constant 0 : i32
    %dma_start3A_68 = arith.constant 0 : i32
    %dma_start3A_69 = tpu.memref_slice %arg6[%dma_start3A_56, %dma_start3A_67, %dma_start3A_68] : memref<2x16x128xi32, #tpu.memory_space<vmem>> -> memref<1x16x128xi32, #tpu.memory_space<vmem>>
    %dma_start3A_70 = tpu.memref_squeeze %dma_start3A_69 : memref<1x16x128xi32, #tpu.memory_space<vmem>> -> memref<16x128xi32, #tpu.memory_space<vmem>>
    %dma_start3A_71 = arith.constant 0 : i32
    %dma_start3A_72 = arith.constant 0 : i32
    %dma_start3A_73 = tpu.memref_slice %arg2[%dma_start3A_55, %dma_start3A_71, %dma_start3A_72] : memref<2x2500x128xi32, #tpu.memory_space<hbm>> -> memref<1x2500x128xi32, #tpu.memory_space<hbm>>
    %dma_start3A_74 = tpu.memref_squeeze %dma_start3A_73 : memref<1x2500x128xi32, #tpu.memory_space<hbm>> -> memref<2500x128xi32, #tpu.memory_space<hbm>>
    %dma_start3A_75 = arith.constant 0 : i32
    %dma_start3A_76 = tpu.memref_slice %dma_start3A_74[%add3A_54, %dma_start3A_75] : memref<2500x128xi32, #tpu.memory_space<hbm>> -> memref<16x128xi32, #tpu.memory_space<hbm>>
    tpu.enqueue_dma source(%dma_start3A_76 : memref<16x128xi32, #tpu.memory_space<hbm>>) target(%dma_start3A_70 : memref<16x128xi32, #tpu.memory_space<vmem>>) target_semaphore(%arg12 : memref<!tpu.dma_semaphore, #tpu.memory_space<semaphore_mem>>)
    %scan3A_77 = arith.constant 0 : i32
    %scan3A_78 = arith.constant 0 : i32
    %scan3A_79 = arith.constant 0 : i32
    %scan3A_80 = arith.constant 8 : i32
    %scan3A_81 = arith.addi %scan3A_79, %scan3A_80 : i32
    %scan3A_82 = arith.constant 1 : i32
    scf.for %scan3A_619 = %scan3A_79 to %scan3A_81 step %scan3A_82  : i32 {
      %mul3A_620 = arith.constant 1 : i32
      %mul3A_621 = arith.muli %scan3A_619, %mul3A_620 : i32
      %add3A_622 = arith.constant 0 : i32
      %add3A_623 = arith.addi %add3A_622, %mul3A_621 : i32
      %mul3A_624 = arith.constant 2 : i32
      %mul3A_625 = arith.muli %add3A_623, %mul3A_624 : i32
      %add3A_626 = arith.constant 1 : i32
      %add3A_627 = arith.addi %mul3A_625, %add3A_626 : i32
      %dma_start3A_628 = arith.constant 0 : i32
      %dma_start3A_629 = arith.constant 0 : i32
      %dma_start3A_630 = tpu.memref_slice %arg5[%scan3A_77, %dma_start3A_628, %dma_start3A_629] : memref<2x16x128xi32, #tpu.memory_space<vmem>> -> memref<1x16x128xi32, #tpu.memory_space<vmem>>
      %dma_start3A_631 = tpu.memref_squeeze %dma_start3A_630 : memref<1x16x128xi32, #tpu.memory_space<vmem>> -> memref<16x128xi32, #tpu.memory_space<vmem>>
      %dma_start3A_632 = arith.constant 0 : i32
      %dma_start3A_633 = tpu.memref_slice %dma_start3A_631[%add3A_627, %dma_start3A_632] : memref<16x128xi32, #tpu.memory_space<vmem>> -> memref<1x128xi32, #tpu.memory_space<vmem>>
      %dma_start3A_634 = tpu.memref_squeeze %dma_start3A_633 : memref<1x128xi32, #tpu.memory_space<vmem>> -> memref<128xi32, #tpu.memory_space<vmem>>
      %dma_start3A_635 = arith.constant 0 : i32
      %dma_start3A_636 = arith.constant 0 : i32
      %dma_start3A_637 = tpu.memref_slice %arg3[%dma_start3A_635, %dma_start3A_636] : memref<10000x128xf32, #tpu.memory_space<hbm>> -> memref<10000x128xf32, #tpu.memory_space<hbm>>
      tpu.enqueue_indirect_dma source(%dma_start3A_637 : memref<10000x128xf32, #tpu.memory_space<hbm>>) target(%arg8 : memref<128x128xf32, #tpu.memory_space<vmem>>) offsets(%dma_start3A_634 : memref<128xi32, #tpu.memory_space<vmem>>) semaphore(%arg11 : memref<!tpu.dma_semaphore, #tpu.memory_space<semaphore_mem>>)
      %dma_wait3A_638 = arith.constant 0 : i32
      %dma_wait3A_639 = arith.constant 0 : i32
      %dma_wait3A_640 = tpu.memref_slice %arg5[%scan3A_77, %dma_wait3A_638, %dma_wait3A_639] : memref<2x16x128xi32, #tpu.memory_space<vmem>> -> memref<1x16x128xi32, #tpu.memory_space<vmem>>
      %dma_wait3A_641 = tpu.memref_squeeze %dma_wait3A_640 : memref<1x16x128xi32, #tpu.memory_space<vmem>> -> memref<16x128xi32, #tpu.memory_space<vmem>>
      %dma_wait3A_642 = arith.constant 0 : i32
      %dma_wait3A_643 = tpu.memref_slice %dma_wait3A_641[%mul3A_625, %dma_wait3A_642] : memref<16x128xi32, #tpu.memory_space<vmem>> -> memref<1x128xi32, #tpu.memory_space<vmem>>
      %dma_wait3A_644 = tpu.memref_squeeze %dma_wait3A_643 : memref<1x128xi32, #tpu.memory_space<vmem>> -> memref<128xi32, #tpu.memory_space<vmem>>
      %dma_wait3A_645 = arith.constant 0 : i32
      %dma_wait3A_646 = arith.constant 0 : i32
      %dma_wait3A_647 = tpu.memref_slice %arg3[%dma_wait3A_645, %dma_wait3A_646] : memref<10000x128xf32, #tpu.memory_space<hbm>> -> memref<10000x128xf32, #tpu.memory_space<hbm>>
      tpu.wait_indirect_dma semaphore(%arg10 : memref<!tpu.dma_semaphore, #tpu.memory_space<semaphore_mem>>) src(%dma_wait3A_647 : memref<10000x128xf32, #tpu.memory_space<hbm>>) dst(%arg7 : memref<128x128xf32, #tpu.memory_space<vmem>>)
      "tpu.region"() ({
        %run_scoped3A_665 = tpu.sem_alloc : memref<!tpu.dma_semaphore, #tpu.memory_space<semaphore_mem>>
        %dma_start3A_666 = arith.constant 0 : i32
        %dma_start3A_667 = arith.constant 0 : i32
        %dma_start3A_668 = tpu.memref_slice %arg6[%scan3A_78, %dma_start3A_666, %dma_start3A_667] : memref<2x16x128xi32, #tpu.memory_space<vmem>> -> memref<1x16x128xi32, #tpu.memory_space<vmem>>
        %dma_start3A_669 = tpu.memref_squeeze %dma_start3A_668 : memref<1x16x128xi32, #tpu.memory_space<vmem>> -> memref<16x128xi32, #tpu.memory_space<vmem>>
        %dma_start3A_670 = arith.constant 0 : i32
        %dma_start3A_671 = tpu.memref_slice %dma_start3A_669[%mul3A_625, %dma_start3A_670] : memref<16x128xi32, #tpu.memory_space<vmem>> -> memref<1x128xi32, #tpu.memory_space<vmem>>
        %dma_start3A_672 = tpu.memref_squeeze %dma_start3A_671 : memref<1x128xi32, #tpu.memory_space<vmem>> -> memref<128xi32, #tpu.memory_space<vmem>>
        %dma_start3A_673 = arith.constant 0 : i32
        %dma_start3A_674 = arith.constant 0 : i32
        %dma_start3A_675 = tpu.memref_slice %arg9[%dma_start3A_673, %dma_start3A_674] : memref<10112x128xf32, #tpu.memory_space<vmem_shared>> -> memref<10112x128xf32, #tpu.memory_space<vmem_shared>>
        tpu.enqueue_indirect_dma source(%arg7 : memref<128x128xf32, #tpu.memory_space<vmem>>) target(%dma_start3A_675 : memref<10112x128xf32, #tpu.memory_space<vmem_shared>>) offsets(%dma_start3A_672 : memref<128xi32, #tpu.memory_space<vmem>>) semaphore(%run_scoped3A_665 : memref<!tpu.dma_semaphore, #tpu.memory_space<semaphore_mem>>) {add = true}
        %dma_wait3A_676 = arith.constant 0 : i32
        %dma_wait3A_677 = arith.constant 0 : i32
        %dma_wait3A_678 = tpu.memref_slice %arg6[%scan3A_78, %dma_wait3A_676, %dma_wait3A_677] : memref<2x16x128xi32, #tpu.memory_space<vmem>> -> memref<1x16x128xi32, #tpu.memory_space<vmem>>
        %dma_wait3A_679 = tpu.memref_squeeze %dma_wait3A_678 : memref<1x16x128xi32, #tpu.memory_space<vmem>> -> memref<16x128xi32, #tpu.memory_space<vmem>>
        %dma_wait3A_680 = arith.constant 0 : i32
        %dma_wait3A_681 = tpu.memref_slice %dma_wait3A_679[%mul3A_625, %dma_wait3A_680] : memref<16x128xi32, #tpu.memory_space<vmem>> -> memref<1x128xi32, #tpu.memory_space<vmem>>
        %dma_wait3A_682 = tpu.memref_squeeze %dma_wait3A_681 : memref<1x128xi32, #tpu.memory_space<vmem>> -> memref<128xi32, #tpu.memory_space<vmem>>
        %dma_wait3A_683 = arith.constant 0 : i32
        %dma_wait3A_684 = arith.constant 0 : i32
        %dma_wait3A_685 = tpu.memref_slice %arg9[%dma_wait3A_683, %dma_wait3A_684] : memref<10112x128xf32, #tpu.memory_space<vmem_shared>> -> memref<10112x128xf32, #tpu.memory_space<vmem_shared>>
        tpu.wait_indirect_dma semaphore(%run_scoped3A_665 : memref<!tpu.dma_semaphore, #tpu.memory_space<semaphore_mem>>) src(%arg7 : memref<128x128xf32, #tpu.memory_space<vmem>>) dst(%dma_wait3A_685 : memref<10112x128xf32, #tpu.memory_space<vmem_shared>>)
        tpu.yield
      }) : () -> ()
      %add3A_648 = arith.constant 1 : i32
      %add3A_649 = arith.addi %add3A_627, %add3A_648 : i32
      %lt3A_650 = arith.constant 16 : i32
      %lt3A_651 = arith.cmpi slt, %add3A_649, %lt3A_650 : i32
      %convert_element_type3A_652 = arith.extui %lt3A_651 : i1 to i32
      %cond3A_653 = arith.constant 0 : i32
      %cond3A_654 = arith.cmpi ne, %convert_element_type3A_652, %cond3A_653 : i32
      scf.if %cond3A_654 {
        %add3A_665 = arith.constant 1 : i32
        %add3A_666 = arith.addi %add3A_627, %add3A_665 : i32
        %dma_start3A_667 = arith.constant 0 : i32
        %dma_start3A_668 = arith.constant 0 : i32
        %dma_start3A_669 = tpu.memref_slice %arg5[%scan3A_77, %dma_start3A_667, %dma_start3A_668] : memref<2x16x128xi32, #tpu.memory_space<vmem>> -> memref<1x16x128xi32, #tpu.memory_space<vmem>>
        %dma_start3A_670 = tpu.memref_squeeze %dma_start3A_669 : memref<1x16x128xi32, #tpu.memory_space<vmem>> -> memref<16x128xi32, #tpu.memory_space<vmem>>
        %dma_start3A_671 = arith.constant 0 : i32
        %dma_start3A_672 = tpu.memref_slice %dma_start3A_670[%add3A_666, %dma_start3A_671] : memref<16x128xi32, #tpu.memory_space<vmem>> -> memref<1x128xi32, #tpu.memory_space<vmem>>
        %dma_start3A_673 = tpu.memref_squeeze %dma_start3A_672 : memref<1x128xi32, #tpu.memory_space<vmem>> -> memref<128xi32, #tpu.memory_space<vmem>>
        %dma_start3A_674 = arith.constant 0 : i32
        %dma_start3A_675 = arith.constant 0 : i32
        %dma_start3A_676 = tpu.memref_slice %arg3[%dma_start3A_674, %dma_start3A_675] : memref<10000x128xf32, #tpu.memory_space<hbm>> -> memref<10000x128xf32, #tpu.memory_space<hbm>>
        tpu.enqueue_indirect_dma source(%dma_start3A_676 : memref<10000x128xf32, #tpu.memory_space<hbm>>) target(%arg7 : memref<128x128xf32, #tpu.memory_space<vmem>>) offsets(%dma_start3A_673 : memref<128xi32, #tpu.memory_space<vmem>>) semaphore(%arg10 : memref<!tpu.dma_semaphore, #tpu.memory_space<semaphore_mem>>)
      } else {
      }
      %dma_wait3A_655 = arith.constant 0 : i32
      %dma_wait3A_656 = arith.constant 0 : i32
      %dma_wait3A_657 = tpu.memref_slice %arg5[%scan3A_77, %dma_wait3A_655, %dma_wait3A_656] : memref<2x16x128xi32, #tpu.memory_space<vmem>> -> memref<1x16x128xi32, #tpu.memory_space<vmem>>
      %dma_wait3A_658 = tpu.memref_squeeze %dma_wait3A_657 : memref<1x16x128xi32, #tpu.memory_space<vmem>> -> memref<16x128xi32, #tpu.memory_space<vmem>>
      %dma_wait3A_659 = arith.constant 0 : i32
      %dma_wait3A_660 = tpu.memref_slice %dma_wait3A_658[%add3A_627, %dma_wait3A_659] : memref<16x128xi32, #tpu.memory_space<vmem>> -> memref<1x128xi32, #tpu.memory_space<vmem>>
      %dma_wait3A_661 = tpu.memref_squeeze %dma_wait3A_660 : memref<1x128xi32, #tpu.memory_space<vmem>> -> memref<128xi32, #tpu.memory_space<vmem>>
      %dma_wait3A_662 = arith.constant 0 : i32
      %dma_wait3A_663 = arith.constant 0 : i32
      %dma_wait3A_664 = tpu.memref_slice %arg3[%dma_wait3A_662, %dma_wait3A_663] : memref<10000x128xf32, #tpu.memory_space<hbm>> -> memref<10000x128xf32, #tpu.memory_space<hbm>>
      tpu.wait_indirect_dma semaphore(%arg11 : memref<!tpu.dma_semaphore, #tpu.memory_space<semaphore_mem>>) src(%dma_wait3A_664 : memref<10000x128xf32, #tpu.memory_space<hbm>>) dst(%arg8 : memref<128x128xf32, #tpu.memory_space<vmem>>)
      "tpu.region"() ({
        %run_scoped3A_665 = tpu.sem_alloc : memref<!tpu.dma_semaphore, #tpu.memory_space<semaphore_mem>>
        %dma_start3A_666 = arith.constant 0 : i32
        %dma_start3A_667 = arith.constant 0 : i32
        %dma_start3A_668 = tpu.memref_slice %arg6[%scan3A_78, %dma_start3A_666, %dma_start3A_667] : memref<2x16x128xi32, #tpu.memory_space<vmem>> -> memref<1x16x128xi32, #tpu.memory_space<vmem>>
        %dma_start3A_669 = tpu.memref_squeeze %dma_start3A_668 : memref<1x16x128xi32, #tpu.memory_space<vmem>> -> memref<16x128xi32, #tpu.memory_space<vmem>>
        %dma_start3A_670 = arith.constant 0 : i32
        %dma_start3A_671 = tpu.memref_slice %dma_start3A_669[%add3A_627, %dma_start3A_670] : memref<16x128xi32, #tpu.memory_space<vmem>> -> memref<1x128xi32, #tpu.memory_space<vmem>>
        %dma_start3A_672 = tpu.memref_squeeze %dma_start3A_671 : memref<1x128xi32, #tpu.memory_space<vmem>> -> memref<128xi32, #tpu.memory_space<vmem>>
        %dma_start3A_673 = arith.constant 0 : i32
        %dma_start3A_674 = arith.constant 0 : i32
        %dma_start3A_675 = tpu.memref_slice %arg9[%dma_start3A_673, %dma_start3A_674] : memref<10112x128xf32, #tpu.memory_space<vmem_shared>> -> memref<10112x128xf32, #tpu.memory_space<vmem_shared>>
        tpu.enqueue_indirect_dma source(%arg8 : memref<128x128xf32, #tpu.memory_space<vmem>>) target(%dma_start3A_675 : memref<10112x128xf32, #tpu.memory_space<vmem_shared>>) offsets(%dma_start3A_672 : memref<128xi32, #tpu.memory_space<vmem>>) semaphore(%run_scoped3A_665 : memref<!tpu.dma_semaphore, #tpu.memory_space<semaphore_mem>>) {add = true}
        %dma_wait3A_676 = arith.constant 0 : i32
        %dma_wait3A_677 = arith.constant 0 : i32
        %dma_wait3A_678 = tpu.memref_slice %arg6[%scan3A_78, %dma_wait3A_676, %dma_wait3A_677] : memref<2x16x128xi32, #tpu.memory_space<vmem>> -> memref<1x16x128xi32, #tpu.memory_space<vmem>>
        %dma_wait3A_679 = tpu.memref_squeeze %dma_wait3A_678 : memref<1x16x128xi32, #tpu.memory_space<vmem>> -> memref<16x128xi32, #tpu.memory_space<vmem>>
        %dma_wait3A_680 = arith.constant 0 : i32
        %dma_wait3A_681 = tpu.memref_slice %dma_wait3A_679[%add3A_627, %dma_wait3A_680] : memref<16x128xi32, #tpu.memory_space<vmem>> -> memref<1x128xi32, #tpu.memory_space<vmem>>
        %dma_wait3A_682 = tpu.memref_squeeze %dma_wait3A_681 : memref<1x128xi32, #tpu.memory_space<vmem>> -> memref<128xi32, #tpu.memory_space<vmem>>
        %dma_wait3A_683 = arith.constant 0 : i32
        %dma_wait3A_684 = arith.constant 0 : i32
        %dma_wait3A_685 = tpu.memref_slice %arg9[%dma_wait3A_683, %dma_wait3A_684] : memref<10112x128xf32, #tpu.memory_space<vmem_shared>> -> memref<10112x128xf32, #tpu.memory_space<vmem_shared>>
        tpu.wait_indirect_dma semaphore(%run_scoped3A_665 : memref<!tpu.dma_semaphore, #tpu.memory_space<semaphore_mem>>) src(%arg8 : memref<128x128xf32, #tpu.memory_space<vmem>>) dst(%dma_wait3A_685 : memref<10112x128xf32, #tpu.memory_space<vmem_shared>>)
        tpu.yield
      }) : () -> ()
    }
    %scan3A_83 = arith.constant 8 : i32
    %dma_wait3A = arith.constant 0 : i32
    %dma_wait3A_84 = arith.constant 1 : i32
    %dma_wait3A_85 = arith.constant 0 : i32
    %dma_wait3A_86 = arith.constant 0 : i32
    %dma_wait3A_87 = tpu.memref_slice %arg5[%dma_wait3A_84, %dma_wait3A_85, %dma_wait3A_86] : memref<2x16x128xi32, #tpu.memory_space<vmem>> -> memref<1x16x128xi32, #tpu.memory_space<vmem>>
    %dma_wait3A_88 = tpu.memref_squeeze %dma_wait3A_87 : memref<1x16x128xi32, #tpu.memory_space<vmem>> -> memref<16x128xi32, #tpu.memory_space<vmem>>
    %dma_wait3A_89 = arith.constant 0 : i32
    %dma_wait3A_90 = arith.constant 0 : i32
    %dma_wait3A_91 = tpu.memref_slice %arg2[%dma_wait3A, %dma_wait3A_89, %dma_wait3A_90] : memref<2x2500x128xi32, #tpu.memory_space<hbm>> -> memref<1x2500x128xi32, #tpu.memory_space<hbm>>
    %dma_wait3A_92 = tpu.memref_squeeze %dma_wait3A_91 : memref<1x2500x128xi32, #tpu.memory_space<hbm>> -> memref<2500x128xi32, #tpu.memory_space<hbm>>
    %dma_wait3A_93 = arith.constant 0 : i32
    %dma_wait3A_94 = tpu.memref_slice %dma_wait3A_92[%add3A_30, %dma_wait3A_93] : memref<2500x128xi32, #tpu.memory_space<hbm>> -> memref<16x128xi32, #tpu.memory_space<hbm>>
    %dma_wait3A_95 = arith.constant 0 : i32
    %dma_wait3A_96 = arith.constant 0 : i32
    %dma_wait3A_97 = tpu.memref_slice %arg5[%dma_wait3A_84, %dma_wait3A_95, %dma_wait3A_96] : memref<2x16x128xi32, #tpu.memory_space<vmem>> -> memref<1x16x128xi32, #tpu.memory_space<vmem>>
    %dma_wait3A_98 = tpu.memref_squeeze %dma_wait3A_97 : memref<1x16x128xi32, #tpu.memory_space<vmem>> -> memref<16x128xi32, #tpu.memory_space<vmem>>
    %dma_wait3A_99 = arith.constant 0 : i32
    %dma_wait3A_100 = arith.constant 0 : i32
    %dma_wait3A_101 = tpu.memref_slice %arg2[%dma_wait3A, %dma_wait3A_99, %dma_wait3A_100] : memref<2x2500x128xi32, #tpu.memory_space<hbm>> -> memref<1x2500x128xi32, #tpu.memory_space<hbm>>
    %dma_wait3A_102 = tpu.memref_squeeze %dma_wait3A_101 : memref<1x2500x128xi32, #tpu.memory_space<hbm>> -> memref<2500x128xi32, #tpu.memory_space<hbm>>
    %dma_wait3A_103 = arith.constant 0 : i32
    %dma_wait3A_104 = tpu.memref_slice %dma_wait3A_102[%add3A_30, %dma_wait3A_103] : memref<2500x128xi32, #tpu.memory_space<hbm>> -> memref<16x128xi32, #tpu.memory_space<hbm>>
    tpu.wait_dma2 semaphore(%arg12 : memref<!tpu.dma_semaphore, #tpu.memory_space<semaphore_mem>>) src(%dma_wait3A_104 : memref<16x128xi32, #tpu.memory_space<hbm>>) dst(%dma_wait3A_98 : memref<16x128xi32, #tpu.memory_space<vmem>>)
    %dma_wait3A_105 = arith.constant 1 : i32
    %dma_wait3A_106 = arith.constant 1 : i32
    %dma_wait3A_107 = arith.constant 0 : i32
    %dma_wait3A_108 = arith.constant 0 : i32
    %dma_wait3A_109 = tpu.memref_slice %arg6[%dma_wait3A_106, %dma_wait3A_107, %dma_wait3A_108] : memref<2x16x128xi32, #tpu.memory_space<vmem>> -> memref<1x16x128xi32, #tpu.memory_space<vmem>>
    %dma_wait3A_110 = tpu.memref_squeeze %dma_wait3A_109 : memref<1x16x128xi32, #tpu.memory_space<vmem>> -> memref<16x128xi32, #tpu.memory_space<vmem>>
    %dma_wait3A_111 = arith.constant 0 : i32
    %dma_wait3A_112 = arith.constant 0 : i32
    %dma_wait3A_113 = tpu.memref_slice %arg2[%dma_wait3A_105, %dma_wait3A_111, %dma_wait3A_112] : memref<2x2500x128xi32, #tpu.memory_space<hbm>> -> memref<1x2500x128xi32, #tpu.memory_space<hbm>>
    %dma_wait3A_114 = tpu.memref_squeeze %dma_wait3A_113 : memref<1x2500x128xi32, #tpu.memory_space<hbm>> -> memref<2500x128xi32, #tpu.memory_space<hbm>>
    %dma_wait3A_115 = arith.constant 0 : i32
    %dma_wait3A_116 = tpu.memref_slice %dma_wait3A_114[%add3A_54, %dma_wait3A_115] : memref<2500x128xi32, #tpu.memory_space<hbm>> -> memref<16x128xi32, #tpu.memory_space<hbm>>
    %dma_wait3A_117 = arith.constant 0 : i32
    %dma_wait3A_118 = arith.constant 0 : i32
    %dma_wait3A_119 = tpu.memref_slice %arg6[%dma_wait3A_106, %dma_wait3A_117, %dma_wait3A_118] : memref<2x16x128xi32, #tpu.memory_space<vmem>> -> memref<1x16x128xi32, #tpu.memory_space<vmem>>
    %dma_wait3A_120 = tpu.memref_squeeze %dma_wait3A_119 : memref<1x16x128xi32, #tpu.memory_space<vmem>> -> memref<16x128xi32, #tpu.memory_space<vmem>>
    %dma_wait3A_121 = arith.constant 0 : i32
    %dma_wait3A_122 = arith.constant 0 : i32
    %dma_wait3A_123 = tpu.memref_slice %arg2[%dma_wait3A_105, %dma_wait3A_121, %dma_wait3A_122] : memref<2x2500x128xi32, #tpu.memory_space<hbm>> -> memref<1x2500x128xi32, #tpu.memory_space<hbm>>
    %dma_wait3A_124 = tpu.memref_squeeze %dma_wait3A_123 : memref<1x2500x128xi32, #tpu.memory_space<hbm>> -> memref<2500x128xi32, #tpu.memory_space<hbm>>
    %dma_wait3A_125 = arith.constant 0 : i32
    %dma_wait3A_126 = tpu.memref_slice %dma_wait3A_124[%add3A_54, %dma_wait3A_125] : memref<2500x128xi32, #tpu.memory_space<hbm>> -> memref<16x128xi32, #tpu.memory_space<hbm>>
    tpu.wait_dma2 semaphore(%arg12 : memref<!tpu.dma_semaphore, #tpu.memory_space<semaphore_mem>>) src(%dma_wait3A_126 : memref<16x128xi32, #tpu.memory_space<hbm>>) dst(%dma_wait3A_120 : memref<16x128xi32, #tpu.memory_space<vmem>>)
    %add3A_127 = arith.constant 32 : i32
    %add3A_128 = arith.addi %mul3A_2, %add3A_127 : i32
    %dma_start3A_129 = arith.constant 0 : i32
    %dma_start3A_130 = arith.constant 0 : i32
    %dma_start3A_131 = arith.constant 0 : i32
    %dma_start3A_132 = arith.constant 0 : i32
    %dma_start3A_133 = tpu.memref_slice %arg5[%dma_start3A_130, %dma_start3A_131, %dma_start3A_132] : memref<2x16x128xi32, #tpu.memory_space<vmem>> -> memref<1x16x128xi32, #tpu.memory_space<vmem>>
    %dma_start3A_134 = tpu.memref_squeeze %dma_start3A_133 : memref<1x16x128xi32, #tpu.memory_space<vmem>> -> memref<16x128xi32, #tpu.memory_space<vmem>>
    %dma_start3A_135 = arith.constant 0 : i32
    %dma_start3A_136 = arith.constant 0 : i32
    %dma_start3A_137 = tpu.memref_slice %arg2[%dma_start3A_129, %dma_start3A_135, %dma_start3A_136] : memref<2x2500x128xi32, #tpu.memory_space<hbm>> -> memref<1x2500x128xi32, #tpu.memory_space<hbm>>
    %dma_start3A_138 = tpu.memref_squeeze %dma_start3A_137 : memref<1x2500x128xi32, #tpu.memory_space<hbm>> -> memref<2500x128xi32, #tpu.memory_space<hbm>>
    %dma_start3A_139 = arith.constant 0 : i32
    %dma_start3A_140 = tpu.memref_slice %dma_start3A_138[%add3A_128, %dma_start3A_139] : memref<2500x128xi32, #tpu.memory_space<hbm>> -> memref<16x128xi32, #tpu.memory_space<hbm>>
    %dma_start3A_141 = arith.constant 0 : i32
    %dma_start3A_142 = arith.constant 0 : i32
    %dma_start3A_143 = tpu.memref_slice %arg5[%dma_start3A_130, %dma_start3A_141, %dma_start3A_142] : memref<2x16x128xi32, #tpu.memory_space<vmem>> -> memref<1x16x128xi32, #tpu.memory_space<vmem>>
    %dma_start3A_144 = tpu.memref_squeeze %dma_start3A_143 : memref<1x16x128xi32, #tpu.memory_space<vmem>> -> memref<16x128xi32, #tpu.memory_space<vmem>>
    %dma_start3A_145 = arith.constant 0 : i32
    %dma_start3A_146 = arith.constant 0 : i32
    %dma_start3A_147 = tpu.memref_slice %arg2[%dma_start3A_129, %dma_start3A_145, %dma_start3A_146] : memref<2x2500x128xi32, #tpu.memory_space<hbm>> -> memref<1x2500x128xi32, #tpu.memory_space<hbm>>
    %dma_start3A_148 = tpu.memref_squeeze %dma_start3A_147 : memref<1x2500x128xi32, #tpu.memory_space<hbm>> -> memref<2500x128xi32, #tpu.memory_space<hbm>>
    %dma_start3A_149 = arith.constant 0 : i32
    %dma_start3A_150 = tpu.memref_slice %dma_start3A_148[%add3A_128, %dma_start3A_149] : memref<2500x128xi32, #tpu.memory_space<hbm>> -> memref<16x128xi32, #tpu.memory_space<hbm>>
    tpu.enqueue_dma source(%dma_start3A_150 : memref<16x128xi32, #tpu.memory_space<hbm>>) target(%dma_start3A_144 : memref<16x128xi32, #tpu.memory_space<vmem>>) target_semaphore(%arg12 : memref<!tpu.dma_semaphore, #tpu.memory_space<semaphore_mem>>)
    %add3A_151 = arith.constant 32 : i32
    %add3A_152 = arith.addi %mul3A_2, %add3A_151 : i32
    %dma_start3A_153 = arith.constant 1 : i32
    %dma_start3A_154 = arith.constant 0 : i32
    %dma_start3A_155 = arith.constant 0 : i32
    %dma_start3A_156 = arith.constant 0 : i32
    %dma_start3A_157 = tpu.memref_slice %arg6[%dma_start3A_154, %dma_start3A_155, %dma_start3A_156] : memref<2x16x128xi32, #tpu.memory_space<vmem>> -> memref<1x16x128xi32, #tpu.memory_space<vmem>>
    %dma_start3A_158 = tpu.memref_squeeze %dma_start3A_157 : memref<1x16x128xi32, #tpu.memory_space<vmem>> -> memref<16x128xi32, #tpu.memory_space<vmem>>
    %dma_start3A_159 = arith.constant 0 : i32
    %dma_start3A_160 = arith.constant 0 : i32
    %dma_start3A_161 = tpu.memref_slice %arg2[%dma_start3A_153, %dma_start3A_159, %dma_start3A_160] : memref<2x2500x128xi32, #tpu.memory_space<hbm>> -> memref<1x2500x128xi32, #tpu.memory_space<hbm>>
    %dma_start3A_162 = tpu.memref_squeeze %dma_start3A_161 : memref<1x2500x128xi32, #tpu.memory_space<hbm>> -> memref<2500x128xi32, #tpu.memory_space<hbm>>
    %dma_start3A_163 = arith.constant 0 : i32
    %dma_start3A_164 = tpu.memref_slice %dma_start3A_162[%add3A_152, %dma_start3A_163] : memref<2500x128xi32, #tpu.memory_space<hbm>> -> memref<16x128xi32, #tpu.memory_space<hbm>>
    %dma_start3A_165 = arith.constant 0 : i32
    %dma_start3A_166 = arith.constant 0 : i32
    %dma_start3A_167 = tpu.memref_slice %arg6[%dma_start3A_154, %dma_start3A_165, %dma_start3A_166] : memref<2x16x128xi32, #tpu.memory_space<vmem>> -> memref<1x16x128xi32, #tpu.memory_space<vmem>>
    %dma_start3A_168 = tpu.memref_squeeze %dma_start3A_167 : memref<1x16x128xi32, #tpu.memory_space<vmem>> -> memref<16x128xi32, #tpu.memory_space<vmem>>
    %dma_start3A_169 = arith.constant 0 : i32
    %dma_start3A_170 = arith.constant 0 : i32
    %dma_start3A_171 = tpu.memref_slice %arg2[%dma_start3A_153, %dma_start3A_169, %dma_start3A_170] : memref<2x2500x128xi32, #tpu.memory_space<hbm>> -> memref<1x2500x128xi32, #tpu.memory_space<hbm>>
    %dma_start3A_172 = tpu.memref_squeeze %dma_start3A_171 : memref<1x2500x128xi32, #tpu.memory_space<hbm>> -> memref<2500x128xi32, #tpu.memory_space<hbm>>
    %dma_start3A_173 = arith.constant 0 : i32
    %dma_start3A_174 = tpu.memref_slice %dma_start3A_172[%add3A_152, %dma_start3A_173] : memref<2500x128xi32, #tpu.memory_space<hbm>> -> memref<16x128xi32, #tpu.memory_space<hbm>>
    tpu.enqueue_dma source(%dma_start3A_174 : memref<16x128xi32, #tpu.memory_space<hbm>>) target(%dma_start3A_168 : memref<16x128xi32, #tpu.memory_space<vmem>>) target_semaphore(%arg12 : memref<!tpu.dma_semaphore, #tpu.memory_space<semaphore_mem>>)
    %dma_start3A_175 = arith.constant 1 : i32
    %dma_start3A_176 = arith.constant 0 : i32
    %dma_start3A_177 = arith.constant 0 : i32
    %dma_start3A_178 = arith.constant 0 : i32
    %dma_start3A_179 = tpu.memref_slice %arg5[%dma_start3A_175, %dma_start3A_177, %dma_start3A_178] : memref<2x16x128xi32, #tpu.memory_space<vmem>> -> memref<1x16x128xi32, #tpu.memory_space<vmem>>
    %dma_start3A_180 = tpu.memref_squeeze %dma_start3A_179 : memref<1x16x128xi32, #tpu.memory_space<vmem>> -> memref<16x128xi32, #tpu.memory_space<vmem>>
    %dma_start3A_181 = arith.constant 0 : i32
    %dma_start3A_182 = tpu.memref_slice %dma_start3A_180[%dma_start3A_176, %dma_start3A_181] : memref<16x128xi32, #tpu.memory_space<vmem>> -> memref<1x128xi32, #tpu.memory_space<vmem>>
    %dma_start3A_183 = tpu.memref_squeeze %dma_start3A_182 : memref<1x128xi32, #tpu.memory_space<vmem>> -> memref<128xi32, #tpu.memory_space<vmem>>
    %dma_start3A_184 = arith.constant 0 : i32
    %dma_start3A_185 = arith.constant 0 : i32
    %dma_start3A_186 = tpu.memref_slice %arg3[%dma_start3A_184, %dma_start3A_185] : memref<10000x128xf32, #tpu.memory_space<hbm>> -> memref<10000x128xf32, #tpu.memory_space<hbm>>
    tpu.enqueue_indirect_dma source(%dma_start3A_186 : memref<10000x128xf32, #tpu.memory_space<hbm>>) target(%arg7 : memref<128x128xf32, #tpu.memory_space<vmem>>) offsets(%dma_start3A_183 : memref<128xi32, #tpu.memory_space<vmem>>) semaphore(%arg10 : memref<!tpu.dma_semaphore, #tpu.memory_space<semaphore_mem>>)
    %scan3A_187 = arith.constant 1 : i32
    %scan3A_188 = arith.constant 1 : i32
    %scan3A_189 = arith.constant 0 : i32
    %scan3A_190 = arith.constant 8 : i32
    %scan3A_191 = arith.addi %scan3A_189, %scan3A_190 : i32
    %scan3A_192 = arith.constant 1 : i32
    scf.for %scan3A_619 = %scan3A_189 to %scan3A_191 step %scan3A_192  : i32 {
      %mul3A_620 = arith.constant 1 : i32
      %mul3A_621 = arith.muli %scan3A_619, %mul3A_620 : i32
      %add3A_622 = arith.constant 0 : i32
      %add3A_623 = arith.addi %add3A_622, %mul3A_621 : i32
      %mul3A_624 = arith.constant 2 : i32
      %mul3A_625 = arith.muli %add3A_623, %mul3A_624 : i32
      %add3A_626 = arith.constant 1 : i32
      %add3A_627 = arith.addi %mul3A_625, %add3A_626 : i32
      %dma_start3A_628 = arith.constant 0 : i32
      %dma_start3A_629 = arith.constant 0 : i32
      %dma_start3A_630 = tpu.memref_slice %arg5[%scan3A_187, %dma_start3A_628, %dma_start3A_629] : memref<2x16x128xi32, #tpu.memory_space<vmem>> -> memref<1x16x128xi32, #tpu.memory_space<vmem>>
      %dma_start3A_631 = tpu.memref_squeeze %dma_start3A_630 : memref<1x16x128xi32, #tpu.memory_space<vmem>> -> memref<16x128xi32, #tpu.memory_space<vmem>>
      %dma_start3A_632 = arith.constant 0 : i32
      %dma_start3A_633 = tpu.memref_slice %dma_start3A_631[%add3A_627, %dma_start3A_632] : memref<16x128xi32, #tpu.memory_space<vmem>> -> memref<1x128xi32, #tpu.memory_space<vmem>>
      %dma_start3A_634 = tpu.memref_squeeze %dma_start3A_633 : memref<1x128xi32, #tpu.memory_space<vmem>> -> memref<128xi32, #tpu.memory_space<vmem>>
      %dma_start3A_635 = arith.constant 0 : i32
      %dma_start3A_636 = arith.constant 0 : i32
      %dma_start3A_637 = tpu.memref_slice %arg3[%dma_start3A_635, %dma_start3A_636] : memref<10000x128xf32, #tpu.memory_space<hbm>> -> memref<10000x128xf32, #tpu.memory_space<hbm>>
      tpu.enqueue_indirect_dma source(%dma_start3A_637 : memref<10000x128xf32, #tpu.memory_space<hbm>>) target(%arg8 : memref<128x128xf32, #tpu.memory_space<vmem>>) offsets(%dma_start3A_634 : memref<128xi32, #tpu.memory_space<vmem>>) semaphore(%arg11 : memref<!tpu.dma_semaphore, #tpu.memory_space<semaphore_mem>>)
      %dma_wait3A_638 = arith.constant 0 : i32
      %dma_wait3A_639 = arith.constant 0 : i32
      %dma_wait3A_640 = tpu.memref_slice %arg5[%scan3A_187, %dma_wait3A_638, %dma_wait3A_639] : memref<2x16x128xi32, #tpu.memory_space<vmem>> -> memref<1x16x128xi32, #tpu.memory_space<vmem>>
      %dma_wait3A_641 = tpu.memref_squeeze %dma_wait3A_640 : memref<1x16x128xi32, #tpu.memory_space<vmem>> -> memref<16x128xi32, #tpu.memory_space<vmem>>
      %dma_wait3A_642 = arith.constant 0 : i32
      %dma_wait3A_643 = tpu.memref_slice %dma_wait3A_641[%mul3A_625, %dma_wait3A_642] : memref<16x128xi32, #tpu.memory_space<vmem>> -> memref<1x128xi32, #tpu.memory_space<vmem>>
      %dma_wait3A_644 = tpu.memref_squeeze %dma_wait3A_643 : memref<1x128xi32, #tpu.memory_space<vmem>> -> memref<128xi32, #tpu.memory_space<vmem>>
      %dma_wait3A_645 = arith.constant 0 : i32
      %dma_wait3A_646 = arith.constant 0 : i32
      %dma_wait3A_647 = tpu.memref_slice %arg3[%dma_wait3A_645, %dma_wait3A_646] : memref<10000x128xf32, #tpu.memory_space<hbm>> -> memref<10000x128xf32, #tpu.memory_space<hbm>>
      tpu.wait_indirect_dma semaphore(%arg10 : memref<!tpu.dma_semaphore, #tpu.memory_space<semaphore_mem>>) src(%dma_wait3A_647 : memref<10000x128xf32, #tpu.memory_space<hbm>>) dst(%arg7 : memref<128x128xf32, #tpu.memory_space<vmem>>)
      "tpu.region"() ({
        %run_scoped3A_665 = tpu.sem_alloc : memref<!tpu.dma_semaphore, #tpu.memory_space<semaphore_mem>>
        %dma_start3A_666 = arith.constant 0 : i32
        %dma_start3A_667 = arith.constant 0 : i32
        %dma_start3A_668 = tpu.memref_slice %arg6[%scan3A_188, %dma_start3A_666, %dma_start3A_667] : memref<2x16x128xi32, #tpu.memory_space<vmem>> -> memref<1x16x128xi32, #tpu.memory_space<vmem>>
        %dma_start3A_669 = tpu.memref_squeeze %dma_start3A_668 : memref<1x16x128xi32, #tpu.memory_space<vmem>> -> memref<16x128xi32, #tpu.memory_space<vmem>>
        %dma_start3A_670 = arith.constant 0 : i32
        %dma_start3A_671 = tpu.memref_slice %dma_start3A_669[%mul3A_625, %dma_start3A_670] : memref<16x128xi32, #tpu.memory_space<vmem>> -> memref<1x128xi32, #tpu.memory_space<vmem>>
        %dma_start3A_672 = tpu.memref_squeeze %dma_start3A_671 : memref<1x128xi32, #tpu.memory_space<vmem>> -> memref<128xi32, #tpu.memory_space<vmem>>
        %dma_start3A_673 = arith.constant 0 : i32
        %dma_start3A_674 = arith.constant 0 : i32
        %dma_start3A_675 = tpu.memref_slice %arg9[%dma_start3A_673, %dma_start3A_674] : memref<10112x128xf32, #tpu.memory_space<vmem_shared>> -> memref<10112x128xf32, #tpu.memory_space<vmem_shared>>
        tpu.enqueue_indirect_dma source(%arg7 : memref<128x128xf32, #tpu.memory_space<vmem>>) target(%dma_start3A_675 : memref<10112x128xf32, #tpu.memory_space<vmem_shared>>) offsets(%dma_start3A_672 : memref<128xi32, #tpu.memory_space<vmem>>) semaphore(%run_scoped3A_665 : memref<!tpu.dma_semaphore, #tpu.memory_space<semaphore_mem>>) {add = true}
        %dma_wait3A_676 = arith.constant 0 : i32
        %dma_wait3A_677 = arith.constant 0 : i32
        %dma_wait3A_678 = tpu.memref_slice %arg6[%scan3A_188, %dma_wait3A_676, %dma_wait3A_677] : memref<2x16x128xi32, #tpu.memory_space<vmem>> -> memref<1x16x128xi32, #tpu.memory_space<vmem>>
        %dma_wait3A_679 = tpu.memref_squeeze %dma_wait3A_678 : memref<1x16x128xi32, #tpu.memory_space<vmem>> -> memref<16x128xi32, #tpu.memory_space<vmem>>
        %dma_wait3A_680 = arith.constant 0 : i32
        %dma_wait3A_681 = tpu.memref_slice %dma_wait3A_679[%mul3A_625, %dma_wait3A_680] : memref<16x128xi32, #tpu.memory_space<vmem>> -> memref<1x128xi32, #tpu.memory_space<vmem>>
        %dma_wait3A_682 = tpu.memref_squeeze %dma_wait3A_681 : memref<1x128xi32, #tpu.memory_space<vmem>> -> memref<128xi32, #tpu.memory_space<vmem>>
        %dma_wait3A_683 = arith.constant 0 : i32
        %dma_wait3A_684 = arith.constant 0 : i32
        %dma_wait3A_685 = tpu.memref_slice %arg9[%dma_wait3A_683, %dma_wait3A_684] : memref<10112x128xf32, #tpu.memory_space<vmem_shared>> -> memref<10112x128xf32, #tpu.memory_space<vmem_shared>>
        tpu.wait_indirect_dma semaphore(%run_scoped3A_665 : memref<!tpu.dma_semaphore, #tpu.memory_space<semaphore_mem>>) src(%arg7 : memref<128x128xf32, #tpu.memory_space<vmem>>) dst(%dma_wait3A_685 : memref<10112x128xf32, #tpu.memory_space<vmem_shared>>)
        tpu.yield
      }) : () -> ()
      %add3A_648 = arith.constant 1 : i32
      %add3A_649 = arith.addi %add3A_627, %add3A_648 : i32
      %lt3A_650 = arith.constant 16 : i32
      %lt3A_651 = arith.cmpi slt, %add3A_649, %lt3A_650 : i32
      %convert_element_type3A_652 = arith.extui %lt3A_651 : i1 to i32
      %cond3A_653 = arith.constant 0 : i32
      %cond3A_654 = arith.cmpi ne, %convert_element_type3A_652, %cond3A_653 : i32
      scf.if %cond3A_654 {
        %add3A_665 = arith.constant 1 : i32
        %add3A_666 = arith.addi %add3A_627, %add3A_665 : i32
        %dma_start3A_667 = arith.constant 0 : i32
        %dma_start3A_668 = arith.constant 0 : i32
        %dma_start3A_669 = tpu.memref_slice %arg5[%scan3A_187, %dma_start3A_667, %dma_start3A_668] : memref<2x16x128xi32, #tpu.memory_space<vmem>> -> memref<1x16x128xi32, #tpu.memory_space<vmem>>
        %dma_start3A_670 = tpu.memref_squeeze %dma_start3A_669 : memref<1x16x128xi32, #tpu.memory_space<vmem>> -> memref<16x128xi32, #tpu.memory_space<vmem>>
        %dma_start3A_671 = arith.constant 0 : i32
        %dma_start3A_672 = tpu.memref_slice %dma_start3A_670[%add3A_666, %dma_start3A_671] : memref<16x128xi32, #tpu.memory_space<vmem>> -> memref<1x128xi32, #tpu.memory_space<vmem>>
        %dma_start3A_673 = tpu.memref_squeeze %dma_start3A_672 : memref<1x128xi32, #tpu.memory_space<vmem>> -> memref<128xi32, #tpu.memory_space<vmem>>
        %dma_start3A_674 = arith.constant 0 : i32
        %dma_start3A_675 = arith.constant 0 : i32
        %dma_start3A_676 = tpu.memref_slice %arg3[%dma_start3A_674, %dma_start3A_675] : memref<10000x128xf32, #tpu.memory_space<hbm>> -> memref<10000x128xf32, #tpu.memory_space<hbm>>
        tpu.enqueue_indirect_dma source(%dma_start3A_676 : memref<10000x128xf32, #tpu.memory_space<hbm>>) target(%arg7 : memref<128x128xf32, #tpu.memory_space<vmem>>) offsets(%dma_start3A_673 : memref<128xi32, #tpu.memory_space<vmem>>) semaphore(%arg10 : memref<!tpu.dma_semaphore, #tpu.memory_space<semaphore_mem>>)
      } else {
      }
      %dma_wait3A_655 = arith.constant 0 : i32
      %dma_wait3A_656 = arith.constant 0 : i32
      %dma_wait3A_657 = tpu.memref_slice %arg5[%scan3A_187, %dma_wait3A_655, %dma_wait3A_656] : memref<2x16x128xi32, #tpu.memory_space<vmem>> -> memref<1x16x128xi32, #tpu.memory_space<vmem>>
      %dma_wait3A_658 = tpu.memref_squeeze %dma_wait3A_657 : memref<1x16x128xi32, #tpu.memory_space<vmem>> -> memref<16x128xi32, #tpu.memory_space<vmem>>
      %dma_wait3A_659 = arith.constant 0 : i32
      %dma_wait3A_660 = tpu.memref_slice %dma_wait3A_658[%add3A_627, %dma_wait3A_659] : memref<16x128xi32, #tpu.memory_space<vmem>> -> memref<1x128xi32, #tpu.memory_space<vmem>>
      %dma_wait3A_661 = tpu.memref_squeeze %dma_wait3A_660 : memref<1x128xi32, #tpu.memory_space<vmem>> -> memref<128xi32, #tpu.memory_space<vmem>>
      %dma_wait3A_662 = arith.constant 0 : i32
      %dma_wait3A_663 = arith.constant 0 : i32
      %dma_wait3A_664 = tpu.memref_slice %arg3[%dma_wait3A_662, %dma_wait3A_663] : memref<10000x128xf32, #tpu.memory_space<hbm>> -> memref<10000x128xf32, #tpu.memory_space<hbm>>
      tpu.wait_indirect_dma semaphore(%arg11 : memref<!tpu.dma_semaphore, #tpu.memory_space<semaphore_mem>>) src(%dma_wait3A_664 : memref<10000x128xf32, #tpu.memory_space<hbm>>) dst(%arg8 : memref<128x128xf32, #tpu.memory_space<vmem>>)
      "tpu.region"() ({
        %run_scoped3A_665 = tpu.sem_alloc : memref<!tpu.dma_semaphore, #tpu.memory_space<semaphore_mem>>
        %dma_start3A_666 = arith.constant 0 : i32
        %dma_start3A_667 = arith.constant 0 : i32
        %dma_start3A_668 = tpu.memref_slice %arg6[%scan3A_188, %dma_start3A_666, %dma_start3A_667] : memref<2x16x128xi32, #tpu.memory_space<vmem>> -> memref<1x16x128xi32, #tpu.memory_space<vmem>>
        %dma_start3A_669 = tpu.memref_squeeze %dma_start3A_668 : memref<1x16x128xi32, #tpu.memory_space<vmem>> -> memref<16x128xi32, #tpu.memory_space<vmem>>
        %dma_start3A_670 = arith.constant 0 : i32
        %dma_start3A_671 = tpu.memref_slice %dma_start3A_669[%add3A_627, %dma_start3A_670] : memref<16x128xi32, #tpu.memory_space<vmem>> -> memref<1x128xi32, #tpu.memory_space<vmem>>
        %dma_start3A_672 = tpu.memref_squeeze %dma_start3A_671 : memref<1x128xi32, #tpu.memory_space<vmem>> -> memref<128xi32, #tpu.memory_space<vmem>>
        %dma_start3A_673 = arith.constant 0 : i32
        %dma_start3A_674 = arith.constant 0 : i32
        %dma_start3A_675 = tpu.memref_slice %arg9[%dma_start3A_673, %dma_start3A_674] : memref<10112x128xf32, #tpu.memory_space<vmem_shared>> -> memref<10112x128xf32, #tpu.memory_space<vmem_shared>>
        tpu.enqueue_indirect_dma source(%arg8 : memref<128x128xf32, #tpu.memory_space<vmem>>) target(%dma_start3A_675 : memref<10112x128xf32, #tpu.memory_space<vmem_shared>>) offsets(%dma_start3A_672 : memref<128xi32, #tpu.memory_space<vmem>>) semaphore(%run_scoped3A_665 : memref<!tpu.dma_semaphore, #tpu.memory_space<semaphore_mem>>) {add = true}
        %dma_wait3A_676 = arith.constant 0 : i32
        %dma_wait3A_677 = arith.constant 0 : i32
        %dma_wait3A_678 = tpu.memref_slice %arg6[%scan3A_188, %dma_wait3A_676, %dma_wait3A_677] : memref<2x16x128xi32, #tpu.memory_space<vmem>> -> memref<1x16x128xi32, #tpu.memory_space<vmem>>
        %dma_wait3A_679 = tpu.memref_squeeze %dma_wait3A_678 : memref<1x16x128xi32, #tpu.memory_space<vmem>> -> memref<16x128xi32, #tpu.memory_space<vmem>>
        %dma_wait3A_680 = arith.constant 0 : i32
        %dma_wait3A_681 = tpu.memref_slice %dma_wait3A_679[%add3A_627, %dma_wait3A_680] : memref<16x128xi32, #tpu.memory_space<vmem>> -> memref<1x128xi32, #tpu.memory_space<vmem>>
        %dma_wait3A_682 = tpu.memref_squeeze %dma_wait3A_681 : memref<1x128xi32, #tpu.memory_space<vmem>> -> memref<128xi32, #tpu.memory_space<vmem>>
        %dma_wait3A_683 = arith.constant 0 : i32
        %dma_wait3A_684 = arith.constant 0 : i32
        %dma_wait3A_685 = tpu.memref_slice %arg9[%dma_wait3A_683, %dma_wait3A_684] : memref<10112x128xf32, #tpu.memory_space<vmem_shared>> -> memref<10112x128xf32, #tpu.memory_space<vmem_shared>>
        tpu.wait_indirect_dma semaphore(%run_scoped3A_665 : memref<!tpu.dma_semaphore, #tpu.memory_space<semaphore_mem>>) src(%arg8 : memref<128x128xf32, #tpu.memory_space<vmem>>) dst(%dma_wait3A_685 : memref<10112x128xf32, #tpu.memory_space<vmem_shared>>)
        tpu.yield
      }) : () -> ()
    }
    %scan3A_193 = arith.constant 8 : i32
    %dma_wait3A_194 = arith.constant 0 : i32
    %dma_wait3A_195 = arith.constant 0 : i32
    %dma_wait3A_196 = arith.constant 0 : i32
    %dma_wait3A_197 = arith.constant 0 : i32
    %dma_wait3A_198 = tpu.memref_slice %arg5[%dma_wait3A_195, %dma_wait3A_196, %dma_wait3A_197] : memref<2x16x128xi32, #tpu.memory_space<vmem>> -> memref<1x16x128xi32, #tpu.memory_space<vmem>>
    %dma_wait3A_199 = tpu.memref_squeeze %dma_wait3A_198 : memref<1x16x128xi32, #tpu.memory_space<vmem>> -> memref<16x128xi32, #tpu.memory_space<vmem>>
    %dma_wait3A_200 = arith.constant 0 : i32
    %dma_wait3A_201 = arith.constant 0 : i32
    %dma_wait3A_202 = tpu.memref_slice %arg2[%dma_wait3A_194, %dma_wait3A_200, %dma_wait3A_201] : memref<2x2500x128xi32, #tpu.memory_space<hbm>> -> memref<1x2500x128xi32, #tpu.memory_space<hbm>>
    %dma_wait3A_203 = tpu.memref_squeeze %dma_wait3A_202 : memref<1x2500x128xi32, #tpu.memory_space<hbm>> -> memref<2500x128xi32, #tpu.memory_space<hbm>>
    %dma_wait3A_204 = arith.constant 0 : i32
    %dma_wait3A_205 = tpu.memref_slice %dma_wait3A_203[%add3A_128, %dma_wait3A_204] : memref<2500x128xi32, #tpu.memory_space<hbm>> -> memref<16x128xi32, #tpu.memory_space<hbm>>
    %dma_wait3A_206 = arith.constant 0 : i32
    %dma_wait3A_207 = arith.constant 0 : i32
    %dma_wait3A_208 = tpu.memref_slice %arg5[%dma_wait3A_195, %dma_wait3A_206, %dma_wait3A_207] : memref<2x16x128xi32, #tpu.memory_space<vmem>> -> memref<1x16x128xi32, #tpu.memory_space<vmem>>
    %dma_wait3A_209 = tpu.memref_squeeze %dma_wait3A_208 : memref<1x16x128xi32, #tpu.memory_space<vmem>> -> memref<16x128xi32, #tpu.memory_space<vmem>>
    %dma_wait3A_210 = arith.constant 0 : i32
    %dma_wait3A_211 = arith.constant 0 : i32
    %dma_wait3A_212 = tpu.memref_slice %arg2[%dma_wait3A_194, %dma_wait3A_210, %dma_wait3A_211] : memref<2x2500x128xi32, #tpu.memory_space<hbm>> -> memref<1x2500x128xi32, #tpu.memory_space<hbm>>
    %dma_wait3A_213 = tpu.memref_squeeze %dma_wait3A_212 : memref<1x2500x128xi32, #tpu.memory_space<hbm>> -> memref<2500x128xi32, #tpu.memory_space<hbm>>
    %dma_wait3A_214 = arith.constant 0 : i32
    %dma_wait3A_215 = tpu.memref_slice %dma_wait3A_213[%add3A_128, %dma_wait3A_214] : memref<2500x128xi32, #tpu.memory_space<hbm>> -> memref<16x128xi32, #tpu.memory_space<hbm>>
    tpu.wait_dma2 semaphore(%arg12 : memref<!tpu.dma_semaphore, #tpu.memory_space<semaphore_mem>>) src(%dma_wait3A_215 : memref<16x128xi32, #tpu.memory_space<hbm>>) dst(%dma_wait3A_209 : memref<16x128xi32, #tpu.memory_space<vmem>>)
    %dma_wait3A_216 = arith.constant 1 : i32
    %dma_wait3A_217 = arith.constant 0 : i32
    %dma_wait3A_218 = arith.constant 0 : i32
    %dma_wait3A_219 = arith.constant 0 : i32
    %dma_wait3A_220 = tpu.memref_slice %arg6[%dma_wait3A_217, %dma_wait3A_218, %dma_wait3A_219] : memref<2x16x128xi32, #tpu.memory_space<vmem>> -> memref<1x16x128xi32, #tpu.memory_space<vmem>>
    %dma_wait3A_221 = tpu.memref_squeeze %dma_wait3A_220 : memref<1x16x128xi32, #tpu.memory_space<vmem>> -> memref<16x128xi32, #tpu.memory_space<vmem>>
    %dma_wait3A_222 = arith.constant 0 : i32
    %dma_wait3A_223 = arith.constant 0 : i32
    %dma_wait3A_224 = tpu.memref_slice %arg2[%dma_wait3A_216, %dma_wait3A_222, %dma_wait3A_223] : memref<2x2500x128xi32, #tpu.memory_space<hbm>> -> memref<1x2500x128xi32, #tpu.memory_space<hbm>>
    %dma_wait3A_225 = tpu.memref_squeeze %dma_wait3A_224 : memref<1x2500x128xi32, #tpu.memory_space<hbm>> -> memref<2500x128xi32, #tpu.memory_space<hbm>>
    %dma_wait3A_226 = arith.constant 0 : i32
    %dma_wait3A_227 = tpu.memref_slice %dma_wait3A_225[%add3A_152, %dma_wait3A_226] : memref<2500x128xi32, #tpu.memory_space<hbm>> -> memref<16x128xi32, #tpu.memory_space<hbm>>
    %dma_wait3A_228 = arith.constant 0 : i32
    %dma_wait3A_229 = arith.constant 0 : i32
    %dma_wait3A_230 = tpu.memref_slice %arg6[%dma_wait3A_217, %dma_wait3A_228, %dma_wait3A_229] : memref<2x16x128xi32, #tpu.memory_space<vmem>> -> memref<1x16x128xi32, #tpu.memory_space<vmem>>
    %dma_wait3A_231 = tpu.memref_squeeze %dma_wait3A_230 : memref<1x16x128xi32, #tpu.memory_space<vmem>> -> memref<16x128xi32, #tpu.memory_space<vmem>>
    %dma_wait3A_232 = arith.constant 0 : i32
    %dma_wait3A_233 = arith.constant 0 : i32
    %dma_wait3A_234 = tpu.memref_slice %arg2[%dma_wait3A_216, %dma_wait3A_232, %dma_wait3A_233] : memref<2x2500x128xi32, #tpu.memory_space<hbm>> -> memref<1x2500x128xi32, #tpu.memory_space<hbm>>
    %dma_wait3A_235 = tpu.memref_squeeze %dma_wait3A_234 : memref<1x2500x128xi32, #tpu.memory_space<hbm>> -> memref<2500x128xi32, #tpu.memory_space<hbm>>
    %dma_wait3A_236 = arith.constant 0 : i32
    %dma_wait3A_237 = tpu.memref_slice %dma_wait3A_235[%add3A_152, %dma_wait3A_236] : memref<2500x128xi32, #tpu.memory_space<hbm>> -> memref<16x128xi32, #tpu.memory_space<hbm>>
    tpu.wait_dma2 semaphore(%arg12 : memref<!tpu.dma_semaphore, #tpu.memory_space<semaphore_mem>>) src(%dma_wait3A_237 : memref<16x128xi32, #tpu.memory_space<hbm>>) dst(%dma_wait3A_231 : memref<16x128xi32, #tpu.memory_space<vmem>>)
    %add3A_238 = arith.constant 48 : i32
    %add3A_239 = arith.addi %mul3A_2, %add3A_238 : i32
    %dma_start3A_240 = arith.constant 0 : i32
    %dma_start3A_241 = arith.constant 1 : i32
    %dma_start3A_242 = arith.constant 0 : i32
    %dma_start3A_243 = arith.constant 0 : i32
    %dma_start3A_244 = tpu.memref_slice %arg5[%dma_start3A_241, %dma_start3A_242, %dma_start3A_243] : memref<2x16x128xi32, #tpu.memory_space<vmem>> -> memref<1x16x128xi32, #tpu.memory_space<vmem>>
    %dma_start3A_245 = tpu.memref_squeeze %dma_start3A_244 : memref<1x16x128xi32, #tpu.memory_space<vmem>> -> memref<16x128xi32, #tpu.memory_space<vmem>>
    %dma_start3A_246 = arith.constant 0 : i32
    %dma_start3A_247 = arith.constant 0 : i32
    %dma_start3A_248 = tpu.memref_slice %arg2[%dma_start3A_240, %dma_start3A_246, %dma_start3A_247] : memref<2x2500x128xi32, #tpu.memory_space<hbm>> -> memref<1x2500x128xi32, #tpu.memory_space<hbm>>
    %dma_start3A_249 = tpu.memref_squeeze %dma_start3A_248 : memref<1x2500x128xi32, #tpu.memory_space<hbm>> -> memref<2500x128xi32, #tpu.memory_space<hbm>>
    %dma_start3A_250 = arith.constant 0 : i32
    %dma_start3A_251 = tpu.memref_slice %dma_start3A_249[%add3A_239, %dma_start3A_250] : memref<2500x128xi32, #tpu.memory_space<hbm>> -> memref<16x128xi32, #tpu.memory_space<hbm>>
    %dma_start3A_252 = arith.constant 0 : i32
    %dma_start3A_253 = arith.constant 0 : i32
    %dma_start3A_254 = tpu.memref_slice %arg5[%dma_start3A_241, %dma_start3A_252, %dma_start3A_253] : memref<2x16x128xi32, #tpu.memory_space<vmem>> -> memref<1x16x128xi32, #tpu.memory_space<vmem>>
    %dma_start3A_255 = tpu.memref_squeeze %dma_start3A_254 : memref<1x16x128xi32, #tpu.memory_space<vmem>> -> memref<16x128xi32, #tpu.memory_space<vmem>>
    %dma_start3A_256 = arith.constant 0 : i32
    %dma_start3A_257 = arith.constant 0 : i32
    %dma_start3A_258 = tpu.memref_slice %arg2[%dma_start3A_240, %dma_start3A_256, %dma_start3A_257] : memref<2x2500x128xi32, #tpu.memory_space<hbm>> -> memref<1x2500x128xi32, #tpu.memory_space<hbm>>
    %dma_start3A_259 = tpu.memref_squeeze %dma_start3A_258 : memref<1x2500x128xi32, #tpu.memory_space<hbm>> -> memref<2500x128xi32, #tpu.memory_space<hbm>>
    %dma_start3A_260 = arith.constant 0 : i32
    %dma_start3A_261 = tpu.memref_slice %dma_start3A_259[%add3A_239, %dma_start3A_260] : memref<2500x128xi32, #tpu.memory_space<hbm>> -> memref<16x128xi32, #tpu.memory_space<hbm>>
    tpu.enqueue_dma source(%dma_start3A_261 : memref<16x128xi32, #tpu.memory_space<hbm>>) target(%dma_start3A_255 : memref<16x128xi32, #tpu.memory_space<vmem>>) target_semaphore(%arg12 : memref<!tpu.dma_semaphore, #tpu.memory_space<semaphore_mem>>)
    %add3A_262 = arith.constant 48 : i32
    %add3A_263 = arith.addi %mul3A_2, %add3A_262 : i32
    %dma_start3A_264 = arith.constant 1 : i32
    %dma_start3A_265 = arith.constant 1 : i32
    %dma_start3A_266 = arith.constant 0 : i32
    %dma_start3A_267 = arith.constant 0 : i32
    %dma_start3A_268 = tpu.memref_slice %arg6[%dma_start3A_265, %dma_start3A_266, %dma_start3A_267] : memref<2x16x128xi32, #tpu.memory_space<vmem>> -> memref<1x16x128xi32, #tpu.memory_space<vmem>>
    %dma_start3A_269 = tpu.memref_squeeze %dma_start3A_268 : memref<1x16x128xi32, #tpu.memory_space<vmem>> -> memref<16x128xi32, #tpu.memory_space<vmem>>
    %dma_start3A_270 = arith.constant 0 : i32
    %dma_start3A_271 = arith.constant 0 : i32
    %dma_start3A_272 = tpu.memref_slice %arg2[%dma_start3A_264, %dma_start3A_270, %dma_start3A_271] : memref<2x2500x128xi32, #tpu.memory_space<hbm>> -> memref<1x2500x128xi32, #tpu.memory_space<hbm>>
    %dma_start3A_273 = tpu.memref_squeeze %dma_start3A_272 : memref<1x2500x128xi32, #tpu.memory_space<hbm>> -> memref<2500x128xi32, #tpu.memory_space<hbm>>
    %dma_start3A_274 = arith.constant 0 : i32
    %dma_start3A_275 = tpu.memref_slice %dma_start3A_273[%add3A_263, %dma_start3A_274] : memref<2500x128xi32, #tpu.memory_space<hbm>> -> memref<16x128xi32, #tpu.memory_space<hbm>>
    %dma_start3A_276 = arith.constant 0 : i32
    %dma_start3A_277 = arith.constant 0 : i32
    %dma_start3A_278 = tpu.memref_slice %arg6[%dma_start3A_265, %dma_start3A_276, %dma_start3A_277] : memref<2x16x128xi32, #tpu.memory_space<vmem>> -> memref<1x16x128xi32, #tpu.memory_space<vmem>>
    %dma_start3A_279 = tpu.memref_squeeze %dma_start3A_278 : memref<1x16x128xi32, #tpu.memory_space<vmem>> -> memref<16x128xi32, #tpu.memory_space<vmem>>
    %dma_start3A_280 = arith.constant 0 : i32
    %dma_start3A_281 = arith.constant 0 : i32
    %dma_start3A_282 = tpu.memref_slice %arg2[%dma_start3A_264, %dma_start3A_280, %dma_start3A_281] : memref<2x2500x128xi32, #tpu.memory_space<hbm>> -> memref<1x2500x128xi32, #tpu.memory_space<hbm>>
    %dma_start3A_283 = tpu.memref_squeeze %dma_start3A_282 : memref<1x2500x128xi32, #tpu.memory_space<hbm>> -> memref<2500x128xi32, #tpu.memory_space<hbm>>
    %dma_start3A_284 = arith.constant 0 : i32
    %dma_start3A_285 = tpu.memref_slice %dma_start3A_283[%add3A_263, %dma_start3A_284] : memref<2500x128xi32, #tpu.memory_space<hbm>> -> memref<16x128xi32, #tpu.memory_space<hbm>>
    tpu.enqueue_dma source(%dma_start3A_285 : memref<16x128xi32, #tpu.memory_space<hbm>>) target(%dma_start3A_279 : memref<16x128xi32, #tpu.memory_space<vmem>>) target_semaphore(%arg12 : memref<!tpu.dma_semaphore, #tpu.memory_space<semaphore_mem>>)
    %dma_start3A_286 = arith.constant 0 : i32
    %dma_start3A_287 = arith.constant 0 : i32
    %dma_start3A_288 = arith.constant 0 : i32
    %dma_start3A_289 = arith.constant 0 : i32
    %dma_start3A_290 = tpu.memref_slice %arg5[%dma_start3A_286, %dma_start3A_288, %dma_start3A_289] : memref<2x16x128xi32, #tpu.memory_space<vmem>> -> memref<1x16x128xi32, #tpu.memory_space<vmem>>
    %dma_start3A_291 = tpu.memref_squeeze %dma_start3A_290 : memref<1x16x128xi32, #tpu.memory_space<vmem>> -> memref<16x128xi32, #tpu.memory_space<vmem>>
    %dma_start3A_292 = arith.constant 0 : i32
    %dma_start3A_293 = tpu.memref_slice %dma_start3A_291[%dma_start3A_287, %dma_start3A_292] : memref<16x128xi32, #tpu.memory_space<vmem>> -> memref<1x128xi32, #tpu.memory_space<vmem>>
    %dma_start3A_294 = tpu.memref_squeeze %dma_start3A_293 : memref<1x128xi32, #tpu.memory_space<vmem>> -> memref<128xi32, #tpu.memory_space<vmem>>
    %dma_start3A_295 = arith.constant 0 : i32
    %dma_start3A_296 = arith.constant 0 : i32
    %dma_start3A_297 = tpu.memref_slice %arg3[%dma_start3A_295, %dma_start3A_296] : memref<10000x128xf32, #tpu.memory_space<hbm>> -> memref<10000x128xf32, #tpu.memory_space<hbm>>
    tpu.enqueue_indirect_dma source(%dma_start3A_297 : memref<10000x128xf32, #tpu.memory_space<hbm>>) target(%arg7 : memref<128x128xf32, #tpu.memory_space<vmem>>) offsets(%dma_start3A_294 : memref<128xi32, #tpu.memory_space<vmem>>) semaphore(%arg10 : memref<!tpu.dma_semaphore, #tpu.memory_space<semaphore_mem>>)
    %scan3A_298 = arith.constant 0 : i32
    %scan3A_299 = arith.constant 0 : i32
    %scan3A_300 = arith.constant 0 : i32
    %scan3A_301 = arith.constant 8 : i32
    %scan3A_302 = arith.addi %scan3A_300, %scan3A_301 : i32
    %scan3A_303 = arith.constant 1 : i32
    scf.for %scan3A_619 = %scan3A_300 to %scan3A_302 step %scan3A_303  : i32 {
      %mul3A_620 = arith.constant 1 : i32
      %mul3A_621 = arith.muli %scan3A_619, %mul3A_620 : i32
      %add3A_622 = arith.constant 0 : i32
      %add3A_623 = arith.addi %add3A_622, %mul3A_621 : i32
      %mul3A_624 = arith.constant 2 : i32
      %mul3A_625 = arith.muli %add3A_623, %mul3A_624 : i32
      %add3A_626 = arith.constant 1 : i32
      %add3A_627 = arith.addi %mul3A_625, %add3A_626 : i32
      %dma_start3A_628 = arith.constant 0 : i32
      %dma_start3A_629 = arith.constant 0 : i32
      %dma_start3A_630 = tpu.memref_slice %arg5[%scan3A_298, %dma_start3A_628, %dma_start3A_629] : memref<2x16x128xi32, #tpu.memory_space<vmem>> -> memref<1x16x128xi32, #tpu.memory_space<vmem>>
      %dma_start3A_631 = tpu.memref_squeeze %dma_start3A_630 : memref<1x16x128xi32, #tpu.memory_space<vmem>> -> memref<16x128xi32, #tpu.memory_space<vmem>>
      %dma_start3A_632 = arith.constant 0 : i32
      %dma_start3A_633 = tpu.memref_slice %dma_start3A_631[%add3A_627, %dma_start3A_632] : memref<16x128xi32, #tpu.memory_space<vmem>> -> memref<1x128xi32, #tpu.memory_space<vmem>>
      %dma_start3A_634 = tpu.memref_squeeze %dma_start3A_633 : memref<1x128xi32, #tpu.memory_space<vmem>> -> memref<128xi32, #tpu.memory_space<vmem>>
      %dma_start3A_635 = arith.constant 0 : i32
      %dma_start3A_636 = arith.constant 0 : i32
      %dma_start3A_637 = tpu.memref_slice %arg3[%dma_start3A_635, %dma_start3A_636] : memref<10000x128xf32, #tpu.memory_space<hbm>> -> memref<10000x128xf32, #tpu.memory_space<hbm>>
      tpu.enqueue_indirect_dma source(%dma_start3A_637 : memref<10000x128xf32, #tpu.memory_space<hbm>>) target(%arg8 : memref<128x128xf32, #tpu.memory_space<vmem>>) offsets(%dma_start3A_634 : memref<128xi32, #tpu.memory_space<vmem>>) semaphore(%arg11 : memref<!tpu.dma_semaphore, #tpu.memory_space<semaphore_mem>>)
      %dma_wait3A_638 = arith.constant 0 : i32
      %dma_wait3A_639 = arith.constant 0 : i32
      %dma_wait3A_640 = tpu.memref_slice %arg5[%scan3A_298, %dma_wait3A_638, %dma_wait3A_639] : memref<2x16x128xi32, #tpu.memory_space<vmem>> -> memref<1x16x128xi32, #tpu.memory_space<vmem>>
      %dma_wait3A_641 = tpu.memref_squeeze %dma_wait3A_640 : memref<1x16x128xi32, #tpu.memory_space<vmem>> -> memref<16x128xi32, #tpu.memory_space<vmem>>
      %dma_wait3A_642 = arith.constant 0 : i32
      %dma_wait3A_643 = tpu.memref_slice %dma_wait3A_641[%mul3A_625, %dma_wait3A_642] : memref<16x128xi32, #tpu.memory_space<vmem>> -> memref<1x128xi32, #tpu.memory_space<vmem>>
      %dma_wait3A_644 = tpu.memref_squeeze %dma_wait3A_643 : memref<1x128xi32, #tpu.memory_space<vmem>> -> memref<128xi32, #tpu.memory_space<vmem>>
      %dma_wait3A_645 = arith.constant 0 : i32
      %dma_wait3A_646 = arith.constant 0 : i32
      %dma_wait3A_647 = tpu.memref_slice %arg3[%dma_wait3A_645, %dma_wait3A_646] : memref<10000x128xf32, #tpu.memory_space<hbm>> -> memref<10000x128xf32, #tpu.memory_space<hbm>>
      tpu.wait_indirect_dma semaphore(%arg10 : memref<!tpu.dma_semaphore, #tpu.memory_space<semaphore_mem>>) src(%dma_wait3A_647 : memref<10000x128xf32, #tpu.memory_space<hbm>>) dst(%arg7 : memref<128x128xf32, #tpu.memory_space<vmem>>)
      "tpu.region"() ({
        %run_scoped3A_665 = tpu.sem_alloc : memref<!tpu.dma_semaphore, #tpu.memory_space<semaphore_mem>>
        %dma_start3A_666 = arith.constant 0 : i32
        %dma_start3A_667 = arith.constant 0 : i32
        %dma_start3A_668 = tpu.memref_slice %arg6[%scan3A_299, %dma_start3A_666, %dma_start3A_667] : memref<2x16x128xi32, #tpu.memory_space<vmem>> -> memref<1x16x128xi32, #tpu.memory_space<vmem>>
        %dma_start3A_669 = tpu.memref_squeeze %dma_start3A_668 : memref<1x16x128xi32, #tpu.memory_space<vmem>> -> memref<16x128xi32, #tpu.memory_space<vmem>>
        %dma_start3A_670 = arith.constant 0 : i32
        %dma_start3A_671 = tpu.memref_slice %dma_start3A_669[%mul3A_625, %dma_start3A_670] : memref<16x128xi32, #tpu.memory_space<vmem>> -> memref<1x128xi32, #tpu.memory_space<vmem>>
        %dma_start3A_672 = tpu.memref_squeeze %dma_start3A_671 : memref<1x128xi32, #tpu.memory_space<vmem>> -> memref<128xi32, #tpu.memory_space<vmem>>
        %dma_start3A_673 = arith.constant 0 : i32
        %dma_start3A_674 = arith.constant 0 : i32
        %dma_start3A_675 = tpu.memref_slice %arg9[%dma_start3A_673, %dma_start3A_674] : memref<10112x128xf32, #tpu.memory_space<vmem_shared>> -> memref<10112x128xf32, #tpu.memory_space<vmem_shared>>
        tpu.enqueue_indirect_dma source(%arg7 : memref<128x128xf32, #tpu.memory_space<vmem>>) target(%dma_start3A_675 : memref<10112x128xf32, #tpu.memory_space<vmem_shared>>) offsets(%dma_start3A_672 : memref<128xi32, #tpu.memory_space<vmem>>) semaphore(%run_scoped3A_665 : memref<!tpu.dma_semaphore, #tpu.memory_space<semaphore_mem>>) {add = true}
        %dma_wait3A_676 = arith.constant 0 : i32
        %dma_wait3A_677 = arith.constant 0 : i32
        %dma_wait3A_678 = tpu.memref_slice %arg6[%scan3A_299, %dma_wait3A_676, %dma_wait3A_677] : memref<2x16x128xi32, #tpu.memory_space<vmem>> -> memref<1x16x128xi32, #tpu.memory_space<vmem>>
        %dma_wait3A_679 = tpu.memref_squeeze %dma_wait3A_678 : memref<1x16x128xi32, #tpu.memory_space<vmem>> -> memref<16x128xi32, #tpu.memory_space<vmem>>
        %dma_wait3A_680 = arith.constant 0 : i32
        %dma_wait3A_681 = tpu.memref_slice %dma_wait3A_679[%mul3A_625, %dma_wait3A_680] : memref<16x128xi32, #tpu.memory_space<vmem>> -> memref<1x128xi32, #tpu.memory_space<vmem>>
        %dma_wait3A_682 = tpu.memref_squeeze %dma_wait3A_681 : memref<1x128xi32, #tpu.memory_space<vmem>> -> memref<128xi32, #tpu.memory_space<vmem>>
        %dma_wait3A_683 = arith.constant 0 : i32
        %dma_wait3A_684 = arith.constant 0 : i32
        %dma_wait3A_685 = tpu.memref_slice %arg9[%dma_wait3A_683, %dma_wait3A_684] : memref<10112x128xf32, #tpu.memory_space<vmem_shared>> -> memref<10112x128xf32, #tpu.memory_space<vmem_shared>>
        tpu.wait_indirect_dma semaphore(%run_scoped3A_665 : memref<!tpu.dma_semaphore, #tpu.memory_space<semaphore_mem>>) src(%arg7 : memref<128x128xf32, #tpu.memory_space<vmem>>) dst(%dma_wait3A_685 : memref<10112x128xf32, #tpu.memory_space<vmem_shared>>)
        tpu.yield
      }) : () -> ()
      %add3A_648 = arith.constant 1 : i32
      %add3A_649 = arith.addi %add3A_627, %add3A_648 : i32
      %lt3A_650 = arith.constant 16 : i32
      %lt3A_651 = arith.cmpi slt, %add3A_649, %lt3A_650 : i32
      %convert_element_type3A_652 = arith.extui %lt3A_651 : i1 to i32
      %cond3A_653 = arith.constant 0 : i32
      %cond3A_654 = arith.cmpi ne, %convert_element_type3A_652, %cond3A_653 : i32
      scf.if %cond3A_654 {
        %add3A_665 = arith.constant 1 : i32
        %add3A_666 = arith.addi %add3A_627, %add3A_665 : i32
        %dma_start3A_667 = arith.constant 0 : i32
        %dma_start3A_668 = arith.constant 0 : i32
        %dma_start3A_669 = tpu.memref_slice %arg5[%scan3A_298, %dma_start3A_667, %dma_start3A_668] : memref<2x16x128xi32, #tpu.memory_space<vmem>> -> memref<1x16x128xi32, #tpu.memory_space<vmem>>
        %dma_start3A_670 = tpu.memref_squeeze %dma_start3A_669 : memref<1x16x128xi32, #tpu.memory_space<vmem>> -> memref<16x128xi32, #tpu.memory_space<vmem>>
        %dma_start3A_671 = arith.constant 0 : i32
        %dma_start3A_672 = tpu.memref_slice %dma_start3A_670[%add3A_666, %dma_start3A_671] : memref<16x128xi32, #tpu.memory_space<vmem>> -> memref<1x128xi32, #tpu.memory_space<vmem>>
        %dma_start3A_673 = tpu.memref_squeeze %dma_start3A_672 : memref<1x128xi32, #tpu.memory_space<vmem>> -> memref<128xi32, #tpu.memory_space<vmem>>
        %dma_start3A_674 = arith.constant 0 : i32
        %dma_start3A_675 = arith.constant 0 : i32
        %dma_start3A_676 = tpu.memref_slice %arg3[%dma_start3A_674, %dma_start3A_675] : memref<10000x128xf32, #tpu.memory_space<hbm>> -> memref<10000x128xf32, #tpu.memory_space<hbm>>
        tpu.enqueue_indirect_dma source(%dma_start3A_676 : memref<10000x128xf32, #tpu.memory_space<hbm>>) target(%arg7 : memref<128x128xf32, #tpu.memory_space<vmem>>) offsets(%dma_start3A_673 : memref<128xi32, #tpu.memory_space<vmem>>) semaphore(%arg10 : memref<!tpu.dma_semaphore, #tpu.memory_space<semaphore_mem>>)
      } else {
      }
      %dma_wait3A_655 = arith.constant 0 : i32
      %dma_wait3A_656 = arith.constant 0 : i32
      %dma_wait3A_657 = tpu.memref_slice %arg5[%scan3A_298, %dma_wait3A_655, %dma_wait3A_656] : memref<2x16x128xi32, #tpu.memory_space<vmem>> -> memref<1x16x128xi32, #tpu.memory_space<vmem>>
      %dma_wait3A_658 = tpu.memref_squeeze %dma_wait3A_657 : memref<1x16x128xi32, #tpu.memory_space<vmem>> -> memref<16x128xi32, #tpu.memory_space<vmem>>
      %dma_wait3A_659 = arith.constant 0 : i32
      %dma_wait3A_660 = tpu.memref_slice %dma_wait3A_658[%add3A_627, %dma_wait3A_659] : memref<16x128xi32, #tpu.memory_space<vmem>> -> memref<1x128xi32, #tpu.memory_space<vmem>>
      %dma_wait3A_661 = tpu.memref_squeeze %dma_wait3A_660 : memref<1x128xi32, #tpu.memory_space<vmem>> -> memref<128xi32, #tpu.memory_space<vmem>>
      %dma_wait3A_662 = arith.constant 0 : i32
      %dma_wait3A_663 = arith.constant 0 : i32
      %dma_wait3A_664 = tpu.memref_slice %arg3[%dma_wait3A_662, %dma_wait3A_663] : memref<10000x128xf32, #tpu.memory_space<hbm>> -> memref<10000x128xf32, #tpu.memory_space<hbm>>
      tpu.wait_indirect_dma semaphore(%arg11 : memref<!tpu.dma_semaphore, #tpu.memory_space<semaphore_mem>>) src(%dma_wait3A_664 : memref<10000x128xf32, #tpu.memory_space<hbm>>) dst(%arg8 : memref<128x128xf32, #tpu.memory_space<vmem>>)
      "tpu.region"() ({
        %run_scoped3A_665 = tpu.sem_alloc : memref<!tpu.dma_semaphore, #tpu.memory_space<semaphore_mem>>
        %dma_start3A_666 = arith.constant 0 : i32
        %dma_start3A_667 = arith.constant 0 : i32
        %dma_start3A_668 = tpu.memref_slice %arg6[%scan3A_299, %dma_start3A_666, %dma_start3A_667] : memref<2x16x128xi32, #tpu.memory_space<vmem>> -> memref<1x16x128xi32, #tpu.memory_space<vmem>>
        %dma_start3A_669 = tpu.memref_squeeze %dma_start3A_668 : memref<1x16x128xi32, #tpu.memory_space<vmem>> -> memref<16x128xi32, #tpu.memory_space<vmem>>
        %dma_start3A_670 = arith.constant 0 : i32
        %dma_start3A_671 = tpu.memref_slice %dma_start3A_669[%add3A_627, %dma_start3A_670] : memref<16x128xi32, #tpu.memory_space<vmem>> -> memref<1x128xi32, #tpu.memory_space<vmem>>
        %dma_start3A_672 = tpu.memref_squeeze %dma_start3A_671 : memref<1x128xi32, #tpu.memory_space<vmem>> -> memref<128xi32, #tpu.memory_space<vmem>>
        %dma_start3A_673 = arith.constant 0 : i32
        %dma_start3A_674 = arith.constant 0 : i32
        %dma_start3A_675 = tpu.memref_slice %arg9[%dma_start3A_673, %dma_start3A_674] : memref<10112x128xf32, #tpu.memory_space<vmem_shared>> -> memref<10112x128xf32, #tpu.memory_space<vmem_shared>>
        tpu.enqueue_indirect_dma source(%arg8 : memref<128x128xf32, #tpu.memory_space<vmem>>) target(%dma_start3A_675 : memref<10112x128xf32, #tpu.memory_space<vmem_shared>>) offsets(%dma_start3A_672 : memref<128xi32, #tpu.memory_space<vmem>>) semaphore(%run_scoped3A_665 : memref<!tpu.dma_semaphore, #tpu.memory_space<semaphore_mem>>) {add = true}
        %dma_wait3A_676 = arith.constant 0 : i32
        %dma_wait3A_677 = arith.constant 0 : i32
        %dma_wait3A_678 = tpu.memref_slice %arg6[%scan3A_299, %dma_wait3A_676, %dma_wait3A_677] : memref<2x16x128xi32, #tpu.memory_space<vmem>> -> memref<1x16x128xi32, #tpu.memory_space<vmem>>
        %dma_wait3A_679 = tpu.memref_squeeze %dma_wait3A_678 : memref<1x16x128xi32, #tpu.memory_space<vmem>> -> memref<16x128xi32, #tpu.memory_space<vmem>>
        %dma_wait3A_680 = arith.constant 0 : i32
        %dma_wait3A_681 = tpu.memref_slice %dma_wait3A_679[%add3A_627, %dma_wait3A_680] : memref<16x128xi32, #tpu.memory_space<vmem>> -> memref<1x128xi32, #tpu.memory_space<vmem>>
        %dma_wait3A_682 = tpu.memref_squeeze %dma_wait3A_681 : memref<1x128xi32, #tpu.memory_space<vmem>> -> memref<128xi32, #tpu.memory_space<vmem>>
        %dma_wait3A_683 = arith.constant 0 : i32
        %dma_wait3A_684 = arith.constant 0 : i32
        %dma_wait3A_685 = tpu.memref_slice %arg9[%dma_wait3A_683, %dma_wait3A_684] : memref<10112x128xf32, #tpu.memory_space<vmem_shared>> -> memref<10112x128xf32, #tpu.memory_space<vmem_shared>>
        tpu.wait_indirect_dma semaphore(%run_scoped3A_665 : memref<!tpu.dma_semaphore, #tpu.memory_space<semaphore_mem>>) src(%arg8 : memref<128x128xf32, #tpu.memory_space<vmem>>) dst(%dma_wait3A_685 : memref<10112x128xf32, #tpu.memory_space<vmem_shared>>)
        tpu.yield
      }) : () -> ()
    }
    %scan3A_304 = arith.constant 8 : i32
    %dma_wait3A_305 = arith.constant 0 : i32
    %dma_wait3A_306 = arith.constant 1 : i32
    %dma_wait3A_307 = arith.constant 0 : i32
    %dma_wait3A_308 = arith.constant 0 : i32
    %dma_wait3A_309 = tpu.memref_slice %arg5[%dma_wait3A_306, %dma_wait3A_307, %dma_wait3A_308] : memref<2x16x128xi32, #tpu.memory_space<vmem>> -> memref<1x16x128xi32, #tpu.memory_space<vmem>>
    %dma_wait3A_310 = tpu.memref_squeeze %dma_wait3A_309 : memref<1x16x128xi32, #tpu.memory_space<vmem>> -> memref<16x128xi32, #tpu.memory_space<vmem>>
    %dma_wait3A_311 = arith.constant 0 : i32
    %dma_wait3A_312 = arith.constant 0 : i32
    %dma_wait3A_313 = tpu.memref_slice %arg2[%dma_wait3A_305, %dma_wait3A_311, %dma_wait3A_312] : memref<2x2500x128xi32, #tpu.memory_space<hbm>> -> memref<1x2500x128xi32, #tpu.memory_space<hbm>>
    %dma_wait3A_314 = tpu.memref_squeeze %dma_wait3A_313 : memref<1x2500x128xi32, #tpu.memory_space<hbm>> -> memref<2500x128xi32, #tpu.memory_space<hbm>>
    %dma_wait3A_315 = arith.constant 0 : i32
    %dma_wait3A_316 = tpu.memref_slice %dma_wait3A_314[%add3A_239, %dma_wait3A_315] : memref<2500x128xi32, #tpu.memory_space<hbm>> -> memref<16x128xi32, #tpu.memory_space<hbm>>
    %dma_wait3A_317 = arith.constant 0 : i32
    %dma_wait3A_318 = arith.constant 0 : i32
    %dma_wait3A_319 = tpu.memref_slice %arg5[%dma_wait3A_306, %dma_wait3A_317, %dma_wait3A_318] : memref<2x16x128xi32, #tpu.memory_space<vmem>> -> memref<1x16x128xi32, #tpu.memory_space<vmem>>
    %dma_wait3A_320 = tpu.memref_squeeze %dma_wait3A_319 : memref<1x16x128xi32, #tpu.memory_space<vmem>> -> memref<16x128xi32, #tpu.memory_space<vmem>>
    %dma_wait3A_321 = arith.constant 0 : i32
    %dma_wait3A_322 = arith.constant 0 : i32
    %dma_wait3A_323 = tpu.memref_slice %arg2[%dma_wait3A_305, %dma_wait3A_321, %dma_wait3A_322] : memref<2x2500x128xi32, #tpu.memory_space<hbm>> -> memref<1x2500x128xi32, #tpu.memory_space<hbm>>
    %dma_wait3A_324 = tpu.memref_squeeze %dma_wait3A_323 : memref<1x2500x128xi32, #tpu.memory_space<hbm>> -> memref<2500x128xi32, #tpu.memory_space<hbm>>
    %dma_wait3A_325 = arith.constant 0 : i32
    %dma_wait3A_326 = tpu.memref_slice %dma_wait3A_324[%add3A_239, %dma_wait3A_325] : memref<2500x128xi32, #tpu.memory_space<hbm>> -> memref<16x128xi32, #tpu.memory_space<hbm>>
    tpu.wait_dma2 semaphore(%arg12 : memref<!tpu.dma_semaphore, #tpu.memory_space<semaphore_mem>>) src(%dma_wait3A_326 : memref<16x128xi32, #tpu.memory_space<hbm>>) dst(%dma_wait3A_320 : memref<16x128xi32, #tpu.memory_space<vmem>>)
    %dma_wait3A_327 = arith.constant 1 : i32
    %dma_wait3A_328 = arith.constant 1 : i32
    %dma_wait3A_329 = arith.constant 0 : i32
    %dma_wait3A_330 = arith.constant 0 : i32
    %dma_wait3A_331 = tpu.memref_slice %arg6[%dma_wait3A_328, %dma_wait3A_329, %dma_wait3A_330] : memref<2x16x128xi32, #tpu.memory_space<vmem>> -> memref<1x16x128xi32, #tpu.memory_space<vmem>>
    %dma_wait3A_332 = tpu.memref_squeeze %dma_wait3A_331 : memref<1x16x128xi32, #tpu.memory_space<vmem>> -> memref<16x128xi32, #tpu.memory_space<vmem>>
    %dma_wait3A_333 = arith.constant 0 : i32
    %dma_wait3A_334 = arith.constant 0 : i32
    %dma_wait3A_335 = tpu.memref_slice %arg2[%dma_wait3A_327, %dma_wait3A_333, %dma_wait3A_334] : memref<2x2500x128xi32, #tpu.memory_space<hbm>> -> memref<1x2500x128xi32, #tpu.memory_space<hbm>>
    %dma_wait3A_336 = tpu.memref_squeeze %dma_wait3A_335 : memref<1x2500x128xi32, #tpu.memory_space<hbm>> -> memref<2500x128xi32, #tpu.memory_space<hbm>>
    %dma_wait3A_337 = arith.constant 0 : i32
    %dma_wait3A_338 = tpu.memref_slice %dma_wait3A_336[%add3A_263, %dma_wait3A_337] : memref<2500x128xi32, #tpu.memory_space<hbm>> -> memref<16x128xi32, #tpu.memory_space<hbm>>
    %dma_wait3A_339 = arith.constant 0 : i32
    %dma_wait3A_340 = arith.constant 0 : i32
    %dma_wait3A_341 = tpu.memref_slice %arg6[%dma_wait3A_328, %dma_wait3A_339, %dma_wait3A_340] : memref<2x16x128xi32, #tpu.memory_space<vmem>> -> memref<1x16x128xi32, #tpu.memory_space<vmem>>
    %dma_wait3A_342 = tpu.memref_squeeze %dma_wait3A_341 : memref<1x16x128xi32, #tpu.memory_space<vmem>> -> memref<16x128xi32, #tpu.memory_space<vmem>>
    %dma_wait3A_343 = arith.constant 0 : i32
    %dma_wait3A_344 = arith.constant 0 : i32
    %dma_wait3A_345 = tpu.memref_slice %arg2[%dma_wait3A_327, %dma_wait3A_343, %dma_wait3A_344] : memref<2x2500x128xi32, #tpu.memory_space<hbm>> -> memref<1x2500x128xi32, #tpu.memory_space<hbm>>
    %dma_wait3A_346 = tpu.memref_squeeze %dma_wait3A_345 : memref<1x2500x128xi32, #tpu.memory_space<hbm>> -> memref<2500x128xi32, #tpu.memory_space<hbm>>
    %dma_wait3A_347 = arith.constant 0 : i32
    %dma_wait3A_348 = tpu.memref_slice %dma_wait3A_346[%add3A_263, %dma_wait3A_347] : memref<2500x128xi32, #tpu.memory_space<hbm>> -> memref<16x128xi32, #tpu.memory_space<hbm>>
    tpu.wait_dma2 semaphore(%arg12 : memref<!tpu.dma_semaphore, #tpu.memory_space<semaphore_mem>>) src(%dma_wait3A_348 : memref<16x128xi32, #tpu.memory_space<hbm>>) dst(%dma_wait3A_342 : memref<16x128xi32, #tpu.memory_space<vmem>>)
    %add3A_349 = arith.constant 64 : i32
    %add3A_350 = arith.addi %mul3A_2, %add3A_349 : i32
    %dma_start3A_351 = arith.constant 0 : i32
    %dma_start3A_352 = arith.constant 0 : i32
    %dma_start3A_353 = arith.constant 0 : i32
    %dma_start3A_354 = arith.constant 0 : i32
    %dma_start3A_355 = tpu.memref_slice %arg5[%dma_start3A_352, %dma_start3A_353, %dma_start3A_354] : memref<2x16x128xi32, #tpu.memory_space<vmem>> -> memref<1x16x128xi32, #tpu.memory_space<vmem>>
    %dma_start3A_356 = tpu.memref_squeeze %dma_start3A_355 : memref<1x16x128xi32, #tpu.memory_space<vmem>> -> memref<16x128xi32, #tpu.memory_space<vmem>>
    %dma_start3A_357 = arith.constant 0 : i32
    %dma_start3A_358 = arith.constant 0 : i32
    %dma_start3A_359 = tpu.memref_slice %arg2[%dma_start3A_351, %dma_start3A_357, %dma_start3A_358] : memref<2x2500x128xi32, #tpu.memory_space<hbm>> -> memref<1x2500x128xi32, #tpu.memory_space<hbm>>
    %dma_start3A_360 = tpu.memref_squeeze %dma_start3A_359 : memref<1x2500x128xi32, #tpu.memory_space<hbm>> -> memref<2500x128xi32, #tpu.memory_space<hbm>>
    %dma_start3A_361 = arith.constant 0 : i32
    %dma_start3A_362 = tpu.memref_slice %dma_start3A_360[%add3A_350, %dma_start3A_361] : memref<2500x128xi32, #tpu.memory_space<hbm>> -> memref<16x128xi32, #tpu.memory_space<hbm>>
    %dma_start3A_363 = arith.constant 0 : i32
    %dma_start3A_364 = arith.constant 0 : i32
    %dma_start3A_365 = tpu.memref_slice %arg5[%dma_start3A_352, %dma_start3A_363, %dma_start3A_364] : memref<2x16x128xi32, #tpu.memory_space<vmem>> -> memref<1x16x128xi32, #tpu.memory_space<vmem>>
    %dma_start3A_366 = tpu.memref_squeeze %dma_start3A_365 : memref<1x16x128xi32, #tpu.memory_space<vmem>> -> memref<16x128xi32, #tpu.memory_space<vmem>>
    %dma_start3A_367 = arith.constant 0 : i32
    %dma_start3A_368 = arith.constant 0 : i32
    %dma_start3A_369 = tpu.memref_slice %arg2[%dma_start3A_351, %dma_start3A_367, %dma_start3A_368] : memref<2x2500x128xi32, #tpu.memory_space<hbm>> -> memref<1x2500x128xi32, #tpu.memory_space<hbm>>
    %dma_start3A_370 = tpu.memref_squeeze %dma_start3A_369 : memref<1x2500x128xi32, #tpu.memory_space<hbm>> -> memref<2500x128xi32, #tpu.memory_space<hbm>>
    %dma_start3A_371 = arith.constant 0 : i32
    %dma_start3A_372 = tpu.memref_slice %dma_start3A_370[%add3A_350, %dma_start3A_371] : memref<2500x128xi32, #tpu.memory_space<hbm>> -> memref<16x128xi32, #tpu.memory_space<hbm>>
    tpu.enqueue_dma source(%dma_start3A_372 : memref<16x128xi32, #tpu.memory_space<hbm>>) target(%dma_start3A_366 : memref<16x128xi32, #tpu.memory_space<vmem>>) target_semaphore(%arg12 : memref<!tpu.dma_semaphore, #tpu.memory_space<semaphore_mem>>)
    %add3A_373 = arith.constant 64 : i32
    %add3A_374 = arith.addi %mul3A_2, %add3A_373 : i32
    %dma_start3A_375 = arith.constant 1 : i32
    %dma_start3A_376 = arith.constant 0 : i32
    %dma_start3A_377 = arith.constant 0 : i32
    %dma_start3A_378 = arith.constant 0 : i32
    %dma_start3A_379 = tpu.memref_slice %arg6[%dma_start3A_376, %dma_start3A_377, %dma_start3A_378] : memref<2x16x128xi32, #tpu.memory_space<vmem>> -> memref<1x16x128xi32, #tpu.memory_space<vmem>>
    %dma_start3A_380 = tpu.memref_squeeze %dma_start3A_379 : memref<1x16x128xi32, #tpu.memory_space<vmem>> -> memref<16x128xi32, #tpu.memory_space<vmem>>
    %dma_start3A_381 = arith.constant 0 : i32
    %dma_start3A_382 = arith.constant 0 : i32
    %dma_start3A_383 = tpu.memref_slice %arg2[%dma_start3A_375, %dma_start3A_381, %dma_start3A_382] : memref<2x2500x128xi32, #tpu.memory_space<hbm>> -> memref<1x2500x128xi32, #tpu.memory_space<hbm>>
    %dma_start3A_384 = tpu.memref_squeeze %dma_start3A_383 : memref<1x2500x128xi32, #tpu.memory_space<hbm>> -> memref<2500x128xi32, #tpu.memory_space<hbm>>
    %dma_start3A_385 = arith.constant 0 : i32
    %dma_start3A_386 = tpu.memref_slice %dma_start3A_384[%add3A_374, %dma_start3A_385] : memref<2500x128xi32, #tpu.memory_space<hbm>> -> memref<16x128xi32, #tpu.memory_space<hbm>>
    %dma_start3A_387 = arith.constant 0 : i32
    %dma_start3A_388 = arith.constant 0 : i32
    %dma_start3A_389 = tpu.memref_slice %arg6[%dma_start3A_376, %dma_start3A_387, %dma_start3A_388] : memref<2x16x128xi32, #tpu.memory_space<vmem>> -> memref<1x16x128xi32, #tpu.memory_space<vmem>>
    %dma_start3A_390 = tpu.memref_squeeze %dma_start3A_389 : memref<1x16x128xi32, #tpu.memory_space<vmem>> -> memref<16x128xi32, #tpu.memory_space<vmem>>
    %dma_start3A_391 = arith.constant 0 : i32
    %dma_start3A_392 = arith.constant 0 : i32
    %dma_start3A_393 = tpu.memref_slice %arg2[%dma_start3A_375, %dma_start3A_391, %dma_start3A_392] : memref<2x2500x128xi32, #tpu.memory_space<hbm>> -> memref<1x2500x128xi32, #tpu.memory_space<hbm>>
    %dma_start3A_394 = tpu.memref_squeeze %dma_start3A_393 : memref<1x2500x128xi32, #tpu.memory_space<hbm>> -> memref<2500x128xi32, #tpu.memory_space<hbm>>
    %dma_start3A_395 = arith.constant 0 : i32
    %dma_start3A_396 = tpu.memref_slice %dma_start3A_394[%add3A_374, %dma_start3A_395] : memref<2500x128xi32, #tpu.memory_space<hbm>> -> memref<16x128xi32, #tpu.memory_space<hbm>>
    tpu.enqueue_dma source(%dma_start3A_396 : memref<16x128xi32, #tpu.memory_space<hbm>>) target(%dma_start3A_390 : memref<16x128xi32, #tpu.memory_space<vmem>>) target_semaphore(%arg12 : memref<!tpu.dma_semaphore, #tpu.memory_space<semaphore_mem>>)
    %dma_start3A_397 = arith.constant 1 : i32
    %dma_start3A_398 = arith.constant 0 : i32
    %dma_start3A_399 = arith.constant 0 : i32
    %dma_start3A_400 = arith.constant 0 : i32
    %dma_start3A_401 = tpu.memref_slice %arg5[%dma_start3A_397, %dma_start3A_399, %dma_start3A_400] : memref<2x16x128xi32, #tpu.memory_space<vmem>> -> memref<1x16x128xi32, #tpu.memory_space<vmem>>
    %dma_start3A_402 = tpu.memref_squeeze %dma_start3A_401 : memref<1x16x128xi32, #tpu.memory_space<vmem>> -> memref<16x128xi32, #tpu.memory_space<vmem>>
    %dma_start3A_403 = arith.constant 0 : i32
    %dma_start3A_404 = tpu.memref_slice %dma_start3A_402[%dma_start3A_398, %dma_start3A_403] : memref<16x128xi32, #tpu.memory_space<vmem>> -> memref<1x128xi32, #tpu.memory_space<vmem>>
    %dma_start3A_405 = tpu.memref_squeeze %dma_start3A_404 : memref<1x128xi32, #tpu.memory_space<vmem>> -> memref<128xi32, #tpu.memory_space<vmem>>
    %dma_start3A_406 = arith.constant 0 : i32
    %dma_start3A_407 = arith.constant 0 : i32
    %dma_start3A_408 = tpu.memref_slice %arg3[%dma_start3A_406, %dma_start3A_407] : memref<10000x128xf32, #tpu.memory_space<hbm>> -> memref<10000x128xf32, #tpu.memory_space<hbm>>
    tpu.enqueue_indirect_dma source(%dma_start3A_408 : memref<10000x128xf32, #tpu.memory_space<hbm>>) target(%arg7 : memref<128x128xf32, #tpu.memory_space<vmem>>) offsets(%dma_start3A_405 : memref<128xi32, #tpu.memory_space<vmem>>) semaphore(%arg10 : memref<!tpu.dma_semaphore, #tpu.memory_space<semaphore_mem>>)
    %scan3A_409 = arith.constant 1 : i32
    %scan3A_410 = arith.constant 1 : i32
    %scan3A_411 = arith.constant 0 : i32
    %scan3A_412 = arith.constant 8 : i32
    %scan3A_413 = arith.addi %scan3A_411, %scan3A_412 : i32
    %scan3A_414 = arith.constant 1 : i32
    scf.for %scan3A_619 = %scan3A_411 to %scan3A_413 step %scan3A_414  : i32 {
      %mul3A_620 = arith.constant 1 : i32
      %mul3A_621 = arith.muli %scan3A_619, %mul3A_620 : i32
      %add3A_622 = arith.constant 0 : i32
      %add3A_623 = arith.addi %add3A_622, %mul3A_621 : i32
      %mul3A_624 = arith.constant 2 : i32
      %mul3A_625 = arith.muli %add3A_623, %mul3A_624 : i32
      %add3A_626 = arith.constant 1 : i32
      %add3A_627 = arith.addi %mul3A_625, %add3A_626 : i32
      %dma_start3A_628 = arith.constant 0 : i32
      %dma_start3A_629 = arith.constant 0 : i32
      %dma_start3A_630 = tpu.memref_slice %arg5[%scan3A_409, %dma_start3A_628, %dma_start3A_629] : memref<2x16x128xi32, #tpu.memory_space<vmem>> -> memref<1x16x128xi32, #tpu.memory_space<vmem>>
      %dma_start3A_631 = tpu.memref_squeeze %dma_start3A_630 : memref<1x16x128xi32, #tpu.memory_space<vmem>> -> memref<16x128xi32, #tpu.memory_space<vmem>>
      %dma_start3A_632 = arith.constant 0 : i32
      %dma_start3A_633 = tpu.memref_slice %dma_start3A_631[%add3A_627, %dma_start3A_632] : memref<16x128xi32, #tpu.memory_space<vmem>> -> memref<1x128xi32, #tpu.memory_space<vmem>>
      %dma_start3A_634 = tpu.memref_squeeze %dma_start3A_633 : memref<1x128xi32, #tpu.memory_space<vmem>> -> memref<128xi32, #tpu.memory_space<vmem>>
      %dma_start3A_635 = arith.constant 0 : i32
      %dma_start3A_636 = arith.constant 0 : i32
      %dma_start3A_637 = tpu.memref_slice %arg3[%dma_start3A_635, %dma_start3A_636] : memref<10000x128xf32, #tpu.memory_space<hbm>> -> memref<10000x128xf32, #tpu.memory_space<hbm>>
      tpu.enqueue_indirect_dma source(%dma_start3A_637 : memref<10000x128xf32, #tpu.memory_space<hbm>>) target(%arg8 : memref<128x128xf32, #tpu.memory_space<vmem>>) offsets(%dma_start3A_634 : memref<128xi32, #tpu.memory_space<vmem>>) semaphore(%arg11 : memref<!tpu.dma_semaphore, #tpu.memory_space<semaphore_mem>>)
      %dma_wait3A_638 = arith.constant 0 : i32
      %dma_wait3A_639 = arith.constant 0 : i32
      %dma_wait3A_640 = tpu.memref_slice %arg5[%scan3A_409, %dma_wait3A_638, %dma_wait3A_639] : memref<2x16x128xi32, #tpu.memory_space<vmem>> -> memref<1x16x128xi32, #tpu.memory_space<vmem>>
      %dma_wait3A_641 = tpu.memref_squeeze %dma_wait3A_640 : memref<1x16x128xi32, #tpu.memory_space<vmem>> -> memref<16x128xi32, #tpu.memory_space<vmem>>
      %dma_wait3A_642 = arith.constant 0 : i32
      %dma_wait3A_643 = tpu.memref_slice %dma_wait3A_641[%mul3A_625, %dma_wait3A_642] : memref<16x128xi32, #tpu.memory_space<vmem>> -> memref<1x128xi32, #tpu.memory_space<vmem>>
      %dma_wait3A_644 = tpu.memref_squeeze %dma_wait3A_643 : memref<1x128xi32, #tpu.memory_space<vmem>> -> memref<128xi32, #tpu.memory_space<vmem>>
      %dma_wait3A_645 = arith.constant 0 : i32
      %dma_wait3A_646 = arith.constant 0 : i32
      %dma_wait3A_647 = tpu.memref_slice %arg3[%dma_wait3A_645, %dma_wait3A_646] : memref<10000x128xf32, #tpu.memory_space<hbm>> -> memref<10000x128xf32, #tpu.memory_space<hbm>>
      tpu.wait_indirect_dma semaphore(%arg10 : memref<!tpu.dma_semaphore, #tpu.memory_space<semaphore_mem>>) src(%dma_wait3A_647 : memref<10000x128xf32, #tpu.memory_space<hbm>>) dst(%arg7 : memref<128x128xf32, #tpu.memory_space<vmem>>)
      "tpu.region"() ({
        %run_scoped3A_665 = tpu.sem_alloc : memref<!tpu.dma_semaphore, #tpu.memory_space<semaphore_mem>>
        %dma_start3A_666 = arith.constant 0 : i32
        %dma_start3A_667 = arith.constant 0 : i32
        %dma_start3A_668 = tpu.memref_slice %arg6[%scan3A_410, %dma_start3A_666, %dma_start3A_667] : memref<2x16x128xi32, #tpu.memory_space<vmem>> -> memref<1x16x128xi32, #tpu.memory_space<vmem>>
        %dma_start3A_669 = tpu.memref_squeeze %dma_start3A_668 : memref<1x16x128xi32, #tpu.memory_space<vmem>> -> memref<16x128xi32, #tpu.memory_space<vmem>>
        %dma_start3A_670 = arith.constant 0 : i32
        %dma_start3A_671 = tpu.memref_slice %dma_start3A_669[%mul3A_625, %dma_start3A_670] : memref<16x128xi32, #tpu.memory_space<vmem>> -> memref<1x128xi32, #tpu.memory_space<vmem>>
        %dma_start3A_672 = tpu.memref_squeeze %dma_start3A_671 : memref<1x128xi32, #tpu.memory_space<vmem>> -> memref<128xi32, #tpu.memory_space<vmem>>
        %dma_start3A_673 = arith.constant 0 : i32
        %dma_start3A_674 = arith.constant 0 : i32
        %dma_start3A_675 = tpu.memref_slice %arg9[%dma_start3A_673, %dma_start3A_674] : memref<10112x128xf32, #tpu.memory_space<vmem_shared>> -> memref<10112x128xf32, #tpu.memory_space<vmem_shared>>
        tpu.enqueue_indirect_dma source(%arg7 : memref<128x128xf32, #tpu.memory_space<vmem>>) target(%dma_start3A_675 : memref<10112x128xf32, #tpu.memory_space<vmem_shared>>) offsets(%dma_start3A_672 : memref<128xi32, #tpu.memory_space<vmem>>) semaphore(%run_scoped3A_665 : memref<!tpu.dma_semaphore, #tpu.memory_space<semaphore_mem>>) {add = true}
        %dma_wait3A_676 = arith.constant 0 : i32
        %dma_wait3A_677 = arith.constant 0 : i32
        %dma_wait3A_678 = tpu.memref_slice %arg6[%scan3A_410, %dma_wait3A_676, %dma_wait3A_677] : memref<2x16x128xi32, #tpu.memory_space<vmem>> -> memref<1x16x128xi32, #tpu.memory_space<vmem>>
        %dma_wait3A_679 = tpu.memref_squeeze %dma_wait3A_678 : memref<1x16x128xi32, #tpu.memory_space<vmem>> -> memref<16x128xi32, #tpu.memory_space<vmem>>
        %dma_wait3A_680 = arith.constant 0 : i32
        %dma_wait3A_681 = tpu.memref_slice %dma_wait3A_679[%mul3A_625, %dma_wait3A_680] : memref<16x128xi32, #tpu.memory_space<vmem>> -> memref<1x128xi32, #tpu.memory_space<vmem>>
        %dma_wait3A_682 = tpu.memref_squeeze %dma_wait3A_681 : memref<1x128xi32, #tpu.memory_space<vmem>> -> memref<128xi32, #tpu.memory_space<vmem>>
        %dma_wait3A_683 = arith.constant 0 : i32
        %dma_wait3A_684 = arith.constant 0 : i32
        %dma_wait3A_685 = tpu.memref_slice %arg9[%dma_wait3A_683, %dma_wait3A_684] : memref<10112x128xf32, #tpu.memory_space<vmem_shared>> -> memref<10112x128xf32, #tpu.memory_space<vmem_shared>>
        tpu.wait_indirect_dma semaphore(%run_scoped3A_665 : memref<!tpu.dma_semaphore, #tpu.memory_space<semaphore_mem>>) src(%arg7 : memref<128x128xf32, #tpu.memory_space<vmem>>) dst(%dma_wait3A_685 : memref<10112x128xf32, #tpu.memory_space<vmem_shared>>)
        tpu.yield
      }) : () -> ()
      %add3A_648 = arith.constant 1 : i32
      %add3A_649 = arith.addi %add3A_627, %add3A_648 : i32
      %lt3A_650 = arith.constant 16 : i32
      %lt3A_651 = arith.cmpi slt, %add3A_649, %lt3A_650 : i32
      %convert_element_type3A_652 = arith.extui %lt3A_651 : i1 to i32
      %cond3A_653 = arith.constant 0 : i32
      %cond3A_654 = arith.cmpi ne, %convert_element_type3A_652, %cond3A_653 : i32
      scf.if %cond3A_654 {
        %add3A_665 = arith.constant 1 : i32
        %add3A_666 = arith.addi %add3A_627, %add3A_665 : i32
        %dma_start3A_667 = arith.constant 0 : i32
        %dma_start3A_668 = arith.constant 0 : i32
        %dma_start3A_669 = tpu.memref_slice %arg5[%scan3A_409, %dma_start3A_667, %dma_start3A_668] : memref<2x16x128xi32, #tpu.memory_space<vmem>> -> memref<1x16x128xi32, #tpu.memory_space<vmem>>
        %dma_start3A_670 = tpu.memref_squeeze %dma_start3A_669 : memref<1x16x128xi32, #tpu.memory_space<vmem>> -> memref<16x128xi32, #tpu.memory_space<vmem>>
        %dma_start3A_671 = arith.constant 0 : i32
        %dma_start3A_672 = tpu.memref_slice %dma_start3A_670[%add3A_666, %dma_start3A_671] : memref<16x128xi32, #tpu.memory_space<vmem>> -> memref<1x128xi32, #tpu.memory_space<vmem>>
        %dma_start3A_673 = tpu.memref_squeeze %dma_start3A_672 : memref<1x128xi32, #tpu.memory_space<vmem>> -> memref<128xi32, #tpu.memory_space<vmem>>
        %dma_start3A_674 = arith.constant 0 : i32
        %dma_start3A_675 = arith.constant 0 : i32
        %dma_start3A_676 = tpu.memref_slice %arg3[%dma_start3A_674, %dma_start3A_675] : memref<10000x128xf32, #tpu.memory_space<hbm>> -> memref<10000x128xf32, #tpu.memory_space<hbm>>
        tpu.enqueue_indirect_dma source(%dma_start3A_676 : memref<10000x128xf32, #tpu.memory_space<hbm>>) target(%arg7 : memref<128x128xf32, #tpu.memory_space<vmem>>) offsets(%dma_start3A_673 : memref<128xi32, #tpu.memory_space<vmem>>) semaphore(%arg10 : memref<!tpu.dma_semaphore, #tpu.memory_space<semaphore_mem>>)
      } else {
      }
      %dma_wait3A_655 = arith.constant 0 : i32
      %dma_wait3A_656 = arith.constant 0 : i32
      %dma_wait3A_657 = tpu.memref_slice %arg5[%scan3A_409, %dma_wait3A_655, %dma_wait3A_656] : memref<2x16x128xi32, #tpu.memory_space<vmem>> -> memref<1x16x128xi32, #tpu.memory_space<vmem>>
      %dma_wait3A_658 = tpu.memref_squeeze %dma_wait3A_657 : memref<1x16x128xi32, #tpu.memory_space<vmem>> -> memref<16x128xi32, #tpu.memory_space<vmem>>
      %dma_wait3A_659 = arith.constant 0 : i32
      %dma_wait3A_660 = tpu.memref_slice %dma_wait3A_658[%add3A_627, %dma_wait3A_659] : memref<16x128xi32, #tpu.memory_space<vmem>> -> memref<1x128xi32, #tpu.memory_space<vmem>>
      %dma_wait3A_661 = tpu.memref_squeeze %dma_wait3A_660 : memref<1x128xi32, #tpu.memory_space<vmem>> -> memref<128xi32, #tpu.memory_space<vmem>>
      %dma_wait3A_662 = arith.constant 0 : i32
      %dma_wait3A_663 = arith.constant 0 : i32
      %dma_wait3A_664 = tpu.memref_slice %arg3[%dma_wait3A_662, %dma_wait3A_663] : memref<10000x128xf32, #tpu.memory_space<hbm>> -> memref<10000x128xf32, #tpu.memory_space<hbm>>
      tpu.wait_indirect_dma semaphore(%arg11 : memref<!tpu.dma_semaphore, #tpu.memory_space<semaphore_mem>>) src(%dma_wait3A_664 : memref<10000x128xf32, #tpu.memory_space<hbm>>) dst(%arg8 : memref<128x128xf32, #tpu.memory_space<vmem>>)
      "tpu.region"() ({
        %run_scoped3A_665 = tpu.sem_alloc : memref<!tpu.dma_semaphore, #tpu.memory_space<semaphore_mem>>
        %dma_start3A_666 = arith.constant 0 : i32
        %dma_start3A_667 = arith.constant 0 : i32
        %dma_start3A_668 = tpu.memref_slice %arg6[%scan3A_410, %dma_start3A_666, %dma_start3A_667] : memref<2x16x128xi32, #tpu.memory_space<vmem>> -> memref<1x16x128xi32, #tpu.memory_space<vmem>>
        %dma_start3A_669 = tpu.memref_squeeze %dma_start3A_668 : memref<1x16x128xi32, #tpu.memory_space<vmem>> -> memref<16x128xi32, #tpu.memory_space<vmem>>
        %dma_start3A_670 = arith.constant 0 : i32
        %dma_start3A_671 = tpu.memref_slice %dma_start3A_669[%add3A_627, %dma_start3A_670] : memref<16x128xi32, #tpu.memory_space<vmem>> -> memref<1x128xi32, #tpu.memory_space<vmem>>
        %dma_start3A_672 = tpu.memref_squeeze %dma_start3A_671 : memref<1x128xi32, #tpu.memory_space<vmem>> -> memref<128xi32, #tpu.memory_space<vmem>>
        %dma_start3A_673 = arith.constant 0 : i32
        %dma_start3A_674 = arith.constant 0 : i32
        %dma_start3A_675 = tpu.memref_slice %arg9[%dma_start3A_673, %dma_start3A_674] : memref<10112x128xf32, #tpu.memory_space<vmem_shared>> -> memref<10112x128xf32, #tpu.memory_space<vmem_shared>>
        tpu.enqueue_indirect_dma source(%arg8 : memref<128x128xf32, #tpu.memory_space<vmem>>) target(%dma_start3A_675 : memref<10112x128xf32, #tpu.memory_space<vmem_shared>>) offsets(%dma_start3A_672 : memref<128xi32, #tpu.memory_space<vmem>>) semaphore(%run_scoped3A_665 : memref<!tpu.dma_semaphore, #tpu.memory_space<semaphore_mem>>) {add = true}
        %dma_wait3A_676 = arith.constant 0 : i32
        %dma_wait3A_677 = arith.constant 0 : i32
        %dma_wait3A_678 = tpu.memref_slice %arg6[%scan3A_410, %dma_wait3A_676, %dma_wait3A_677] : memref<2x16x128xi32, #tpu.memory_space<vmem>> -> memref<1x16x128xi32, #tpu.memory_space<vmem>>
        %dma_wait3A_679 = tpu.memref_squeeze %dma_wait3A_678 : memref<1x16x128xi32, #tpu.memory_space<vmem>> -> memref<16x128xi32, #tpu.memory_space<vmem>>
        %dma_wait3A_680 = arith.constant 0 : i32
        %dma_wait3A_681 = tpu.memref_slice %dma_wait3A_679[%add3A_627, %dma_wait3A_680] : memref<16x128xi32, #tpu.memory_space<vmem>> -> memref<1x128xi32, #tpu.memory_space<vmem>>
        %dma_wait3A_682 = tpu.memref_squeeze %dma_wait3A_681 : memref<1x128xi32, #tpu.memory_space<vmem>> -> memref<128xi32, #tpu.memory_space<vmem>>
        %dma_wait3A_683 = arith.constant 0 : i32
        %dma_wait3A_684 = arith.constant 0 : i32
        %dma_wait3A_685 = tpu.memref_slice %arg9[%dma_wait3A_683, %dma_wait3A_684] : memref<10112x128xf32, #tpu.memory_space<vmem_shared>> -> memref<10112x128xf32, #tpu.memory_space<vmem_shared>>
        tpu.wait_indirect_dma semaphore(%run_scoped3A_665 : memref<!tpu.dma_semaphore, #tpu.memory_space<semaphore_mem>>) src(%arg8 : memref<128x128xf32, #tpu.memory_space<vmem>>) dst(%dma_wait3A_685 : memref<10112x128xf32, #tpu.memory_space<vmem_shared>>)
        tpu.yield
      }) : () -> ()
    }
    %scan3A_415 = arith.constant 8 : i32
    %dma_wait3A_416 = arith.constant 0 : i32
    %dma_wait3A_417 = arith.constant 0 : i32
    %dma_wait3A_418 = arith.constant 0 : i32
    %dma_wait3A_419 = arith.constant 0 : i32
    %dma_wait3A_420 = tpu.memref_slice %arg5[%dma_wait3A_417, %dma_wait3A_418, %dma_wait3A_419] : memref<2x16x128xi32, #tpu.memory_space<vmem>> -> memref<1x16x128xi32, #tpu.memory_space<vmem>>
    %dma_wait3A_421 = tpu.memref_squeeze %dma_wait3A_420 : memref<1x16x128xi32, #tpu.memory_space<vmem>> -> memref<16x128xi32, #tpu.memory_space<vmem>>
    %dma_wait3A_422 = arith.constant 0 : i32
    %dma_wait3A_423 = arith.constant 0 : i32
    %dma_wait3A_424 = tpu.memref_slice %arg2[%dma_wait3A_416, %dma_wait3A_422, %dma_wait3A_423] : memref<2x2500x128xi32, #tpu.memory_space<hbm>> -> memref<1x2500x128xi32, #tpu.memory_space<hbm>>
    %dma_wait3A_425 = tpu.memref_squeeze %dma_wait3A_424 : memref<1x2500x128xi32, #tpu.memory_space<hbm>> -> memref<2500x128xi32, #tpu.memory_space<hbm>>
    %dma_wait3A_426 = arith.constant 0 : i32
    %dma_wait3A_427 = tpu.memref_slice %dma_wait3A_425[%add3A_350, %dma_wait3A_426] : memref<2500x128xi32, #tpu.memory_space<hbm>> -> memref<16x128xi32, #tpu.memory_space<hbm>>
    %dma_wait3A_428 = arith.constant 0 : i32
    %dma_wait3A_429 = arith.constant 0 : i32
    %dma_wait3A_430 = tpu.memref_slice %arg5[%dma_wait3A_417, %dma_wait3A_428, %dma_wait3A_429] : memref<2x16x128xi32, #tpu.memory_space<vmem>> -> memref<1x16x128xi32, #tpu.memory_space<vmem>>
    %dma_wait3A_431 = tpu.memref_squeeze %dma_wait3A_430 : memref<1x16x128xi32, #tpu.memory_space<vmem>> -> memref<16x128xi32, #tpu.memory_space<vmem>>
    %dma_wait3A_432 = arith.constant 0 : i32
    %dma_wait3A_433 = arith.constant 0 : i32
    %dma_wait3A_434 = tpu.memref_slice %arg2[%dma_wait3A_416, %dma_wait3A_432, %dma_wait3A_433] : memref<2x2500x128xi32, #tpu.memory_space<hbm>> -> memref<1x2500x128xi32, #tpu.memory_space<hbm>>
    %dma_wait3A_435 = tpu.memref_squeeze %dma_wait3A_434 : memref<1x2500x128xi32, #tpu.memory_space<hbm>> -> memref<2500x128xi32, #tpu.memory_space<hbm>>
    %dma_wait3A_436 = arith.constant 0 : i32
    %dma_wait3A_437 = tpu.memref_slice %dma_wait3A_435[%add3A_350, %dma_wait3A_436] : memref<2500x128xi32, #tpu.memory_space<hbm>> -> memref<16x128xi32, #tpu.memory_space<hbm>>
    tpu.wait_dma2 semaphore(%arg12 : memref<!tpu.dma_semaphore, #tpu.memory_space<semaphore_mem>>) src(%dma_wait3A_437 : memref<16x128xi32, #tpu.memory_space<hbm>>) dst(%dma_wait3A_431 : memref<16x128xi32, #tpu.memory_space<vmem>>)
    %dma_wait3A_438 = arith.constant 1 : i32
    %dma_wait3A_439 = arith.constant 0 : i32
    %dma_wait3A_440 = arith.constant 0 : i32
    %dma_wait3A_441 = arith.constant 0 : i32
    %dma_wait3A_442 = tpu.memref_slice %arg6[%dma_wait3A_439, %dma_wait3A_440, %dma_wait3A_441] : memref<2x16x128xi32, #tpu.memory_space<vmem>> -> memref<1x16x128xi32, #tpu.memory_space<vmem>>
    %dma_wait3A_443 = tpu.memref_squeeze %dma_wait3A_442 : memref<1x16x128xi32, #tpu.memory_space<vmem>> -> memref<16x128xi32, #tpu.memory_space<vmem>>
    %dma_wait3A_444 = arith.constant 0 : i32
    %dma_wait3A_445 = arith.constant 0 : i32
    %dma_wait3A_446 = tpu.memref_slice %arg2[%dma_wait3A_438, %dma_wait3A_444, %dma_wait3A_445] : memref<2x2500x128xi32, #tpu.memory_space<hbm>> -> memref<1x2500x128xi32, #tpu.memory_space<hbm>>
    %dma_wait3A_447 = tpu.memref_squeeze %dma_wait3A_446 : memref<1x2500x128xi32, #tpu.memory_space<hbm>> -> memref<2500x128xi32, #tpu.memory_space<hbm>>
    %dma_wait3A_448 = arith.constant 0 : i32
    %dma_wait3A_449 = tpu.memref_slice %dma_wait3A_447[%add3A_374, %dma_wait3A_448] : memref<2500x128xi32, #tpu.memory_space<hbm>> -> memref<16x128xi32, #tpu.memory_space<hbm>>
    %dma_wait3A_450 = arith.constant 0 : i32
    %dma_wait3A_451 = arith.constant 0 : i32
    %dma_wait3A_452 = tpu.memref_slice %arg6[%dma_wait3A_439, %dma_wait3A_450, %dma_wait3A_451] : memref<2x16x128xi32, #tpu.memory_space<vmem>> -> memref<1x16x128xi32, #tpu.memory_space<vmem>>
    %dma_wait3A_453 = tpu.memref_squeeze %dma_wait3A_452 : memref<1x16x128xi32, #tpu.memory_space<vmem>> -> memref<16x128xi32, #tpu.memory_space<vmem>>
    %dma_wait3A_454 = arith.constant 0 : i32
    %dma_wait3A_455 = arith.constant 0 : i32
    %dma_wait3A_456 = tpu.memref_slice %arg2[%dma_wait3A_438, %dma_wait3A_454, %dma_wait3A_455] : memref<2x2500x128xi32, #tpu.memory_space<hbm>> -> memref<1x2500x128xi32, #tpu.memory_space<hbm>>
    %dma_wait3A_457 = tpu.memref_squeeze %dma_wait3A_456 : memref<1x2500x128xi32, #tpu.memory_space<hbm>> -> memref<2500x128xi32, #tpu.memory_space<hbm>>
    %dma_wait3A_458 = arith.constant 0 : i32
    %dma_wait3A_459 = tpu.memref_slice %dma_wait3A_457[%add3A_374, %dma_wait3A_458] : memref<2500x128xi32, #tpu.memory_space<hbm>> -> memref<16x128xi32, #tpu.memory_space<hbm>>
    tpu.wait_dma2 semaphore(%arg12 : memref<!tpu.dma_semaphore, #tpu.memory_space<semaphore_mem>>) src(%dma_wait3A_459 : memref<16x128xi32, #tpu.memory_space<hbm>>) dst(%dma_wait3A_453 : memref<16x128xi32, #tpu.memory_space<vmem>>)
    %dma_start3A_460 = arith.constant 0 : i32
    %dma_start3A_461 = arith.constant 0 : i32
    %dma_start3A_462 = arith.constant 0 : i32
    %dma_start3A_463 = arith.constant 0 : i32
    %dma_start3A_464 = tpu.memref_slice %arg5[%dma_start3A_460, %dma_start3A_462, %dma_start3A_463] : memref<2x16x128xi32, #tpu.memory_space<vmem>> -> memref<1x16x128xi32, #tpu.memory_space<vmem>>
    %dma_start3A_465 = tpu.memref_squeeze %dma_start3A_464 : memref<1x16x128xi32, #tpu.memory_space<vmem>> -> memref<16x128xi32, #tpu.memory_space<vmem>>
    %dma_start3A_466 = arith.constant 0 : i32
    %dma_start3A_467 = tpu.memref_slice %dma_start3A_465[%dma_start3A_461, %dma_start3A_466] : memref<16x128xi32, #tpu.memory_space<vmem>> -> memref<1x128xi32, #tpu.memory_space<vmem>>
    %dma_start3A_468 = tpu.memref_squeeze %dma_start3A_467 : memref<1x128xi32, #tpu.memory_space<vmem>> -> memref<128xi32, #tpu.memory_space<vmem>>
    %dma_start3A_469 = arith.constant 0 : i32
    %dma_start3A_470 = arith.constant 0 : i32
    %dma_start3A_471 = tpu.memref_slice %arg3[%dma_start3A_469, %dma_start3A_470] : memref<10000x128xf32, #tpu.memory_space<hbm>> -> memref<10000x128xf32, #tpu.memory_space<hbm>>
    tpu.enqueue_indirect_dma source(%dma_start3A_471 : memref<10000x128xf32, #tpu.memory_space<hbm>>) target(%arg7 : memref<128x128xf32, #tpu.memory_space<vmem>>) offsets(%dma_start3A_468 : memref<128xi32, #tpu.memory_space<vmem>>) semaphore(%arg10 : memref<!tpu.dma_semaphore, #tpu.memory_space<semaphore_mem>>)
    %scan3A_472 = arith.constant 0 : i32
    %scan3A_473 = arith.constant 0 : i32
    %scan3A_474 = arith.constant 0 : i32
    %scan3A_475 = arith.constant 7 : i32
    %scan3A_476 = arith.addi %scan3A_474, %scan3A_475 : i32
    %scan3A_477 = arith.constant 1 : i32
    scf.for %scan3A_619 = %scan3A_474 to %scan3A_476 step %scan3A_477  : i32 {
      %mul3A_620 = arith.constant 1 : i32
      %mul3A_621 = arith.muli %scan3A_619, %mul3A_620 : i32
      %add3A_622 = arith.constant 0 : i32
      %add3A_623 = arith.addi %add3A_622, %mul3A_621 : i32
      %mul3A_624 = arith.constant 2 : i32
      %mul3A_625 = arith.muli %add3A_623, %mul3A_624 : i32
      %add3A_626 = arith.constant 1 : i32
      %add3A_627 = arith.addi %mul3A_625, %add3A_626 : i32
      %dma_start3A_628 = arith.constant 0 : i32
      %dma_start3A_629 = arith.constant 0 : i32
      %dma_start3A_630 = tpu.memref_slice %arg5[%scan3A_472, %dma_start3A_628, %dma_start3A_629] : memref<2x16x128xi32, #tpu.memory_space<vmem>> -> memref<1x16x128xi32, #tpu.memory_space<vmem>>
      %dma_start3A_631 = tpu.memref_squeeze %dma_start3A_630 : memref<1x16x128xi32, #tpu.memory_space<vmem>> -> memref<16x128xi32, #tpu.memory_space<vmem>>
      %dma_start3A_632 = arith.constant 0 : i32
      %dma_start3A_633 = tpu.memref_slice %dma_start3A_631[%add3A_627, %dma_start3A_632] : memref<16x128xi32, #tpu.memory_space<vmem>> -> memref<1x128xi32, #tpu.memory_space<vmem>>
      %dma_start3A_634 = tpu.memref_squeeze %dma_start3A_633 : memref<1x128xi32, #tpu.memory_space<vmem>> -> memref<128xi32, #tpu.memory_space<vmem>>
      %dma_start3A_635 = arith.constant 0 : i32
      %dma_start3A_636 = arith.constant 0 : i32
      %dma_start3A_637 = tpu.memref_slice %arg3[%dma_start3A_635, %dma_start3A_636] : memref<10000x128xf32, #tpu.memory_space<hbm>> -> memref<10000x128xf32, #tpu.memory_space<hbm>>
      tpu.enqueue_indirect_dma source(%dma_start3A_637 : memref<10000x128xf32, #tpu.memory_space<hbm>>) target(%arg8 : memref<128x128xf32, #tpu.memory_space<vmem>>) offsets(%dma_start3A_634 : memref<128xi32, #tpu.memory_space<vmem>>) semaphore(%arg11 : memref<!tpu.dma_semaphore, #tpu.memory_space<semaphore_mem>>)
      %dma_wait3A_638 = arith.constant 0 : i32
      %dma_wait3A_639 = arith.constant 0 : i32
      %dma_wait3A_640 = tpu.memref_slice %arg5[%scan3A_472, %dma_wait3A_638, %dma_wait3A_639] : memref<2x16x128xi32, #tpu.memory_space<vmem>> -> memref<1x16x128xi32, #tpu.memory_space<vmem>>
      %dma_wait3A_641 = tpu.memref_squeeze %dma_wait3A_640 : memref<1x16x128xi32, #tpu.memory_space<vmem>> -> memref<16x128xi32, #tpu.memory_space<vmem>>
      %dma_wait3A_642 = arith.constant 0 : i32
      %dma_wait3A_643 = tpu.memref_slice %dma_wait3A_641[%mul3A_625, %dma_wait3A_642] : memref<16x128xi32, #tpu.memory_space<vmem>> -> memref<1x128xi32, #tpu.memory_space<vmem>>
      %dma_wait3A_644 = tpu.memref_squeeze %dma_wait3A_643 : memref<1x128xi32, #tpu.memory_space<vmem>> -> memref<128xi32, #tpu.memory_space<vmem>>
      %dma_wait3A_645 = arith.constant 0 : i32
      %dma_wait3A_646 = arith.constant 0 : i32
      %dma_wait3A_647 = tpu.memref_slice %arg3[%dma_wait3A_645, %dma_wait3A_646] : memref<10000x128xf32, #tpu.memory_space<hbm>> -> memref<10000x128xf32, #tpu.memory_space<hbm>>
      tpu.wait_indirect_dma semaphore(%arg10 : memref<!tpu.dma_semaphore, #tpu.memory_space<semaphore_mem>>) src(%dma_wait3A_647 : memref<10000x128xf32, #tpu.memory_space<hbm>>) dst(%arg7 : memref<128x128xf32, #tpu.memory_space<vmem>>)
      "tpu.region"() ({
        %run_scoped3A_665 = tpu.sem_alloc : memref<!tpu.dma_semaphore, #tpu.memory_space<semaphore_mem>>
        %dma_start3A_666 = arith.constant 0 : i32
        %dma_start3A_667 = arith.constant 0 : i32
        %dma_start3A_668 = tpu.memref_slice %arg6[%scan3A_473, %dma_start3A_666, %dma_start3A_667] : memref<2x16x128xi32, #tpu.memory_space<vmem>> -> memref<1x16x128xi32, #tpu.memory_space<vmem>>
        %dma_start3A_669 = tpu.memref_squeeze %dma_start3A_668 : memref<1x16x128xi32, #tpu.memory_space<vmem>> -> memref<16x128xi32, #tpu.memory_space<vmem>>
        %dma_start3A_670 = arith.constant 0 : i32
        %dma_start3A_671 = tpu.memref_slice %dma_start3A_669[%mul3A_625, %dma_start3A_670] : memref<16x128xi32, #tpu.memory_space<vmem>> -> memref<1x128xi32, #tpu.memory_space<vmem>>
        %dma_start3A_672 = tpu.memref_squeeze %dma_start3A_671 : memref<1x128xi32, #tpu.memory_space<vmem>> -> memref<128xi32, #tpu.memory_space<vmem>>
        %dma_start3A_673 = arith.constant 0 : i32
        %dma_start3A_674 = arith.constant 0 : i32
        %dma_start3A_675 = tpu.memref_slice %arg9[%dma_start3A_673, %dma_start3A_674] : memref<10112x128xf32, #tpu.memory_space<vmem_shared>> -> memref<10112x128xf32, #tpu.memory_space<vmem_shared>>
        tpu.enqueue_indirect_dma source(%arg7 : memref<128x128xf32, #tpu.memory_space<vmem>>) target(%dma_start3A_675 : memref<10112x128xf32, #tpu.memory_space<vmem_shared>>) offsets(%dma_start3A_672 : memref<128xi32, #tpu.memory_space<vmem>>) semaphore(%run_scoped3A_665 : memref<!tpu.dma_semaphore, #tpu.memory_space<semaphore_mem>>) {add = true}
        %dma_wait3A_676 = arith.constant 0 : i32
        %dma_wait3A_677 = arith.constant 0 : i32
        %dma_wait3A_678 = tpu.memref_slice %arg6[%scan3A_473, %dma_wait3A_676, %dma_wait3A_677] : memref<2x16x128xi32, #tpu.memory_space<vmem>> -> memref<1x16x128xi32, #tpu.memory_space<vmem>>
        %dma_wait3A_679 = tpu.memref_squeeze %dma_wait3A_678 : memref<1x16x128xi32, #tpu.memory_space<vmem>> -> memref<16x128xi32, #tpu.memory_space<vmem>>
        %dma_wait3A_680 = arith.constant 0 : i32
        %dma_wait3A_681 = tpu.memref_slice %dma_wait3A_679[%mul3A_625, %dma_wait3A_680] : memref<16x128xi32, #tpu.memory_space<vmem>> -> memref<1x128xi32, #tpu.memory_space<vmem>>
        %dma_wait3A_682 = tpu.memref_squeeze %dma_wait3A_681 : memref<1x128xi32, #tpu.memory_space<vmem>> -> memref<128xi32, #tpu.memory_space<vmem>>
        %dma_wait3A_683 = arith.constant 0 : i32
        %dma_wait3A_684 = arith.constant 0 : i32
        %dma_wait3A_685 = tpu.memref_slice %arg9[%dma_wait3A_683, %dma_wait3A_684] : memref<10112x128xf32, #tpu.memory_space<vmem_shared>> -> memref<10112x128xf32, #tpu.memory_space<vmem_shared>>
        tpu.wait_indirect_dma semaphore(%run_scoped3A_665 : memref<!tpu.dma_semaphore, #tpu.memory_space<semaphore_mem>>) src(%arg7 : memref<128x128xf32, #tpu.memory_space<vmem>>) dst(%dma_wait3A_685 : memref<10112x128xf32, #tpu.memory_space<vmem_shared>>)
        tpu.yield
      }) : () -> ()
      %add3A_648 = arith.constant 1 : i32
      %add3A_649 = arith.addi %add3A_627, %add3A_648 : i32
      %lt3A_650 = arith.constant 14 : i32
      %lt3A_651 = arith.cmpi slt, %add3A_649, %lt3A_650 : i32
      %convert_element_type3A_652 = arith.extui %lt3A_651 : i1 to i32
      %cond3A_653 = arith.constant 0 : i32
      %cond3A_654 = arith.cmpi ne, %convert_element_type3A_652, %cond3A_653 : i32
      scf.if %cond3A_654 {
        %add3A_665 = arith.constant 1 : i32
        %add3A_666 = arith.addi %add3A_627, %add3A_665 : i32
        %dma_start3A_667 = arith.constant 0 : i32
        %dma_start3A_668 = arith.constant 0 : i32
        %dma_start3A_669 = tpu.memref_slice %arg5[%scan3A_472, %dma_start3A_667, %dma_start3A_668] : memref<2x16x128xi32, #tpu.memory_space<vmem>> -> memref<1x16x128xi32, #tpu.memory_space<vmem>>
        %dma_start3A_670 = tpu.memref_squeeze %dma_start3A_669 : memref<1x16x128xi32, #tpu.memory_space<vmem>> -> memref<16x128xi32, #tpu.memory_space<vmem>>
        %dma_start3A_671 = arith.constant 0 : i32
        %dma_start3A_672 = tpu.memref_slice %dma_start3A_670[%add3A_666, %dma_start3A_671] : memref<16x128xi32, #tpu.memory_space<vmem>> -> memref<1x128xi32, #tpu.memory_space<vmem>>
        %dma_start3A_673 = tpu.memref_squeeze %dma_start3A_672 : memref<1x128xi32, #tpu.memory_space<vmem>> -> memref<128xi32, #tpu.memory_space<vmem>>
        %dma_start3A_674 = arith.constant 0 : i32
        %dma_start3A_675 = arith.constant 0 : i32
        %dma_start3A_676 = tpu.memref_slice %arg3[%dma_start3A_674, %dma_start3A_675] : memref<10000x128xf32, #tpu.memory_space<hbm>> -> memref<10000x128xf32, #tpu.memory_space<hbm>>
        tpu.enqueue_indirect_dma source(%dma_start3A_676 : memref<10000x128xf32, #tpu.memory_space<hbm>>) target(%arg7 : memref<128x128xf32, #tpu.memory_space<vmem>>) offsets(%dma_start3A_673 : memref<128xi32, #tpu.memory_space<vmem>>) semaphore(%arg10 : memref<!tpu.dma_semaphore, #tpu.memory_space<semaphore_mem>>)
      } else {
      }
      %dma_wait3A_655 = arith.constant 0 : i32
      %dma_wait3A_656 = arith.constant 0 : i32
      %dma_wait3A_657 = tpu.memref_slice %arg5[%scan3A_472, %dma_wait3A_655, %dma_wait3A_656] : memref<2x16x128xi32, #tpu.memory_space<vmem>> -> memref<1x16x128xi32, #tpu.memory_space<vmem>>
      %dma_wait3A_658 = tpu.memref_squeeze %dma_wait3A_657 : memref<1x16x128xi32, #tpu.memory_space<vmem>> -> memref<16x128xi32, #tpu.memory_space<vmem>>
      %dma_wait3A_659 = arith.constant 0 : i32
      %dma_wait3A_660 = tpu.memref_slice %dma_wait3A_658[%add3A_627, %dma_wait3A_659] : memref<16x128xi32, #tpu.memory_space<vmem>> -> memref<1x128xi32, #tpu.memory_space<vmem>>
      %dma_wait3A_661 = tpu.memref_squeeze %dma_wait3A_660 : memref<1x128xi32, #tpu.memory_space<vmem>> -> memref<128xi32, #tpu.memory_space<vmem>>
      %dma_wait3A_662 = arith.constant 0 : i32
      %dma_wait3A_663 = arith.constant 0 : i32
      %dma_wait3A_664 = tpu.memref_slice %arg3[%dma_wait3A_662, %dma_wait3A_663] : memref<10000x128xf32, #tpu.memory_space<hbm>> -> memref<10000x128xf32, #tpu.memory_space<hbm>>
      tpu.wait_indirect_dma semaphore(%arg11 : memref<!tpu.dma_semaphore, #tpu.memory_space<semaphore_mem>>) src(%dma_wait3A_664 : memref<10000x128xf32, #tpu.memory_space<hbm>>) dst(%arg8 : memref<128x128xf32, #tpu.memory_space<vmem>>)
      "tpu.region"() ({
        %run_scoped3A_665 = tpu.sem_alloc : memref<!tpu.dma_semaphore, #tpu.memory_space<semaphore_mem>>
        %dma_start3A_666 = arith.constant 0 : i32
        %dma_start3A_667 = arith.constant 0 : i32
        %dma_start3A_668 = tpu.memref_slice %arg6[%scan3A_473, %dma_start3A_666, %dma_start3A_667] : memref<2x16x128xi32, #tpu.memory_space<vmem>> -> memref<1x16x128xi32, #tpu.memory_space<vmem>>
        %dma_start3A_669 = tpu.memref_squeeze %dma_start3A_668 : memref<1x16x128xi32, #tpu.memory_space<vmem>> -> memref<16x128xi32, #tpu.memory_space<vmem>>
        %dma_start3A_670 = arith.constant 0 : i32
        %dma_start3A_671 = tpu.memref_slice %dma_start3A_669[%add3A_627, %dma_start3A_670] : memref<16x128xi32, #tpu.memory_space<vmem>> -> memref<1x128xi32, #tpu.memory_space<vmem>>
        %dma_start3A_672 = tpu.memref_squeeze %dma_start3A_671 : memref<1x128xi32, #tpu.memory_space<vmem>> -> memref<128xi32, #tpu.memory_space<vmem>>
        %dma_start3A_673 = arith.constant 0 : i32
        %dma_start3A_674 = arith.constant 0 : i32
        %dma_start3A_675 = tpu.memref_slice %arg9[%dma_start3A_673, %dma_start3A_674] : memref<10112x128xf32, #tpu.memory_space<vmem_shared>> -> memref<10112x128xf32, #tpu.memory_space<vmem_shared>>
        tpu.enqueue_indirect_dma source(%arg8 : memref<128x128xf32, #tpu.memory_space<vmem>>) target(%dma_start3A_675 : memref<10112x128xf32, #tpu.memory_space<vmem_shared>>) offsets(%dma_start3A_672 : memref<128xi32, #tpu.memory_space<vmem>>) semaphore(%run_scoped3A_665 : memref<!tpu.dma_semaphore, #tpu.memory_space<semaphore_mem>>) {add = true}
        %dma_wait3A_676 = arith.constant 0 : i32
        %dma_wait3A_677 = arith.constant 0 : i32
        %dma_wait3A_678 = tpu.memref_slice %arg6[%scan3A_473, %dma_wait3A_676, %dma_wait3A_677] : memref<2x16x128xi32, #tpu.memory_space<vmem>> -> memref<1x16x128xi32, #tpu.memory_space<vmem>>
        %dma_wait3A_679 = tpu.memref_squeeze %dma_wait3A_678 : memref<1x16x128xi32, #tpu.memory_space<vmem>> -> memref<16x128xi32, #tpu.memory_space<vmem>>
        %dma_wait3A_680 = arith.constant 0 : i32
        %dma_wait3A_681 = tpu.memref_slice %dma_wait3A_679[%add3A_627, %dma_wait3A_680] : memref<16x128xi32, #tpu.memory_space<vmem>> -> memref<1x128xi32, #tpu.memory_space<vmem>>
        %dma_wait3A_682 = tpu.memref_squeeze %dma_wait3A_681 : memref<1x128xi32, #tpu.memory_space<vmem>> -> memref<128xi32, #tpu.memory_space<vmem>>
        %dma_wait3A_683 = arith.constant 0 : i32
        %dma_wait3A_684 = arith.constant 0 : i32
        %dma_wait3A_685 = tpu.memref_slice %arg9[%dma_wait3A_683, %dma_wait3A_684] : memref<10112x128xf32, #tpu.memory_space<vmem_shared>> -> memref<10112x128xf32, #tpu.memory_space<vmem_shared>>
        tpu.wait_indirect_dma semaphore(%run_scoped3A_665 : memref<!tpu.dma_semaphore, #tpu.memory_space<semaphore_mem>>) src(%arg8 : memref<128x128xf32, #tpu.memory_space<vmem>>) dst(%dma_wait3A_685 : memref<10112x128xf32, #tpu.memory_space<vmem_shared>>)
        tpu.yield
      }) : () -> ()
    }
    %scan3A_478 = arith.constant 7 : i32
    %lt3A = arith.constant 4 : i32
    %lt3A_479 = arith.cmpi slt, %add3A, %lt3A : i32
    %convert_element_type3A = arith.extui %lt3A_479 : i1 to i32
    %cond3A = arith.constant 0 : i32
    %cond3A_480 = arith.constant 1 : i32
    %cond3A_481 = arith.constant 0 : i32
    %cond3A_482 = arith.cmpi ne, %convert_element_type3A, %cond3A_481 : i32
    scf.if %cond3A_482 {
      %run_scoped3A_619 = arith.constant 0 : i32
      "tpu.region"() ({
        %run_scoped3A_623 = tpu.sem_alloc : memref<!tpu.dma_semaphore, #tpu.memory_space<semaphore_mem>>
        %dma_start3A_624 = arith.constant 0 : i32
        %dma_start3A_625 = arith.constant 0 : i32
        %dma_start3A_626 = tpu.memref_slice %arg5[%run_scoped3A_619, %dma_start3A_624, %dma_start3A_625] : memref<2x16x128xi32, #tpu.memory_space<vmem>> -> memref<1x4x128xi32, #tpu.memory_space<vmem>>
        %dma_start3A_627 = tpu.memref_squeeze %dma_start3A_626 : memref<1x4x128xi32, #tpu.memory_space<vmem>> -> memref<4x128xi32, #tpu.memory_space<vmem>>
        %dma_start3A_628 = arith.constant 0 : i32
        %dma_start3A_629 = arith.constant 0 : i32
        %dma_start3A_630 = tpu.memref_slice %arg2[%cond3A, %dma_start3A_628, %dma_start3A_629] : memref<2x2500x128xi32, #tpu.memory_space<hbm>> -> memref<1x2500x128xi32, #tpu.memory_space<hbm>>
        %dma_start3A_631 = tpu.memref_squeeze %dma_start3A_630 : memref<1x2500x128xi32, #tpu.memory_space<hbm>> -> memref<2500x128xi32, #tpu.memory_space<hbm>>
        %dma_start3A_632 = arith.constant 2496 : i32
        %dma_start3A_633 = arith.constant 0 : i32
        %dma_start3A_634 = tpu.memref_slice %dma_start3A_631[%dma_start3A_632, %dma_start3A_633] : memref<2500x128xi32, #tpu.memory_space<hbm>> -> memref<4x128xi32, #tpu.memory_space<hbm>>
        %dma_start3A_635 = arith.constant 0 : i32
        %dma_start3A_636 = arith.constant 0 : i32
        %dma_start3A_637 = tpu.memref_slice %arg5[%run_scoped3A_619, %dma_start3A_635, %dma_start3A_636] : memref<2x16x128xi32, #tpu.memory_space<vmem>> -> memref<1x4x128xi32, #tpu.memory_space<vmem>>
        %dma_start3A_638 = tpu.memref_squeeze %dma_start3A_637 : memref<1x4x128xi32, #tpu.memory_space<vmem>> -> memref<4x128xi32, #tpu.memory_space<vmem>>
        %dma_start3A_639 = arith.constant 0 : i32
        %dma_start3A_640 = arith.constant 0 : i32
        %dma_start3A_641 = tpu.memref_slice %arg2[%cond3A, %dma_start3A_639, %dma_start3A_640] : memref<2x2500x128xi32, #tpu.memory_space<hbm>> -> memref<1x2500x128xi32, #tpu.memory_space<hbm>>
        %dma_start3A_642 = tpu.memref_squeeze %dma_start3A_641 : memref<1x2500x128xi32, #tpu.memory_space<hbm>> -> memref<2500x128xi32, #tpu.memory_space<hbm>>
        %dma_start3A_643 = arith.constant 2496 : i32
        %dma_start3A_644 = arith.constant 0 : i32
        %dma_start3A_645 = tpu.memref_slice %dma_start3A_642[%dma_start3A_643, %dma_start3A_644] : memref<2500x128xi32, #tpu.memory_space<hbm>> -> memref<4x128xi32, #tpu.memory_space<hbm>>
        tpu.enqueue_dma source(%dma_start3A_645 : memref<4x128xi32, #tpu.memory_space<hbm>>) target(%dma_start3A_638 : memref<4x128xi32, #tpu.memory_space<vmem>>) target_semaphore(%run_scoped3A_623 : memref<!tpu.dma_semaphore, #tpu.memory_space<semaphore_mem>>)
        %dma_wait3A_646 = arith.constant 0 : i32
        %dma_wait3A_647 = arith.constant 0 : i32
        %dma_wait3A_648 = tpu.memref_slice %arg5[%run_scoped3A_619, %dma_wait3A_646, %dma_wait3A_647] : memref<2x16x128xi32, #tpu.memory_space<vmem>> -> memref<1x4x128xi32, #tpu.memory_space<vmem>>
        %dma_wait3A_649 = tpu.memref_squeeze %dma_wait3A_648 : memref<1x4x128xi32, #tpu.memory_space<vmem>> -> memref<4x128xi32, #tpu.memory_space<vmem>>
        %dma_wait3A_650 = arith.constant 0 : i32
        %dma_wait3A_651 = arith.constant 0 : i32
        %dma_wait3A_652 = tpu.memref_slice %arg2[%cond3A, %dma_wait3A_650, %dma_wait3A_651] : memref<2x2500x128xi32, #tpu.memory_space<hbm>> -> memref<1x2500x128xi32, #tpu.memory_space<hbm>>
        %dma_wait3A_653 = tpu.memref_squeeze %dma_wait3A_652 : memref<1x2500x128xi32, #tpu.memory_space<hbm>> -> memref<2500x128xi32, #tpu.memory_space<hbm>>
        %dma_wait3A_654 = arith.constant 2496 : i32
        %dma_wait3A_655 = arith.constant 0 : i32
        %dma_wait3A_656 = tpu.memref_slice %dma_wait3A_653[%dma_wait3A_654, %dma_wait3A_655] : memref<2500x128xi32, #tpu.memory_space<hbm>> -> memref<4x128xi32, #tpu.memory_space<hbm>>
        %dma_wait3A_657 = arith.constant 0 : i32
        %dma_wait3A_658 = arith.constant 0 : i32
        %dma_wait3A_659 = tpu.memref_slice %arg5[%run_scoped3A_619, %dma_wait3A_657, %dma_wait3A_658] : memref<2x16x128xi32, #tpu.memory_space<vmem>> -> memref<1x4x128xi32, #tpu.memory_space<vmem>>
        %dma_wait3A_660 = tpu.memref_squeeze %dma_wait3A_659 : memref<1x4x128xi32, #tpu.memory_space<vmem>> -> memref<4x128xi32, #tpu.memory_space<vmem>>
        %dma_wait3A_661 = arith.constant 0 : i32
        %dma_wait3A_662 = arith.constant 0 : i32
        %dma_wait3A_663 = tpu.memref_slice %arg2[%cond3A, %dma_wait3A_661, %dma_wait3A_662] : memref<2x2500x128xi32, #tpu.memory_space<hbm>> -> memref<1x2500x128xi32, #tpu.memory_space<hbm>>
        %dma_wait3A_664 = tpu.memref_squeeze %dma_wait3A_663 : memref<1x2500x128xi32, #tpu.memory_space<hbm>> -> memref<2500x128xi32, #tpu.memory_space<hbm>>
        %dma_wait3A_665 = arith.constant 2496 : i32
        %dma_wait3A_666 = arith.constant 0 : i32
        %dma_wait3A_667 = tpu.memref_slice %dma_wait3A_664[%dma_wait3A_665, %dma_wait3A_666] : memref<2500x128xi32, #tpu.memory_space<hbm>> -> memref<4x128xi32, #tpu.memory_space<hbm>>
        tpu.wait_dma2 semaphore(%run_scoped3A_623 : memref<!tpu.dma_semaphore, #tpu.memory_space<semaphore_mem>>) src(%dma_wait3A_667 : memref<4x128xi32, #tpu.memory_space<hbm>>) dst(%dma_wait3A_660 : memref<4x128xi32, #tpu.memory_space<vmem>>)
        tpu.yield
      }) : () -> ()
      %run_scoped3A_620 = arith.constant 0 : i32
      "tpu.region"() ({
        %run_scoped3A_623 = tpu.sem_alloc : memref<!tpu.dma_semaphore, #tpu.memory_space<semaphore_mem>>
        %dma_start3A_624 = arith.constant 0 : i32
        %dma_start3A_625 = arith.constant 0 : i32
        %dma_start3A_626 = tpu.memref_slice %arg6[%run_scoped3A_620, %dma_start3A_624, %dma_start3A_625] : memref<2x16x128xi32, #tpu.memory_space<vmem>> -> memref<1x4x128xi32, #tpu.memory_space<vmem>>
        %dma_start3A_627 = tpu.memref_squeeze %dma_start3A_626 : memref<1x4x128xi32, #tpu.memory_space<vmem>> -> memref<4x128xi32, #tpu.memory_space<vmem>>
        %dma_start3A_628 = arith.constant 0 : i32
        %dma_start3A_629 = arith.constant 0 : i32
        %dma_start3A_630 = tpu.memref_slice %arg2[%cond3A_480, %dma_start3A_628, %dma_start3A_629] : memref<2x2500x128xi32, #tpu.memory_space<hbm>> -> memref<1x2500x128xi32, #tpu.memory_space<hbm>>
        %dma_start3A_631 = tpu.memref_squeeze %dma_start3A_630 : memref<1x2500x128xi32, #tpu.memory_space<hbm>> -> memref<2500x128xi32, #tpu.memory_space<hbm>>
        %dma_start3A_632 = arith.constant 2496 : i32
        %dma_start3A_633 = arith.constant 0 : i32
        %dma_start3A_634 = tpu.memref_slice %dma_start3A_631[%dma_start3A_632, %dma_start3A_633] : memref<2500x128xi32, #tpu.memory_space<hbm>> -> memref<4x128xi32, #tpu.memory_space<hbm>>
        %dma_start3A_635 = arith.constant 0 : i32
        %dma_start3A_636 = arith.constant 0 : i32
        %dma_start3A_637 = tpu.memref_slice %arg6[%run_scoped3A_620, %dma_start3A_635, %dma_start3A_636] : memref<2x16x128xi32, #tpu.memory_space<vmem>> -> memref<1x4x128xi32, #tpu.memory_space<vmem>>
        %dma_start3A_638 = tpu.memref_squeeze %dma_start3A_637 : memref<1x4x128xi32, #tpu.memory_space<vmem>> -> memref<4x128xi32, #tpu.memory_space<vmem>>
        %dma_start3A_639 = arith.constant 0 : i32
        %dma_start3A_640 = arith.constant 0 : i32
        %dma_start3A_641 = tpu.memref_slice %arg2[%cond3A_480, %dma_start3A_639, %dma_start3A_640] : memref<2x2500x128xi32, #tpu.memory_space<hbm>> -> memref<1x2500x128xi32, #tpu.memory_space<hbm>>
        %dma_start3A_642 = tpu.memref_squeeze %dma_start3A_641 : memref<1x2500x128xi32, #tpu.memory_space<hbm>> -> memref<2500x128xi32, #tpu.memory_space<hbm>>
        %dma_start3A_643 = arith.constant 2496 : i32
        %dma_start3A_644 = arith.constant 0 : i32
        %dma_start3A_645 = tpu.memref_slice %dma_start3A_642[%dma_start3A_643, %dma_start3A_644] : memref<2500x128xi32, #tpu.memory_space<hbm>> -> memref<4x128xi32, #tpu.memory_space<hbm>>
        tpu.enqueue_dma source(%dma_start3A_645 : memref<4x128xi32, #tpu.memory_space<hbm>>) target(%dma_start3A_638 : memref<4x128xi32, #tpu.memory_space<vmem>>) target_semaphore(%run_scoped3A_623 : memref<!tpu.dma_semaphore, #tpu.memory_space<semaphore_mem>>)
        %dma_wait3A_646 = arith.constant 0 : i32
        %dma_wait3A_647 = arith.constant 0 : i32
        %dma_wait3A_648 = tpu.memref_slice %arg6[%run_scoped3A_620, %dma_wait3A_646, %dma_wait3A_647] : memref<2x16x128xi32, #tpu.memory_space<vmem>> -> memref<1x4x128xi32, #tpu.memory_space<vmem>>
        %dma_wait3A_649 = tpu.memref_squeeze %dma_wait3A_648 : memref<1x4x128xi32, #tpu.memory_space<vmem>> -> memref<4x128xi32, #tpu.memory_space<vmem>>
        %dma_wait3A_650 = arith.constant 0 : i32
        %dma_wait3A_651 = arith.constant 0 : i32
        %dma_wait3A_652 = tpu.memref_slice %arg2[%cond3A_480, %dma_wait3A_650, %dma_wait3A_651] : memref<2x2500x128xi32, #tpu.memory_space<hbm>> -> memref<1x2500x128xi32, #tpu.memory_space<hbm>>
        %dma_wait3A_653 = tpu.memref_squeeze %dma_wait3A_652 : memref<1x2500x128xi32, #tpu.memory_space<hbm>> -> memref<2500x128xi32, #tpu.memory_space<hbm>>
        %dma_wait3A_654 = arith.constant 2496 : i32
        %dma_wait3A_655 = arith.constant 0 : i32
        %dma_wait3A_656 = tpu.memref_slice %dma_wait3A_653[%dma_wait3A_654, %dma_wait3A_655] : memref<2500x128xi32, #tpu.memory_space<hbm>> -> memref<4x128xi32, #tpu.memory_space<hbm>>
        %dma_wait3A_657 = arith.constant 0 : i32
        %dma_wait3A_658 = arith.constant 0 : i32
        %dma_wait3A_659 = tpu.memref_slice %arg6[%run_scoped3A_620, %dma_wait3A_657, %dma_wait3A_658] : memref<2x16x128xi32, #tpu.memory_space<vmem>> -> memref<1x4x128xi32, #tpu.memory_space<vmem>>
        %dma_wait3A_660 = tpu.memref_squeeze %dma_wait3A_659 : memref<1x4x128xi32, #tpu.memory_space<vmem>> -> memref<4x128xi32, #tpu.memory_space<vmem>>
        %dma_wait3A_661 = arith.constant 0 : i32
        %dma_wait3A_662 = arith.constant 0 : i32
        %dma_wait3A_663 = tpu.memref_slice %arg2[%cond3A_480, %dma_wait3A_661, %dma_wait3A_662] : memref<2x2500x128xi32, #tpu.memory_space<hbm>> -> memref<1x2500x128xi32, #tpu.memory_space<hbm>>
        %dma_wait3A_664 = tpu.memref_squeeze %dma_wait3A_663 : memref<1x2500x128xi32, #tpu.memory_space<hbm>> -> memref<2500x128xi32, #tpu.memory_space<hbm>>
        %dma_wait3A_665 = arith.constant 2496 : i32
        %dma_wait3A_666 = arith.constant 0 : i32
        %dma_wait3A_667 = tpu.memref_slice %dma_wait3A_664[%dma_wait3A_665, %dma_wait3A_666] : memref<2500x128xi32, #tpu.memory_space<hbm>> -> memref<4x128xi32, #tpu.memory_space<hbm>>
        tpu.wait_dma2 semaphore(%run_scoped3A_623 : memref<!tpu.dma_semaphore, #tpu.memory_space<semaphore_mem>>) src(%dma_wait3A_667 : memref<4x128xi32, #tpu.memory_space<hbm>>) dst(%dma_wait3A_660 : memref<4x128xi32, #tpu.memory_space<vmem>>)
        tpu.yield
      }) : () -> ()
      %run_scoped3A_621 = arith.constant 0 : i32
      "tpu.region"() ({
        %run_scoped3A_623 = tpu.sem_alloc : memref<!tpu.dma_semaphore, #tpu.memory_space<semaphore_mem>>
        %dma_start3A_624 = arith.constant 0 : i32
        %dma_start3A_625 = tpu.memref_slice %arg5[%run_scoped3A_621, %add3A, %dma_start3A_624] : memref<2x16x128xi32, #tpu.memory_space<vmem>> -> memref<1x1x128xi32, #tpu.memory_space<vmem>>
        %dma_start3A_626 = tpu.memref_squeeze %dma_start3A_625 : memref<1x1x128xi32, #tpu.memory_space<vmem>> -> memref<128xi32, #tpu.memory_space<vmem>>
        %dma_start3A_627 = arith.constant 0 : i32
        %dma_start3A_628 = arith.constant 0 : i32
        %dma_start3A_629 = tpu.memref_slice %arg3[%dma_start3A_627, %dma_start3A_628] : memref<10000x128xf32, #tpu.memory_space<hbm>> -> memref<10000x128xf32, #tpu.memory_space<hbm>>
        tpu.enqueue_indirect_dma source(%dma_start3A_629 : memref<10000x128xf32, #tpu.memory_space<hbm>>) target(%arg7 : memref<128x128xf32, #tpu.memory_space<vmem>>) offsets(%dma_start3A_626 : memref<128xi32, #tpu.memory_space<vmem>>) semaphore(%run_scoped3A_623 : memref<!tpu.dma_semaphore, #tpu.memory_space<semaphore_mem>>)
        %dma_wait3A_630 = arith.constant 0 : i32
        %dma_wait3A_631 = tpu.memref_slice %arg5[%run_scoped3A_621, %add3A, %dma_wait3A_630] : memref<2x16x128xi32, #tpu.memory_space<vmem>> -> memref<1x1x128xi32, #tpu.memory_space<vmem>>
        %dma_wait3A_632 = tpu.memref_squeeze %dma_wait3A_631 : memref<1x1x128xi32, #tpu.memory_space<vmem>> -> memref<128xi32, #tpu.memory_space<vmem>>
        %dma_wait3A_633 = arith.constant 0 : i32
        %dma_wait3A_634 = arith.constant 0 : i32
        %dma_wait3A_635 = tpu.memref_slice %arg3[%dma_wait3A_633, %dma_wait3A_634] : memref<10000x128xf32, #tpu.memory_space<hbm>> -> memref<10000x128xf32, #tpu.memory_space<hbm>>
        tpu.wait_indirect_dma semaphore(%run_scoped3A_623 : memref<!tpu.dma_semaphore, #tpu.memory_space<semaphore_mem>>) src(%dma_wait3A_635 : memref<10000x128xf32, #tpu.memory_space<hbm>>) dst(%arg7 : memref<128x128xf32, #tpu.memory_space<vmem>>)
        tpu.yield
      }) : () -> ()
      %run_scoped3A_622 = arith.constant 0 : i32
      "tpu.region"() ({
        %run_scoped3A_623 = tpu.sem_alloc : memref<!tpu.dma_semaphore, #tpu.memory_space<semaphore_mem>>
        %dma_start3A_624 = arith.constant 0 : i32
        %dma_start3A_625 = tpu.memref_slice %arg6[%run_scoped3A_622, %add3A, %dma_start3A_624] : memref<2x16x128xi32, #tpu.memory_space<vmem>> -> memref<1x1x128xi32, #tpu.memory_space<vmem>>
        %dma_start3A_626 = tpu.memref_squeeze %dma_start3A_625 : memref<1x1x128xi32, #tpu.memory_space<vmem>> -> memref<128xi32, #tpu.memory_space<vmem>>
        %dma_start3A_627 = arith.constant 0 : i32
        %dma_start3A_628 = arith.constant 0 : i32
        %dma_start3A_629 = tpu.memref_slice %arg9[%dma_start3A_627, %dma_start3A_628] : memref<10112x128xf32, #tpu.memory_space<vmem_shared>> -> memref<10112x128xf32, #tpu.memory_space<vmem_shared>>
        tpu.enqueue_indirect_dma source(%arg7 : memref<128x128xf32, #tpu.memory_space<vmem>>) target(%dma_start3A_629 : memref<10112x128xf32, #tpu.memory_space<vmem_shared>>) offsets(%dma_start3A_626 : memref<128xi32, #tpu.memory_space<vmem>>) semaphore(%run_scoped3A_623 : memref<!tpu.dma_semaphore, #tpu.memory_space<semaphore_mem>>) {add = true}
        %dma_wait3A_630 = arith.constant 0 : i32
        %dma_wait3A_631 = tpu.memref_slice %arg6[%run_scoped3A_622, %add3A, %dma_wait3A_630] : memref<2x16x128xi32, #tpu.memory_space<vmem>> -> memref<1x1x128xi32, #tpu.memory_space<vmem>>
        %dma_wait3A_632 = tpu.memref_squeeze %dma_wait3A_631 : memref<1x1x128xi32, #tpu.memory_space<vmem>> -> memref<128xi32, #tpu.memory_space<vmem>>
        %dma_wait3A_633 = arith.constant 0 : i32
        %dma_wait3A_634 = arith.constant 0 : i32
        %dma_wait3A_635 = tpu.memref_slice %arg9[%dma_wait3A_633, %dma_wait3A_634] : memref<10112x128xf32, #tpu.memory_space<vmem_shared>> -> memref<10112x128xf32, #tpu.memory_space<vmem_shared>>
        tpu.wait_indirect_dma semaphore(%run_scoped3A_623 : memref<!tpu.dma_semaphore, #tpu.memory_space<semaphore_mem>>) src(%arg7 : memref<128x128xf32, #tpu.memory_space<vmem>>) dst(%dma_wait3A_635 : memref<10112x128xf32, #tpu.memory_space<vmem_shared>>)
        tpu.yield
      }) : () -> ()
    } else {
    }
    %barrier3A_483 = arith.constant 0 : index
    tpu.barrier barrier_id(%barrier3A_483)
    %mul3A_484 = arith.constant 632 : i32
    %mul3A_485 = arith.muli %arg1, %mul3A_484 : i32
    %mul3A_486 = arith.constant 10112 : i32
    %mul3A_487 = arith.muli %arg0, %mul3A_486 : i32
    %add3A_488 = arith.addi %mul3A_487, %mul3A_485 : i32
    %add3A_489 = arith.constant 0 : i32
    %add3A_490 = arith.addi %mul3A_485, %add3A_489 : i32
    "tpu.region"() ({
      %run_scoped3A_619 = tpu.sem_alloc : memref<!tpu.dma_semaphore, #tpu.memory_space<semaphore_mem>>
      %dma_start3A_620 = arith.constant 0 : i32
      %dma_start3A_621 = arith.constant 0 : i32
      %dma_start3A_622 = tpu.memref_slice %arg7[%dma_start3A_620, %dma_start3A_621] : memref<128x128xf32, #tpu.memory_space<vmem>> -> memref<128x128xf32, #tpu.memory_space<vmem>>
      %dma_start3A_623 = arith.constant 0 : i32
      %dma_start3A_624 = tpu.memref_slice %arg9[%add3A_490, %dma_start3A_623] : memref<10112x128xf32, #tpu.memory_space<vmem_shared>> -> memref<128x128xf32, #tpu.memory_space<vmem_shared>>
      %dma_start3A_625 = arith.constant 0 : i32
      %dma_start3A_626 = arith.constant 0 : i32
      %dma_start3A_627 = tpu.memref_slice %arg7[%dma_start3A_625, %dma_start3A_626] : memref<128x128xf32, #tpu.memory_space<vmem>> -> memref<128x128xf32, #tpu.memory_space<vmem>>
      %dma_start3A_628 = arith.constant 0 : i32
      %dma_start3A_629 = tpu.memref_slice %arg9[%add3A_490, %dma_start3A_628] : memref<10112x128xf32, #tpu.memory_space<vmem_shared>> -> memref<128x128xf32, #tpu.memory_space<vmem_shared>>
      tpu.enqueue_dma source(%dma_start3A_629 : memref<128x128xf32, #tpu.memory_space<vmem_shared>>) target(%dma_start3A_627 : memref<128x128xf32, #tpu.memory_space<vmem>>) target_semaphore(%run_scoped3A_619 : memref<!tpu.dma_semaphore, #tpu.memory_space<semaphore_mem>>)
      %dma_wait3A_630 = arith.constant 0 : i32
      %dma_wait3A_631 = arith.constant 0 : i32
      %dma_wait3A_632 = tpu.memref_slice %arg7[%dma_wait3A_630, %dma_wait3A_631] : memref<128x128xf32, #tpu.memory_space<vmem>> -> memref<128x128xf32, #tpu.memory_space<vmem>>
      %dma_wait3A_633 = arith.constant 0 : i32
      %dma_wait3A_634 = tpu.memref_slice %arg9[%add3A_490, %dma_wait3A_633] : memref<10112x128xf32, #tpu.memory_space<vmem_shared>> -> memref<128x128xf32, #tpu.memory_space<vmem_shared>>
      %dma_wait3A_635 = arith.constant 0 : i32
      %dma_wait3A_636 = arith.constant 0 : i32
      %dma_wait3A_637 = tpu.memref_slice %arg7[%dma_wait3A_635, %dma_wait3A_636] : memref<128x128xf32, #tpu.memory_space<vmem>> -> memref<128x128xf32, #tpu.memory_space<vmem>>
      %dma_wait3A_638 = arith.constant 0 : i32
      %dma_wait3A_639 = tpu.memref_slice %arg9[%add3A_490, %dma_wait3A_638] : memref<10112x128xf32, #tpu.memory_space<vmem_shared>> -> memref<128x128xf32, #tpu.memory_space<vmem_shared>>
      tpu.wait_dma2 semaphore(%run_scoped3A_619 : memref<!tpu.dma_semaphore, #tpu.memory_space<semaphore_mem>>) src(%dma_wait3A_639 : memref<128x128xf32, #tpu.memory_space<vmem_shared>>) dst(%dma_wait3A_637 : memref<128x128xf32, #tpu.memory_space<vmem>>)
      tpu.yield
    }) : () -> ()
    %add3A_491 = arith.constant 0 : i32
    %add3A_492 = arith.addi %add3A_488, %add3A_491 : i32
    %dma_start3A_493 = arith.constant 0 : i32
    %dma_start3A_494 = arith.constant 0 : i32
    %dma_start3A_495 = tpu.memref_slice %arg7[%dma_start3A_493, %dma_start3A_494] : memref<128x128xf32, #tpu.memory_space<vmem>> -> memref<128x128xf32, #tpu.memory_space<vmem>>
    %dma_start3A_496 = arith.constant 0 : i32
    %dma_start3A_497 = tpu.memref_slice %arg4[%add3A_492, %dma_start3A_496] : memref<20224x128xf32, #tpu.memory_space<hbm>> -> memref<128x128xf32, #tpu.memory_space<hbm>>
    %dma_start3A_498 = arith.constant 0 : i32
    %dma_start3A_499 = tpu.memref_slice %arg4[%add3A_492, %dma_start3A_498] : memref<20224x128xf32, #tpu.memory_space<hbm>> -> memref<128x128xf32, #tpu.memory_space<hbm>>
    %dma_start3A_500 = arith.constant 0 : i32
    %dma_start3A_501 = arith.constant 0 : i32
    %dma_start3A_502 = tpu.memref_slice %arg7[%dma_start3A_500, %dma_start3A_501] : memref<128x128xf32, #tpu.memory_space<vmem>> -> memref<128x128xf32, #tpu.memory_space<vmem>>
    tpu.enqueue_dma source(%dma_start3A_502 : memref<128x128xf32, #tpu.memory_space<vmem>>) target(%dma_start3A_499 : memref<128x128xf32, #tpu.memory_space<hbm>>) target_semaphore(%arg12 : memref<!tpu.dma_semaphore, #tpu.memory_space<semaphore_mem>>)
    %add3A_503 = arith.constant 128 : i32
    %add3A_504 = arith.addi %mul3A_485, %add3A_503 : i32
    "tpu.region"() ({
      %run_scoped3A_619 = tpu.sem_alloc : memref<!tpu.dma_semaphore, #tpu.memory_space<semaphore_mem>>
      %dma_start3A_620 = arith.constant 0 : i32
      %dma_start3A_621 = arith.constant 0 : i32
      %dma_start3A_622 = tpu.memref_slice %arg8[%dma_start3A_620, %dma_start3A_621] : memref<128x128xf32, #tpu.memory_space<vmem>> -> memref<128x128xf32, #tpu.memory_space<vmem>>
      %dma_start3A_623 = arith.constant 0 : i32
      %dma_start3A_624 = tpu.memref_slice %arg9[%add3A_504, %dma_start3A_623] : memref<10112x128xf32, #tpu.memory_space<vmem_shared>> -> memref<128x128xf32, #tpu.memory_space<vmem_shared>>
      %dma_start3A_625 = arith.constant 0 : i32
      %dma_start3A_626 = arith.constant 0 : i32
      %dma_start3A_627 = tpu.memref_slice %arg8[%dma_start3A_625, %dma_start3A_626] : memref<128x128xf32, #tpu.memory_space<vmem>> -> memref<128x128xf32, #tpu.memory_space<vmem>>
      %dma_start3A_628 = arith.constant 0 : i32
      %dma_start3A_629 = tpu.memref_slice %arg9[%add3A_504, %dma_start3A_628] : memref<10112x128xf32, #tpu.memory_space<vmem_shared>> -> memref<128x128xf32, #tpu.memory_space<vmem_shared>>
      tpu.enqueue_dma source(%dma_start3A_629 : memref<128x128xf32, #tpu.memory_space<vmem_shared>>) target(%dma_start3A_627 : memref<128x128xf32, #tpu.memory_space<vmem>>) target_semaphore(%run_scoped3A_619 : memref<!tpu.dma_semaphore, #tpu.memory_space<semaphore_mem>>)
      %dma_wait3A_630 = arith.constant 0 : i32
      %dma_wait3A_631 = arith.constant 0 : i32
      %dma_wait3A_632 = tpu.memref_slice %arg8[%dma_wait3A_630, %dma_wait3A_631] : memref<128x128xf32, #tpu.memory_space<vmem>> -> memref<128x128xf32, #tpu.memory_space<vmem>>
      %dma_wait3A_633 = arith.constant 0 : i32
      %dma_wait3A_634 = tpu.memref_slice %arg9[%add3A_504, %dma_wait3A_633] : memref<10112x128xf32, #tpu.memory_space<vmem_shared>> -> memref<128x128xf32, #tpu.memory_space<vmem_shared>>
      %dma_wait3A_635 = arith.constant 0 : i32
      %dma_wait3A_636 = arith.constant 0 : i32
      %dma_wait3A_637 = tpu.memref_slice %arg8[%dma_wait3A_635, %dma_wait3A_636] : memref<128x128xf32, #tpu.memory_space<vmem>> -> memref<128x128xf32, #tpu.memory_space<vmem>>
      %dma_wait3A_638 = arith.constant 0 : i32
      %dma_wait3A_639 = tpu.memref_slice %arg9[%add3A_504, %dma_wait3A_638] : memref<10112x128xf32, #tpu.memory_space<vmem_shared>> -> memref<128x128xf32, #tpu.memory_space<vmem_shared>>
      tpu.wait_dma2 semaphore(%run_scoped3A_619 : memref<!tpu.dma_semaphore, #tpu.memory_space<semaphore_mem>>) src(%dma_wait3A_639 : memref<128x128xf32, #tpu.memory_space<vmem_shared>>) dst(%dma_wait3A_637 : memref<128x128xf32, #tpu.memory_space<vmem>>)
      tpu.yield
    }) : () -> ()
    %add3A_505 = arith.constant 128 : i32
    %add3A_506 = arith.addi %add3A_488, %add3A_505 : i32
    %dma_start3A_507 = arith.constant 0 : i32
    %dma_start3A_508 = arith.constant 0 : i32
    %dma_start3A_509 = tpu.memref_slice %arg8[%dma_start3A_507, %dma_start3A_508] : memref<128x128xf32, #tpu.memory_space<vmem>> -> memref<128x128xf32, #tpu.memory_space<vmem>>
    %dma_start3A_510 = arith.constant 0 : i32
    %dma_start3A_511 = tpu.memref_slice %arg4[%add3A_506, %dma_start3A_510] : memref<20224x128xf32, #tpu.memory_space<hbm>> -> memref<128x128xf32, #tpu.memory_space<hbm>>
    %dma_start3A_512 = arith.constant 0 : i32
    %dma_start3A_513 = tpu.memref_slice %arg4[%add3A_506, %dma_start3A_512] : memref<20224x128xf32, #tpu.memory_space<hbm>> -> memref<128x128xf32, #tpu.memory_space<hbm>>
    %dma_start3A_514 = arith.constant 0 : i32
    %dma_start3A_515 = arith.constant 0 : i32
    %dma_start3A_516 = tpu.memref_slice %arg8[%dma_start3A_514, %dma_start3A_515] : memref<128x128xf32, #tpu.memory_space<vmem>> -> memref<128x128xf32, #tpu.memory_space<vmem>>
    tpu.enqueue_dma source(%dma_start3A_516 : memref<128x128xf32, #tpu.memory_space<vmem>>) target(%dma_start3A_513 : memref<128x128xf32, #tpu.memory_space<hbm>>) target_semaphore(%arg12 : memref<!tpu.dma_semaphore, #tpu.memory_space<semaphore_mem>>)
    %add3A_517 = arith.constant 0 : i32
    %add3A_518 = arith.addi %add3A_488, %add3A_517 : i32
    %dma_wait3A_519 = arith.constant 0 : i32
    %dma_wait3A_520 = arith.constant 0 : i32
    %dma_wait3A_521 = tpu.memref_slice %arg7[%dma_wait3A_519, %dma_wait3A_520] : memref<128x128xf32, #tpu.memory_space<vmem>> -> memref<128x128xf32, #tpu.memory_space<vmem>>
    %dma_wait3A_522 = arith.constant 0 : i32
    %dma_wait3A_523 = tpu.memref_slice %arg4[%add3A_518, %dma_wait3A_522] : memref<20224x128xf32, #tpu.memory_space<hbm>> -> memref<128x128xf32, #tpu.memory_space<hbm>>
    %dma_wait3A_524 = arith.constant 0 : i32
    %dma_wait3A_525 = tpu.memref_slice %arg4[%add3A_518, %dma_wait3A_524] : memref<20224x128xf32, #tpu.memory_space<hbm>> -> memref<128x128xf32, #tpu.memory_space<hbm>>
    %dma_wait3A_526 = arith.constant 0 : i32
    %dma_wait3A_527 = arith.constant 0 : i32
    %dma_wait3A_528 = tpu.memref_slice %arg7[%dma_wait3A_526, %dma_wait3A_527] : memref<128x128xf32, #tpu.memory_space<vmem>> -> memref<128x128xf32, #tpu.memory_space<vmem>>
    tpu.wait_dma2 semaphore(%arg12 : memref<!tpu.dma_semaphore, #tpu.memory_space<semaphore_mem>>) src(%dma_wait3A_528 : memref<128x128xf32, #tpu.memory_space<vmem>>) dst(%dma_wait3A_525 : memref<128x128xf32, #tpu.memory_space<hbm>>)
    %add3A_529 = arith.constant 256 : i32
    %add3A_530 = arith.addi %mul3A_485, %add3A_529 : i32
    "tpu.region"() ({
      %run_scoped3A_619 = tpu.sem_alloc : memref<!tpu.dma_semaphore, #tpu.memory_space<semaphore_mem>>
      %dma_start3A_620 = arith.constant 0 : i32
      %dma_start3A_621 = arith.constant 0 : i32
      %dma_start3A_622 = tpu.memref_slice %arg7[%dma_start3A_620, %dma_start3A_621] : memref<128x128xf32, #tpu.memory_space<vmem>> -> memref<128x128xf32, #tpu.memory_space<vmem>>
      %dma_start3A_623 = arith.constant 0 : i32
      %dma_start3A_624 = tpu.memref_slice %arg9[%add3A_530, %dma_start3A_623] : memref<10112x128xf32, #tpu.memory_space<vmem_shared>> -> memref<128x128xf32, #tpu.memory_space<vmem_shared>>
      %dma_start3A_625 = arith.constant 0 : i32
      %dma_start3A_626 = arith.constant 0 : i32
      %dma_start3A_627 = tpu.memref_slice %arg7[%dma_start3A_625, %dma_start3A_626] : memref<128x128xf32, #tpu.memory_space<vmem>> -> memref<128x128xf32, #tpu.memory_space<vmem>>
      %dma_start3A_628 = arith.constant 0 : i32
      %dma_start3A_629 = tpu.memref_slice %arg9[%add3A_530, %dma_start3A_628] : memref<10112x128xf32, #tpu.memory_space<vmem_shared>> -> memref<128x128xf32, #tpu.memory_space<vmem_shared>>
      tpu.enqueue_dma source(%dma_start3A_629 : memref<128x128xf32, #tpu.memory_space<vmem_shared>>) target(%dma_start3A_627 : memref<128x128xf32, #tpu.memory_space<vmem>>) target_semaphore(%run_scoped3A_619 : memref<!tpu.dma_semaphore, #tpu.memory_space<semaphore_mem>>)
      %dma_wait3A_630 = arith.constant 0 : i32
      %dma_wait3A_631 = arith.constant 0 : i32
      %dma_wait3A_632 = tpu.memref_slice %arg7[%dma_wait3A_630, %dma_wait3A_631] : memref<128x128xf32, #tpu.memory_space<vmem>> -> memref<128x128xf32, #tpu.memory_space<vmem>>
      %dma_wait3A_633 = arith.constant 0 : i32
      %dma_wait3A_634 = tpu.memref_slice %arg9[%add3A_530, %dma_wait3A_633] : memref<10112x128xf32, #tpu.memory_space<vmem_shared>> -> memref<128x128xf32, #tpu.memory_space<vmem_shared>>
      %dma_wait3A_635 = arith.constant 0 : i32
      %dma_wait3A_636 = arith.constant 0 : i32
      %dma_wait3A_637 = tpu.memref_slice %arg7[%dma_wait3A_635, %dma_wait3A_636] : memref<128x128xf32, #tpu.memory_space<vmem>> -> memref<128x128xf32, #tpu.memory_space<vmem>>
      %dma_wait3A_638 = arith.constant 0 : i32
      %dma_wait3A_639 = tpu.memref_slice %arg9[%add3A_530, %dma_wait3A_638] : memref<10112x128xf32, #tpu.memory_space<vmem_shared>> -> memref<128x128xf32, #tpu.memory_space<vmem_shared>>
      tpu.wait_dma2 semaphore(%run_scoped3A_619 : memref<!tpu.dma_semaphore, #tpu.memory_space<semaphore_mem>>) src(%dma_wait3A_639 : memref<128x128xf32, #tpu.memory_space<vmem_shared>>) dst(%dma_wait3A_637 : memref<128x128xf32, #tpu.memory_space<vmem>>)
      tpu.yield
    }) : () -> ()
    %add3A_531 = arith.constant 256 : i32
    %add3A_532 = arith.addi %add3A_488, %add3A_531 : i32
    %dma_start3A_533 = arith.constant 0 : i32
    %dma_start3A_534 = arith.constant 0 : i32
    %dma_start3A_535 = tpu.memref_slice %arg7[%dma_start3A_533, %dma_start3A_534] : memref<128x128xf32, #tpu.memory_space<vmem>> -> memref<128x128xf32, #tpu.memory_space<vmem>>
    %dma_start3A_536 = arith.constant 0 : i32
    %dma_start3A_537 = tpu.memref_slice %arg4[%add3A_532, %dma_start3A_536] : memref<20224x128xf32, #tpu.memory_space<hbm>> -> memref<128x128xf32, #tpu.memory_space<hbm>>
    %dma_start3A_538 = arith.constant 0 : i32
    %dma_start3A_539 = tpu.memref_slice %arg4[%add3A_532, %dma_start3A_538] : memref<20224x128xf32, #tpu.memory_space<hbm>> -> memref<128x128xf32, #tpu.memory_space<hbm>>
    %dma_start3A_540 = arith.constant 0 : i32
    %dma_start3A_541 = arith.constant 0 : i32
    %dma_start3A_542 = tpu.memref_slice %arg7[%dma_start3A_540, %dma_start3A_541] : memref<128x128xf32, #tpu.memory_space<vmem>> -> memref<128x128xf32, #tpu.memory_space<vmem>>
    tpu.enqueue_dma source(%dma_start3A_542 : memref<128x128xf32, #tpu.memory_space<vmem>>) target(%dma_start3A_539 : memref<128x128xf32, #tpu.memory_space<hbm>>) target_semaphore(%arg12 : memref<!tpu.dma_semaphore, #tpu.memory_space<semaphore_mem>>)
    %add3A_543 = arith.constant 128 : i32
    %add3A_544 = arith.addi %add3A_488, %add3A_543 : i32
    %dma_wait3A_545 = arith.constant 0 : i32
    %dma_wait3A_546 = arith.constant 0 : i32
    %dma_wait3A_547 = tpu.memref_slice %arg8[%dma_wait3A_545, %dma_wait3A_546] : memref<128x128xf32, #tpu.memory_space<vmem>> -> memref<128x128xf32, #tpu.memory_space<vmem>>
    %dma_wait3A_548 = arith.constant 0 : i32
    %dma_wait3A_549 = tpu.memref_slice %arg4[%add3A_544, %dma_wait3A_548] : memref<20224x128xf32, #tpu.memory_space<hbm>> -> memref<128x128xf32, #tpu.memory_space<hbm>>
    %dma_wait3A_550 = arith.constant 0 : i32
    %dma_wait3A_551 = tpu.memref_slice %arg4[%add3A_544, %dma_wait3A_550] : memref<20224x128xf32, #tpu.memory_space<hbm>> -> memref<128x128xf32, #tpu.memory_space<hbm>>
    %dma_wait3A_552 = arith.constant 0 : i32
    %dma_wait3A_553 = arith.constant 0 : i32
    %dma_wait3A_554 = tpu.memref_slice %arg8[%dma_wait3A_552, %dma_wait3A_553] : memref<128x128xf32, #tpu.memory_space<vmem>> -> memref<128x128xf32, #tpu.memory_space<vmem>>
    tpu.wait_dma2 semaphore(%arg12 : memref<!tpu.dma_semaphore, #tpu.memory_space<semaphore_mem>>) src(%dma_wait3A_554 : memref<128x128xf32, #tpu.memory_space<vmem>>) dst(%dma_wait3A_551 : memref<128x128xf32, #tpu.memory_space<hbm>>)
    %add3A_555 = arith.constant 384 : i32
    %add3A_556 = arith.addi %mul3A_485, %add3A_555 : i32
    "tpu.region"() ({
      %run_scoped3A_619 = tpu.sem_alloc : memref<!tpu.dma_semaphore, #tpu.memory_space<semaphore_mem>>
      %dma_start3A_620 = arith.constant 0 : i32
      %dma_start3A_621 = arith.constant 0 : i32
      %dma_start3A_622 = tpu.memref_slice %arg8[%dma_start3A_620, %dma_start3A_621] : memref<128x128xf32, #tpu.memory_space<vmem>> -> memref<128x128xf32, #tpu.memory_space<vmem>>
      %dma_start3A_623 = arith.constant 0 : i32
      %dma_start3A_624 = tpu.memref_slice %arg9[%add3A_556, %dma_start3A_623] : memref<10112x128xf32, #tpu.memory_space<vmem_shared>> -> memref<128x128xf32, #tpu.memory_space<vmem_shared>>
      %dma_start3A_625 = arith.constant 0 : i32
      %dma_start3A_626 = arith.constant 0 : i32
      %dma_start3A_627 = tpu.memref_slice %arg8[%dma_start3A_625, %dma_start3A_626] : memref<128x128xf32, #tpu.memory_space<vmem>> -> memref<128x128xf32, #tpu.memory_space<vmem>>
      %dma_start3A_628 = arith.constant 0 : i32
      %dma_start3A_629 = tpu.memref_slice %arg9[%add3A_556, %dma_start3A_628] : memref<10112x128xf32, #tpu.memory_space<vmem_shared>> -> memref<128x128xf32, #tpu.memory_space<vmem_shared>>
      tpu.enqueue_dma source(%dma_start3A_629 : memref<128x128xf32, #tpu.memory_space<vmem_shared>>) target(%dma_start3A_627 : memref<128x128xf32, #tpu.memory_space<vmem>>) target_semaphore(%run_scoped3A_619 : memref<!tpu.dma_semaphore, #tpu.memory_space<semaphore_mem>>)
      %dma_wait3A_630 = arith.constant 0 : i32
      %dma_wait3A_631 = arith.constant 0 : i32
      %dma_wait3A_632 = tpu.memref_slice %arg8[%dma_wait3A_630, %dma_wait3A_631] : memref<128x128xf32, #tpu.memory_space<vmem>> -> memref<128x128xf32, #tpu.memory_space<vmem>>
      %dma_wait3A_633 = arith.constant 0 : i32
      %dma_wait3A_634 = tpu.memref_slice %arg9[%add3A_556, %dma_wait3A_633] : memref<10112x128xf32, #tpu.memory_space<vmem_shared>> -> memref<128x128xf32, #tpu.memory_space<vmem_shared>>
      %dma_wait3A_635 = arith.constant 0 : i32
      %dma_wait3A_636 = arith.constant 0 : i32
      %dma_wait3A_637 = tpu.memref_slice %arg8[%dma_wait3A_635, %dma_wait3A_636] : memref<128x128xf32, #tpu.memory_space<vmem>> -> memref<128x128xf32, #tpu.memory_space<vmem>>
      %dma_wait3A_638 = arith.constant 0 : i32
      %dma_wait3A_639 = tpu.memref_slice %arg9[%add3A_556, %dma_wait3A_638] : memref<10112x128xf32, #tpu.memory_space<vmem_shared>> -> memref<128x128xf32, #tpu.memory_space<vmem_shared>>
      tpu.wait_dma2 semaphore(%run_scoped3A_619 : memref<!tpu.dma_semaphore, #tpu.memory_space<semaphore_mem>>) src(%dma_wait3A_639 : memref<128x128xf32, #tpu.memory_space<vmem_shared>>) dst(%dma_wait3A_637 : memref<128x128xf32, #tpu.memory_space<vmem>>)
      tpu.yield
    }) : () -> ()
    %add3A_557 = arith.constant 384 : i32
    %add3A_558 = arith.addi %add3A_488, %add3A_557 : i32
    %dma_start3A_559 = arith.constant 0 : i32
    %dma_start3A_560 = arith.constant 0 : i32
    %dma_start3A_561 = tpu.memref_slice %arg8[%dma_start3A_559, %dma_start3A_560] : memref<128x128xf32, #tpu.memory_space<vmem>> -> memref<128x128xf32, #tpu.memory_space<vmem>>
    %dma_start3A_562 = arith.constant 0 : i32
    %dma_start3A_563 = tpu.memref_slice %arg4[%add3A_558, %dma_start3A_562] : memref<20224x128xf32, #tpu.memory_space<hbm>> -> memref<128x128xf32, #tpu.memory_space<hbm>>
    %dma_start3A_564 = arith.constant 0 : i32
    %dma_start3A_565 = tpu.memref_slice %arg4[%add3A_558, %dma_start3A_564] : memref<20224x128xf32, #tpu.memory_space<hbm>> -> memref<128x128xf32, #tpu.memory_space<hbm>>
    %dma_start3A_566 = arith.constant 0 : i32
    %dma_start3A_567 = arith.constant 0 : i32
    %dma_start3A_568 = tpu.memref_slice %arg8[%dma_start3A_566, %dma_start3A_567] : memref<128x128xf32, #tpu.memory_space<vmem>> -> memref<128x128xf32, #tpu.memory_space<vmem>>
    tpu.enqueue_dma source(%dma_start3A_568 : memref<128x128xf32, #tpu.memory_space<vmem>>) target(%dma_start3A_565 : memref<128x128xf32, #tpu.memory_space<hbm>>) target_semaphore(%arg12 : memref<!tpu.dma_semaphore, #tpu.memory_space<semaphore_mem>>)
    %add3A_569 = arith.constant 256 : i32
    %add3A_570 = arith.addi %add3A_488, %add3A_569 : i32
    %dma_wait3A_571 = arith.constant 0 : i32
    %dma_wait3A_572 = arith.constant 0 : i32
    %dma_wait3A_573 = tpu.memref_slice %arg7[%dma_wait3A_571, %dma_wait3A_572] : memref<128x128xf32, #tpu.memory_space<vmem>> -> memref<128x128xf32, #tpu.memory_space<vmem>>
    %dma_wait3A_574 = arith.constant 0 : i32
    %dma_wait3A_575 = tpu.memref_slice %arg4[%add3A_570, %dma_wait3A_574] : memref<20224x128xf32, #tpu.memory_space<hbm>> -> memref<128x128xf32, #tpu.memory_space<hbm>>
    %dma_wait3A_576 = arith.constant 0 : i32
    %dma_wait3A_577 = tpu.memref_slice %arg4[%add3A_570, %dma_wait3A_576] : memref<20224x128xf32, #tpu.memory_space<hbm>> -> memref<128x128xf32, #tpu.memory_space<hbm>>
    %dma_wait3A_578 = arith.constant 0 : i32
    %dma_wait3A_579 = arith.constant 0 : i32
    %dma_wait3A_580 = tpu.memref_slice %arg7[%dma_wait3A_578, %dma_wait3A_579] : memref<128x128xf32, #tpu.memory_space<vmem>> -> memref<128x128xf32, #tpu.memory_space<vmem>>
    tpu.wait_dma2 semaphore(%arg12 : memref<!tpu.dma_semaphore, #tpu.memory_space<semaphore_mem>>) src(%dma_wait3A_580 : memref<128x128xf32, #tpu.memory_space<vmem>>) dst(%dma_wait3A_577 : memref<128x128xf32, #tpu.memory_space<hbm>>)
    %add3A_581 = arith.constant 512 : i32
    %add3A_582 = arith.addi %mul3A_485, %add3A_581 : i32
    "tpu.region"() ({
      %run_scoped3A_619 = tpu.sem_alloc : memref<!tpu.dma_semaphore, #tpu.memory_space<semaphore_mem>>
      %dma_start3A_620 = arith.constant 0 : i32
      %dma_start3A_621 = arith.constant 0 : i32
      %dma_start3A_622 = tpu.memref_slice %arg7[%dma_start3A_620, %dma_start3A_621] : memref<128x128xf32, #tpu.memory_space<vmem>> -> memref<120x128xf32, #tpu.memory_space<vmem>>
      %dma_start3A_623 = arith.constant 0 : i32
      %dma_start3A_624 = tpu.memref_slice %arg9[%add3A_582, %dma_start3A_623] : memref<10112x128xf32, #tpu.memory_space<vmem_shared>> -> memref<120x128xf32, #tpu.memory_space<vmem_shared>>
      %dma_start3A_625 = arith.constant 0 : i32
      %dma_start3A_626 = arith.constant 0 : i32
      %dma_start3A_627 = tpu.memref_slice %arg7[%dma_start3A_625, %dma_start3A_626] : memref<128x128xf32, #tpu.memory_space<vmem>> -> memref<120x128xf32, #tpu.memory_space<vmem>>
      %dma_start3A_628 = arith.constant 0 : i32
      %dma_start3A_629 = tpu.memref_slice %arg9[%add3A_582, %dma_start3A_628] : memref<10112x128xf32, #tpu.memory_space<vmem_shared>> -> memref<120x128xf32, #tpu.memory_space<vmem_shared>>
      tpu.enqueue_dma source(%dma_start3A_629 : memref<120x128xf32, #tpu.memory_space<vmem_shared>>) target(%dma_start3A_627 : memref<120x128xf32, #tpu.memory_space<vmem>>) target_semaphore(%run_scoped3A_619 : memref<!tpu.dma_semaphore, #tpu.memory_space<semaphore_mem>>)
      %dma_wait3A_630 = arith.constant 0 : i32
      %dma_wait3A_631 = arith.constant 0 : i32
      %dma_wait3A_632 = tpu.memref_slice %arg7[%dma_wait3A_630, %dma_wait3A_631] : memref<128x128xf32, #tpu.memory_space<vmem>> -> memref<120x128xf32, #tpu.memory_space<vmem>>
      %dma_wait3A_633 = arith.constant 0 : i32
      %dma_wait3A_634 = tpu.memref_slice %arg9[%add3A_582, %dma_wait3A_633] : memref<10112x128xf32, #tpu.memory_space<vmem_shared>> -> memref<120x128xf32, #tpu.memory_space<vmem_shared>>
      %dma_wait3A_635 = arith.constant 0 : i32
      %dma_wait3A_636 = arith.constant 0 : i32
      %dma_wait3A_637 = tpu.memref_slice %arg7[%dma_wait3A_635, %dma_wait3A_636] : memref<128x128xf32, #tpu.memory_space<vmem>> -> memref<120x128xf32, #tpu.memory_space<vmem>>
      %dma_wait3A_638 = arith.constant 0 : i32
      %dma_wait3A_639 = tpu.memref_slice %arg9[%add3A_582, %dma_wait3A_638] : memref<10112x128xf32, #tpu.memory_space<vmem_shared>> -> memref<120x128xf32, #tpu.memory_space<vmem_shared>>
      tpu.wait_dma2 semaphore(%run_scoped3A_619 : memref<!tpu.dma_semaphore, #tpu.memory_space<semaphore_mem>>) src(%dma_wait3A_639 : memref<120x128xf32, #tpu.memory_space<vmem_shared>>) dst(%dma_wait3A_637 : memref<120x128xf32, #tpu.memory_space<vmem>>)
      tpu.yield
    }) : () -> ()
    %add3A_583 = arith.constant 512 : i32
    %add3A_584 = arith.addi %add3A_488, %add3A_583 : i32
    %dma_start3A_585 = arith.constant 0 : i32
    %dma_start3A_586 = arith.constant 0 : i32
    %dma_start3A_587 = tpu.memref_slice %arg7[%dma_start3A_585, %dma_start3A_586] : memref<128x128xf32, #tpu.memory_space<vmem>> -> memref<120x128xf32, #tpu.memory_space<vmem>>
    %dma_start3A_588 = arith.constant 0 : i32
    %dma_start3A_589 = tpu.memref_slice %arg4[%add3A_584, %dma_start3A_588] : memref<20224x128xf32, #tpu.memory_space<hbm>> -> memref<120x128xf32, #tpu.memory_space<hbm>>
    %dma_start3A_590 = arith.constant 0 : i32
    %dma_start3A_591 = tpu.memref_slice %arg4[%add3A_584, %dma_start3A_590] : memref<20224x128xf32, #tpu.memory_space<hbm>> -> memref<120x128xf32, #tpu.memory_space<hbm>>
    %dma_start3A_592 = arith.constant 0 : i32
    %dma_start3A_593 = arith.constant 0 : i32
    %dma_start3A_594 = tpu.memref_slice %arg7[%dma_start3A_592, %dma_start3A_593] : memref<128x128xf32, #tpu.memory_space<vmem>> -> memref<120x128xf32, #tpu.memory_space<vmem>>
    tpu.enqueue_dma source(%dma_start3A_594 : memref<120x128xf32, #tpu.memory_space<vmem>>) target(%dma_start3A_591 : memref<120x128xf32, #tpu.memory_space<hbm>>) target_semaphore(%arg12 : memref<!tpu.dma_semaphore, #tpu.memory_space<semaphore_mem>>)
    %add3A_595 = arith.constant 384 : i32
    %add3A_596 = arith.addi %add3A_488, %add3A_595 : i32
    %dma_wait3A_597 = arith.constant 0 : i32
    %dma_wait3A_598 = arith.constant 0 : i32
    %dma_wait3A_599 = tpu.memref_slice %arg8[%dma_wait3A_597, %dma_wait3A_598] : memref<128x128xf32, #tpu.memory_space<vmem>> -> memref<128x128xf32, #tpu.memory_space<vmem>>
    %dma_wait3A_600 = arith.constant 0 : i32
    %dma_wait3A_601 = tpu.memref_slice %arg4[%add3A_596, %dma_wait3A_600] : memref<20224x128xf32, #tpu.memory_space<hbm>> -> memref<128x128xf32, #tpu.memory_space<hbm>>
    %dma_wait3A_602 = arith.constant 0 : i32
    %dma_wait3A_603 = tpu.memref_slice %arg4[%add3A_596, %dma_wait3A_602] : memref<20224x128xf32, #tpu.memory_space<hbm>> -> memref<128x128xf32, #tpu.memory_space<hbm>>
    %dma_wait3A_604 = arith.constant 0 : i32
    %dma_wait3A_605 = arith.constant 0 : i32
    %dma_wait3A_606 = tpu.memref_slice %arg8[%dma_wait3A_604, %dma_wait3A_605] : memref<128x128xf32, #tpu.memory_space<vmem>> -> memref<128x128xf32, #tpu.memory_space<vmem>>
    tpu.wait_dma2 semaphore(%arg12 : memref<!tpu.dma_semaphore, #tpu.memory_space<semaphore_mem>>) src(%dma_wait3A_606 : memref<128x128xf32, #tpu.memory_space<vmem>>) dst(%dma_wait3A_603 : memref<128x128xf32, #tpu.memory_space<hbm>>)
    %add3A_607 = arith.constant 512 : i32
    %add3A_608 = arith.addi %add3A_488, %add3A_607 : i32
    %dma_wait3A_609 = arith.constant 0 : i32
    %dma_wait3A_610 = arith.constant 0 : i32
    %dma_wait3A_611 = tpu.memref_slice %arg7[%dma_wait3A_609, %dma_wait3A_610] : memref<128x128xf32, #tpu.memory_space<vmem>> -> memref<120x128xf32, #tpu.memory_space<vmem>>
    %dma_wait3A_612 = arith.constant 0 : i32
    %dma_wait3A_613 = tpu.memref_slice %arg4[%add3A_608, %dma_wait3A_612] : memref<20224x128xf32, #tpu.memory_space<hbm>> -> memref<120x128xf32, #tpu.memory_space<hbm>>
    %dma_wait3A_614 = arith.constant 0 : i32
    %dma_wait3A_615 = tpu.memref_slice %arg4[%add3A_608, %dma_wait3A_614] : memref<20224x128xf32, #tpu.memory_space<hbm>> -> memref<120x128xf32, #tpu.memory_space<hbm>>
    %dma_wait3A_616 = arith.constant 0 : i32
    %dma_wait3A_617 = arith.constant 0 : i32
    %dma_wait3A_618 = tpu.memref_slice %arg7[%dma_wait3A_616, %dma_wait3A_617] : memref<128x128xf32, #tpu.memory_space<vmem>> -> memref<120x128xf32, #tpu.memory_space<vmem>>
    tpu.wait_dma2 semaphore(%arg12 : memref<!tpu.dma_semaphore, #tpu.memory_space<semaphore_mem>>) src(%dma_wait3A_618 : memref<120x128xf32, #tpu.memory_space<vmem>>) dst(%dma_wait3A_615 : memref<120x128xf32, #tpu.memory_space<hbm>>)
    return
  }
}

module attributes {stable_mosaic.version = 14 : i64} {
  func.func @_tc_body(%arg0: i32, %arg1: memref<2000x128xf32, #tpu.memory_space<vmem>>, %arg2: memref<1x2000x128xf32, #tpu.memory_space<vmem>>, %arg3: memref<1x2000x128xf32, #tpu.memory_space<vmem>>, %arg4: memref<128x128xf32, #tpu.memory_space<vmem>>, %arg5: memref<1x128xf32, #tpu.memory_space<vmem>>, %arg6: memref<2000x128xf32, #tpu.memory_space<vmem>>) attributes {dimension_semantics = [#tpu.dimension_semantics<arbitrary>], iteration_bounds = array<i64: 5>, scalar_prefetch = 0 : i64, scratch_operands = 0 : i64, tpu.core_type = #tpu.core_type<tc>, window_params = [{transform_indices = @transform_0, window_bounds = array<i64: 2000, 128>}, {transform_indices = @transform_1, window_bounds = array<i64: 1, 2000, 128>}, {transform_indices = @transform_2, window_bounds = array<i64: 1, 2000, 128>}, {pipeline_mode = #tpu.pipeline_mode<synchronous>, transform_indices = @transform_3, window_bounds = array<i64: 128, 128>}, {pipeline_mode = #tpu.pipeline_mode<synchronous>, transform_indices = @transform_4, window_bounds = array<i64: 1, 128>}, {transform_indices = @transform_5, window_bounds = array<i64: 2000, 128>}]} {
    %get3A = arith.constant 0 : index
    %get3A_0 = arith.constant 0 : index
    %get3A_1 = vector.load %arg1[%get3A, %get3A_0] : memref<2000x128xf32, #tpu.memory_space<vmem>>, vector<2000x128xf32>
    %get3A_2 = arith.constant 0 : index
    %get3A_3 = arith.constant 0 : index
    %get3A_4 = arith.constant 0 : index
    %get3A_5 = vector.load %arg2[%get3A_2, %get3A_3, %get3A_4] : memref<1x2000x128xf32, #tpu.memory_space<vmem>>, vector<1x2000x128xf32>
    %get3A_6 = vector.shape_cast %get3A_5 : vector<1x2000x128xf32> to vector<2000x128xf32>
    %add3A = arith.addf %get3A_1, %get3A_6 : vector<2000x128xf32>
    %get3A_7 = arith.constant 0 : index
    %get3A_8 = arith.constant 0 : index
    %get3A_9 = arith.constant 0 : index
    %get3A_10 = vector.load %arg3[%get3A_7, %get3A_8, %get3A_9] : memref<1x2000x128xf32, #tpu.memory_space<vmem>>, vector<1x2000x128xf32>
    %get3A_11 = vector.shape_cast %get3A_10 : vector<1x2000x128xf32> to vector<2000x128xf32>
    %add3A_12 = arith.addf %add3A, %get3A_11 : vector<2000x128xf32>
    %get3A_13 = arith.constant 0 : index
    %get3A_14 = arith.constant 0 : index
    %get3A_15 = vector.load %arg4[%get3A_13, %get3A_14] : memref<128x128xf32, #tpu.memory_space<vmem>>, vector<128x128xf32>
    %dot_general3A = arith.constant dense<0.000000e+00> : vector<2000x128xf32>
    %dot_general3A_16 = tpu.matmul %add3A_12, %get3A_15, %dot_general3A {dimension_numbers = #tpu.dot_dimension_numbers<[1], [1], [0], [0], [0, 0, 1, 0], [], []>, transpose_lhs_hint = false} : vector<2000x128xf32>, vector<128x128xf32>, vector<2000x128xf32> -> vector<2000x128xf32>
    %get3A_17 = arith.constant 0 : index
    %get3A_18 = arith.constant 0 : index
    %get3A_19 = vector.load %arg5[%get3A_17, %get3A_18] : memref<1x128xf32, #tpu.memory_space<vmem>>, vector<1x128xf32>
    %add3A_20 = vector.broadcast %get3A_19 : vector<1x128xf32> to vector<2000x128xf32>
    %add3A_21 = arith.addf %dot_general3A_16, %add3A_20 : vector<2000x128xf32>
    %swap3A = arith.constant 0 : index
    %swap3A_22 = arith.constant 0 : index
    %swap3A_23 = vector.load %arg6[%swap3A, %swap3A_22] : memref<2000x128xf32, #tpu.memory_space<vmem>>, vector<2000x128xf32>
    tpu.vector_store %arg6[%swap3A, %swap3A_22], %add3A_21 {strides = array<i32>} : memref<2000x128xf32, #tpu.memory_space<vmem>>, vector<2000x128xf32>,
    return
  }
  func.func @transform_0(%arg0: i32) -> (i32, i32) {
    %c0_i32 = arith.constant 0 : i32
    %c0_i32_0 = arith.constant 0 : i32
    return %arg0, %c0_i32 : i32, i32
  }
  func.func @transform_1(%arg0: i32) -> (i32, i32, i32) {
    %c0_i32 = arith.constant 0 : i32
    %c0_i32_0 = arith.constant 0 : i32
    %c0_i32_1 = arith.constant 0 : i32
    return %c0_i32, %arg0, %c0_i32_0 : i32, i32, i32
  }
  func.func @transform_2(%arg0: i32) -> (i32, i32, i32) {
    %c1_i32 = arith.constant 1 : i32
    %c0_i32 = arith.constant 0 : i32
    %c0_i32_0 = arith.constant 0 : i32
    return %c1_i32, %arg0, %c0_i32 : i32, i32, i32
  }
  func.func @transform_3(%arg0: i32) -> (i32, i32) {
    %c0_i32 = arith.constant 0 : i32
    %c0_i32_0 = arith.constant 0 : i32
    %c0_i32_1 = arith.constant 0 : i32
    return %c0_i32, %c0_i32_0 : i32, i32
  }
  func.func @transform_4(%arg0: i32) -> (i32, i32) {
    %c0_i32 = arith.constant 0 : i32
    %c0_i32_0 = arith.constant 0 : i32
    %c0_i32_1 = arith.constant 0 : i32
    return %c0_i32, %c0_i32_0 : i32, i32
  }
  func.func @transform_5(%arg0: i32) -> (i32, i32) {
    %c0_i32 = arith.constant 0 : i32
    %c0_i32_0 = arith.constant 0 : i32
    return %arg0, %c0_i32 : i32, i32
  }
}

</mosaic_0001>

<sc_bundles>
// kernel: kernel.4.cloned.1.call-start
scs
__scs_entry_jumppad:
0x0: {  	(pc) =	sbr.rel $0x88, $3  }
0x1: {  	(tag) =	ssettag $0x0;
	lr =	simm.s32 $0x1  }
0x2: {  	[smem:$0x3F9D] =	sst lr;
	_ =	strace $0xD0000000  }
0x3: {  	_ = 	snop  }
0x4: {  	_ = 	snop  }
0x5: {  	_ = 	snop  }
0x6: {  	_ = 	snop  }
0x7: {  	_ = 	snop  }
__scs_overlays_trampoline_lowered:
0x8: {  	[smem:$0x3FAC] =	sst s0  }
0x9: {  	[smem:$0x3FAD] =	sst s1  }
0xa: {  	[smem:$0x3FAE] =	sst s2  }
0xb: {  	[smem:$0x3FAF] =	sst s3  }
0xc: {  	[smem:$0x3FB0] =	sst s4  }
0xd: {  	[smem:$0x3FB1] =	sst s5  }
0xe: {  	[smem:$0x3FB2] =	sst s6  }
0xf: {  	[smem:$0x3FB3] =	sst s7  }
0x10: {  	[smem:$0x3FB4] =	sst s8  }
0x11: {  	[smem:$0x3FB5] =	sst s9;
	s0 =	simm.s32 @!p0 $0x0  }
0x12: {  	s1 =	sld [smem:$0x3F9B];
	s0 =	simm.s32 @p0 $0x1  }
0x13: {  	[smem:$0x3FB6] =	sst s0;
	s0 =	simm.s32 @!p1 $0x0  }
0x14: {  	s2 =	sld [smem:$0x3F9A];
	s0 =	simm.s32 @p1 $0x1  }
0x15: {  	[smem:$0x3FB7] =	sst s0;
	s0 =	simm.s32 @!p2 $0x0  }
0x16: {  	s3 =	sld [smem:$0x3FDB];
	s0 =	simm.s32 @p2 $0x1  }
0x17: {  	s4 =	simm.s32 $0x1BF5;
	[smem:$0x3FB9] =	sst s0  }
0x18: {  	s0 =	sld [smem:$0x3F9C];
	_ =	swait.ge [sflag:s4], $0x0  }
0x19: {  	s7 =	sld [smem:$0x3F9D]  }
0x1a: {  	s8 =	sadd.s32 $0xFFFFE003, lr  }
0x1b: {  	s9 =	sadd.s32 $0xFFFFFEF7, lr;
	s5 =	simm.s32 $0xFFFFFFFF;
	p2 =	slt.u32 s8, $0xFFFFF086  }
0x1c: {  	p1 =	slt.u32 s9, $0xF7A;
	s5 =	simm.s32 @!p2 $0x0  }
0x1d: {  	s5 =	simm.s32 @p1 $0x1;
	p0 =	seq.s32 s7, s2  }
0x1e: {  	s7 =	smul.u32 @!p0 $0xF7A, s2;
	p2 =	seq.s32 @!p0 s5, $0x0  }
0x1f: {  	s9 =	smul.u32 $0xF7A, s1;
	s8 =	simm.s32 @!p0 $0x1BF5;
	p2 =	por !p2, p0  }
0x20: {  	[sflag:s8] =	ssyncset.s32 @!p0 $0xFFFFF086;
	s6 =	sadd.s32 @!p0 s3, s7;
	s7 =	simm.s32 @!p0 $0x108  }
0x21: {  	s3 =	sadd.s32 s3, s9;
	s6 =	sadd.s32 @!p0 $0x88, s6;
	s7 =	simm.s32 @p2 $0x1082  }
0x22: {  	[simem:s7], [sflag:s8] =	dma.local @!p0 [hbm:s6], $0xF7A  }
0x23: {  	s9 =	sor.u32 $0xD0000000, s2;
	s6 =	simm.s32 $0x108;
	_ =	swait.ge @!p0 [sflag:s8], $0x0  }
0x24: {  	s3 =	sadd.s32 $0x88, s3;
	s6 =	simm.s32 @!p1 $0x1082;
	[sflag:s4] =	ssyncset.s32 $0xFFFFF086  }
0x25: {  	[simem:s6], [sflag:s4] =	dma.local [hbm:s3], $0xF7A  }
0x26: {  	[smem:$0x3F9D] =	sst s1;
	(tag) =	ssettag s2;
	_ =	strace s9  }
0x27: {  	s1 =	sld [smem:$0x3FAD]  }
0x28: {  	s2 =	sld [smem:$0x3FAE]  }
0x29: {  	s4 =	sld [smem:$0x3FB0]  }
0x2a: {  	p0 =	seq.s32 s5, $0x0;
	s5 =	sld [smem:$0x3FB1]  }
0x2b: {  	s6 =	sld [smem:$0x3FB2]  }
0x2c: {  	s7 =	sld [smem:$0x3FB3]  }
0x2d: {  	s3 =	simm.s32 $0x108;
	s8 =	sld [smem:$0x3FB4]  }
0x2e: {  	s3 =	simm.s32 @!p0 $0x1082;
	s9 =	sld [smem:$0x3FB5]  }
0x2f: {  	lr =	sadd.s32 s0, s3;
	s0 =	sld [smem:$0x3FAC]  }
0x30: {  	s3 =	sld [smem:$0x3FAF]  }
0x31: {  	[smem:$0x3FB8] =	sst s10  }
0x32: {  	s10 =	sld [smem:$0x3FB6];
	_ =	sdelay $0x3  }
0x33: {  	p0 =	seq.s32 s10, $0x1;
	s10 =	sld [smem:$0x3FB8];
	_ =	sdelay $0x3  }
0x34: {  	[smem:$0x3FB8] =	sst s10  }
0x35: {  	s10 =	sld [smem:$0x3FB7];
	_ =	sdelay $0x3  }
0x36: {  	p1 =	seq.s32 s10, $0x1;
	s10 =	sld [smem:$0x3FB8];
	_ =	sdelay $0x3  }
0x37: {  	[smem:$0x3FB8] =	sst s10  }
0x38: {  	s10 =	sld [smem:$0x3FB9]  }
0x39: {  	_ = 	snop;
	(pc) =	sbr.ind lr, $3  }
0x3a: {  	_ = 	snop  }
0x3b: {  	_ = 	snop  }
0x3c: {  	p2 =	seq.s32 s10, $0x1;
	s10 =	sld [smem:$0x3FB8]  }
0x3d: {  	_ =	shalt  }
0x3e: {  	_ =	shalt  }
0x3f: {  	_ =	shalt  }
0x40: {  	_ =	shalt  }
0x41: {  	_ =	shalt  }
0x42: {  	_ =	shalt  }
0x43: {  	_ =	shalt  }
0x44: {  	_ =	shalt  }
0x45: {  	_ =	shalt  }
0x46: {  	_ =	shalt  }
0x47: {  	_ =	shalt  }
0x48: {  	_ =	shalt  }
0x49: {  	_ =	shalt  }
0x4a: {  	_ =	shalt  }
0x4b: {  	_ =	shalt  }
0x4c: {  	_ =	shalt  }
0x4d: {  	_ =	shalt  }
0x4e: {  	_ =	shalt  }
0x4f: {  	_ =	shalt  }
0x50: {  	_ =	shalt  }
0x51: {  	_ =	shalt  }
0x52: {  	_ =	shalt  }
0x53: {  	_ =	shalt  }
0x54: {  	_ =	shalt  }
0x55: {  	_ =	shalt  }
0x56: {  	_ =	shalt  }
0x57: {  	_ =	shalt  }
0x58: {  	_ =	shalt  }
0x59: {  	_ =	shalt  }
0x5a: {  	_ =	shalt  }
0x5b: {  	_ =	shalt  }
0x5c: {  	_ =	shalt  }
0x5d: {  	_ =	shalt  }
0x5e: {  	_ =	shalt  }
0x5f: {  	_ =	shalt  }
0x60: {  	_ =	shalt  }
0x61: {  	_ =	shalt  }
0x62: {  	_ =	shalt  }
0x63: {  	_ =	shalt  }
0x64: {  	_ =	shalt  }
0x65: {  	_ =	shalt  }
0x66: {  	_ =	shalt  }
0x67: {  	_ =	shalt  }
0x68: {  	_ =	shalt  }
0x69: {  	_ =	shalt  }
0x6a: {  	_ =	shalt  }
0x6b: {  	_ =	shalt  }
0x6c: {  	_ =	shalt  }
0x6d: {  	_ =	shalt  }
0x6e: {  	_ =	shalt  }
0x6f: {  	_ =	shalt  }
0x70: {  	_ =	shalt  }
0x71: {  	_ =	shalt  }
0x72: {  	_ =	shalt  }
0x73: {  	_ =	shalt  }
0x74: {  	_ =	shalt  }
0x75: {  	_ =	shalt  }
0x76: {  	_ =	shalt  }
0x77: {  	_ =	shalt  }
0x78: {  	_ =	shalt  }
0x79: {  	_ =	shalt  }
0x7a: {  	_ =	shalt  }
0x7b: {  	_ =	shalt  }
0x7c: {  	_ =	shalt  }
0x7d: {  	_ =	shalt  }
0x7e: {  	_ =	shalt  }
0x7f: {  	_ =	shalt  }
0x80: {  	_ =	shalt  }
0x81: {  	_ =	shalt  }
0x82: {  	_ =	shalt  }
0x83: {  	_ =	shalt  }
0x84: {  	_ =	shalt  }
0x85: {  	_ =	shalt  }
0x86: {  	_ =	shalt  }
0x87: {  	_ =	shalt  }
.Lfunc_end0:
.L_simem_size_0:
called_computation_lowered:
.L_overlay_start_0:
0x88: {  	s2 =	sld [smem:$0x3FD9]  }
0x89: {  	s3 =	sld [smem:$0x3FFE];
	_ =	sdelay $0x1  }
0x8a: {  	s1 =	srdreg.scid  }
0x8b: {  	s0 =	sand.u32 $0x1, s1  }
0x8c: {  	s17 =	sshll.u32 s0, $0xA;
	s2 =	sadd.s32 s3, s2  }
0x8d: {  	s2 =	sadd.s32 s2, s17  }
0x8e: {  	[smem:$0x3FC4] =	sst s2  }
0x8f: {  	_ = 	snop  }
0x90: {  	s2 =	sld [smem:$0x3FC9]  }
0x91: {  	s18 =	sld [smem:$0x3FD0];
	(tm) =	ssettm $0x1  }
0x92: {  	s4 =	sld [smem:$0x3FFB];
	_ =	sdelay $0x3  }
0x93: {  	_ =	strace s4  }
0x94: {  	s4 =	sld [smem:$0x3FFC];
	_ =	sdelay $0x3  }
0x95: {  	_ =	strace s4  }
0x96: {  	s4 =	sld [smem:$0x3FFD];
	_ =	sdelay $0x3  }
0x97: {  	_ =	strace s4  }
0x98: {  	_ =	strace $0x8FFFFFFF  }
0x99: {  	s19 =	sld [smem:$0x3FDB];
	_ =	sdelay $0x1  }
0x9a: {  	s5 =	simm.s32 $_scs_section_size  }
0x9b: {  	s6 =	simm.s32 $_size__tile_overlayer_lowered;
	s7 =	simm.s32 $_tile_overlayer_lowered  }
0x9c: {  	s22 =	simm.s32 $0x1BFF;
	s21 =	sshll.u32 s7, $0x1;
	s4 =	sadd.s32 s5, s19  }
0x9d: {  	s8 =	simm.s32 $0x0;
	s20 =	sshll.u32 s6, $0x1;
	s6 =	sadd.s32 s21, s4  }
0x9e: {  	[timem:s8], [sflag:s22] =	dma.local [hbm:s6], s20  }
0x9f: {  	_ =	swait.ge [sflag:s22], s20  }
0xa0: {  	s5 =	ssub.s32 $0x0, s20;
	[sflag:s22] =	ssyncset.done $0x0  }
0xa1: {  	[sflag:s22] =	ssyncadd.s32 s5;
	_ =	sdelay $0x1  }
0xa2: {  	s23 =	simm.s32 $0x1B8B  }
0xa3: {  	_ =	swait.ge [sflag:s23], $0x1  }
0xa4: {  	[sflag:s23] =	ssyncset.done $0x0  }
0xa5: {  	s25 =	simm.s32 $0x1B8E;
	s24 =	sld [smem:$0x3FFE];
	[sflag:s23] =	ssyncadd.s32 $0xFFFFFFFF  }
0xa6: {  	s26 =	simm.s32 $execute0_lowered;
	[smem:$0x3FD2] =	sst s25  }
0xa7: {  	s6 =	sshll.u32 s26, $0x1;
	_ =	strace $0x80000046;
	[dreg:$0x1] =	wrdreg $0xFFFFFFFF  }
0xa8: {  	s28 =	simm.s32 $_size_execute0_lowered;
	s4 =	sadd.s32 s4, s6;
	[dreg:$0x0] =	wrdreg $0x0  }
0xa9: {  	s6 =	sshll.u32 s28, $0x1;
	[dreg:$0x2] =	wrdreg s4  }
0xaa: {  	[dreg:$0x3] =	wrdreg s6  }
0xab: {  	[dreg:$0x4] =	wrdreg $0xC0  }
0xac: {  	_ =	task [dreg:s8], $0x5FFFF  }
0xad: {  	[dreg:$0x1] =	wrdreg $0xFFFFFFFF  }
0xae: {  	[dreg:$0x0] =	wrdreg $0x60  }
0xaf: {  	[dreg:$0x2] =	wrdreg s18  }
0xb0: {  	[dreg:$0x3] =	wrdreg s2  }
0xb1: {  	[dreg:$0x4] =	wrdreg s24  }
0xb2: {  	[dreg:$0x5] =	wrdreg $0xA0000  }
0xb3: {  	[dreg:$0x6] =	wrdreg $0x9  }
0xb4: {  	_ =	task.clear_ibuf [dreg:s8], $0x7FFFF;
	_ =	strace $0x90000046  }
0xb5: {  	s29 =	simm.s32 $0x9;
	_ =	strace $0x80000048  }
0xb6: {  	_ =	swait.ge [sflag:s29], $0x1  }
0xb7: {  	[sflag:s29] =	ssyncadd.s32 $0xFFFFFFFF  }
0xb8: {  	_ =	strace $0x90000048  }
0xb9: {  	_ =	sfence  }
0xba: {  	s30 =	sld [smem:$0x0];
	_ =	sdelay $0x2  }
0xbb: {  	s31 =	sshll.u32 s1, $0xD;
	s1 =	sshrl.u32 s1, $0x2  }
0xbc: {  	s3 =	sand.u32 $0x4000, s31;
	s1 =	sadd.s32 s1, s30  }
0xbd: {  	s0 =	sor.u32 s3, s0;
	s1 =	sshll.u32 s1, $0x11  }
0xbe: {  	s0 =	sor.u32 s1, s0  }
0xbf: {  	s0 =	sadd.s32 $0x8F2B, s0  }
0xc0: {  	[sflag:s0] =	ssyncadd.remote.s32 $0x1  }
0xc1: {  	_ =	sfence.sel $0xFFFF  }
0xc2: {  	[dreg:$0x0] =	wrdreg $0xFFFFFFFF;
	(pc) =	sbr.abs _section_cstart, $3  }
0xc3: {  	[dreg:$0x1] =	wrdreg $0xFFFFFFFF  }
0xc4: {  	_ =	task.clear_ibuf [dreg:s8], $0x2FFFF;
	_ =	strace $0x9FFFFFFF  }
0xc5: {  	(tm) =	ssettm $0x7FFFFFFF  }
tec
execute0_lowered:
.L_overlay_start_1:
0x0: {  	(tag) =	ssettag $0x1  }
0x1: {  	s0 =	rddreg [dreg:$0x0]  }
0x2: {  	s1 =	rddreg [dreg:$0x1]  }
0x3: {  	s2 =	rddreg [dreg:$0x2]  }
0x4: {  	s3 =	rddreg [dreg:$0x3]  }
0x5: {  	s4 =	srdreg.scid;
	s12 =	stileid.u32  }
0x6: {  	s31 =	simm.s32 $0x4;
	s28 =	simm.s32 $0x3;
	s29 =	simm.s32 $0x1A00  }
0x7: {  	s30 =	simm.s32 $0xB00;
	s5 =	sand.u32 $0x1, s4;
	s6 =	smul.u32 $0x278, s12  }
0x8: {  	s4 =	simm.s32 $0x0;
	s22 =	smul.u32 $0x4F000, s12;
	s7 =	sshll.u32 s5, $0x4  }
0x9: {  	[smem:$0x7FF] =	sst s4;
	s8 =	smul.u32 $0x2780, s5;
	s5 =	ssub.s32 $0x2, s5  }
0xa: {  	s10 =	sor.u32 s12, s7;
	_ =	strace $0x80000047;
	s24 =	sshrl.u32 s22, $0x2  }
0xb: {  	s23 =	sshrl.u32 s5, $0x1;
	s11 =	smul.u32 $0x4E0, s10;
	s26 =	sadd.s32 s24, s3  }
0xc: {  	s7 =	simm.s32 $0x1800;
	s6 =	sadd.s32 s6, s8;
	[dreg:$0x1c] =	wrdreg s26  }
0xd: {  	s9 =	smul.u32 $0x2700, s10;
	s14 =	sadd.s32 $0x4000, s26;
	[dreg:$0x5] =	wrdreg s11  }
0xe: {  	s5 =	ssub.s32 s5, s23;
	s15 =	sadd.s32 $0x8000, s26;
	[dreg:$0x18] =	wrdreg s14  }
0xf: {  	s8 =	sadd.s32 $0x9C40, s0;
	s23 =	smax.u32 s5, $0x1;
	[dreg:$0x19] =	wrdreg s15  }
0x10: {  	p0 =	sgt.u32 s10, $0x3;
	s24 =	sadd.s32 $0xC000, s26;
	[dreg:$0x15] =	wrdreg s23  }
0x11: {  	s10 =	simm.s32 $0x780;
	s26 =	sadd.s32 $0x10000, s26;
	[dreg:$0x1a] =	wrdreg s24  }
0x12: {  	s25 =	sadd.s32 s0, s11;
	s11 =	sshrl.u32 s9, $0x3;
	[dreg:$0x1b] =	wrdreg s26  }
0x13: {  	s6 =	sshll.u32 s6, $0x4;
	[dreg:$0x6] =	wrdreg s25;
	s13 =	sadd.s32 $0x100, s11  }
0x14: {  	s2 =	sadd.s32 s6, s2;
	s16 =	sadd.s32 $0x200, s11;
	[dreg:$0x7] =	wrdreg s13  }
0x15: {  	s14 =	simm.s32 $0x880;
	s17 =	sadd.s32 $0x300, s11;
	[dreg:$0x9] =	wrdreg s16  }
0x16: {  	s15 =	simm.s32 $0x900;
	s6 =	sadd.s32 $0x400, s11;
	[dreg:$0xb] =	wrdreg s17  }
0x17: {  	s24 =	simm.s32 $0xA00;
	s18 =	sadd.s32 $0x1200, s2;
	[dreg:$0xc] =	wrdreg s6  }
0x18: {  	s26 =	simm.s32 $0xA80;
	s19 =	sadd.s32 $0x1A00, s2;
	[dreg:$0x10] =	wrdreg s18  }
0x19: {  	s20 =	sadd.s32 $0x2200, s2;
	s21 =	sadd.s32 $0x2A00, s2;
	[dreg:$0x11] =	wrdreg s19  }
0x1a: {  	s22 =	sadd.s32 $0x3200, s2;
	s25 =	sshll.u32 s12, $0x7;
	[dreg:$0x12] =	wrdreg s20  }
0x1b: {  	s2 =	simm.s32 $0x80;
	s12 =	simm.s32 $0x6000;
	[dreg:$0x13] =	wrdreg s21  }
0x1c: {  	s11 =	simm.s32 $0x1700;
	s13 =	sadd.s32 s0, s13;
	[dreg:$0x14] =	wrdreg s22  }
0x1d: {  	s6 =	sadd.s32 s0, s6;
	[dreg:$0x16] =	wrdreg s25;
	s18 =	simm.s32 $0x1  }
0x1e: {  	s20 =	simm.s32 $0x2;
	s19 =	simm.s32 $0x0;
	[dreg:$0x8] =	wrdreg s13  }
0x1f: {  	s13 =	sadd.s32 s0, s16;
	[dreg:$0xe] =	wrdreg s6;
	s6 =	simm.s32 $0x2000  }
0x20: {  	s16 =	simm.s32 $0x1880;
	[dreg:$0xa] =	wrdreg s13;
	s13 =	sadd.s32 s0, s17  }
0x21: {  	s0 =	sadd.s32 $0x9C00, s0;
	s17 =	simm.s32 $0x800;
	[dreg:$0xd] =	wrdreg s13  }
0x22: {  	[dreg:$0xf] =	wrdreg s0;
	s0 =	sor.u32 $0x1000, s25;
	s13 =	simm.s32 $0x1780  }
0x23: {  	v0 =	vimm.f32 $0.0e+00;
	s25 =	simm.s32 $0x1980;
	[dreg:$0x17] =	wrdreg s0;
	s0 =	simm.s32 $0x1000  }
.LBB2_1:
0x24: {  	s5 =	rddreg [dreg:$0x6]  }
0x25: {  	[tilespmem:s4], [sflag:$0x4] =	stream.linear.gather [hbm4b:s5+s4], $0x800, $0x38;
	[tilespmem:$0x1DC00] =	vst v63  }
0x26: {  	_ =	swait.ge [sflag:s31], $0x800  }
0x27: {  	[sflag:s31] =	ssyncset.done $0x0;
	s23 =	rddreg [dreg:$0x5]  }
0x28: {  	[sflag:s31] =	ssyncadd.s32 $0xFFFFF800;
	s21 =	sadd.s32 s23, s8  }
0x29: {  	[tilespmem:s0], [sflag:$0x4] =	stream.linear.gather [hbm4b:s21+s4], $0x800, $0x38;
	[tilespmem:$0x1DC00] =	vst v63  }
0x2a: {  	_ =	swait.ge [sflag:s31], $0x800  }
0x2b: {  	[sflag:s31] =	ssyncset.done $0x0  }
0x2c: {  	s22 =	simm.s32 $0x200;
	s21 =	simm.s32 $0x0;
	[sflag:s31] =	ssyncadd.s32 $0xFFFFF800  }
0x2d: {  	[tilespmem:s6], [sflag:$0x1] =	stream.indirect.gather [hbm4b:s1+s2], $0x80, s4, s2, $0xb8;
	[tilespmem:$0x1DC00] =	vst v63  }
.LBB2_2:
0x2e: {  	p1 =	sne.s32 s22, $0xFE00;
	[tilespmem:s21+$0x6070] =	vst v0  }
0x2f: {  	[tilespmem:s21+$0x6000] =	vst v0  }
0x30: {  	[tilespmem:s21+$0x6010] =	vst v0  }
.Ltmp0:
0x31: {  	[tilespmem:s21+$0x6020] =	vst v0;
	(pc) =	sbr.rel @p1 .LBB2_2-.Ltmp0, $4  }
0x32: {  	[tilespmem:s21+$0x6030] =	vst v0  }
0x33: {  	[tilespmem:s21+$0x6040] =	vst v0  }
0x34: {  	[tilespmem:s21+$0x6050] =	vst v0  }
0x35: {  	[tilespmem:s21+$0x6060] =	vst v0;
	s21 =	sshra.s32 s22, $0x2;
	s22 =	sadd.s32 $0x200, s22  }
0x36: {  	[tilespmem:s21+$0x6070] =	vst v0  }
0x37: {  	[tilespmem:s21+$0x6000] =	vst v0  }
0x38: {  	[tilespmem:s21+$0x6010] =	vst v0  }
0x39: {  	[tilespmem:s21+$0x6020] =	vst v0  }
0x3a: {  	[tilespmem:s21+$0x6030] =	vst v0  }
0x3b: {  	[tilespmem:s21+$0x6040] =	vst v0  }
0x3c: {  	[tilespmem:s21+$0x6050] =	vst v0  }
0x3d: {  	[tilespmem:s21+$0x6060] =	vst v0;
	s0 =	rddreg [dreg:$0x1c]  }
0x3e: {  	[spmem:s0] =	stream.linear.scatter [tilespmem:s12], [sflag:$0x4], $0x4000, $0x38;
	[tilespmem:$0x1DC00] =	vst v63  }
0x3f: {  	_ =	swait.ge [sflag:s31], $0x4000  }
0x40: {  	[sflag:s31] =	ssyncset.done $0x0  }
0x41: {  	s9 =	rddreg [dreg:$0x18];
	[sflag:s31] =	ssyncadd.s32 $0xFFFFC000  }
0x42: {  	[spmem:s9] =	stream.linear.scatter [tilespmem:s12], [sflag:$0x4], $0x4000, $0x38;
	[tilespmem:$0x1DC00] =	vst v63  }
0x43: {  	_ =	swait.ge [sflag:s31], $0x4000  }
0x44: {  	[sflag:s31] =	ssyncset.done $0x0  }
0x45: {  	s21 =	rddreg [dreg:$0x19];
	[sflag:s31] =	ssyncadd.s32 $0xFFFFC000  }
0x46: {  	[spmem:s21] =	stream.linear.scatter [tilespmem:s12], [sflag:$0x4], $0x4000, $0x38;
	[tilespmem:$0x1DC00] =	vst v63  }
0x47: {  	_ =	swait.ge [sflag:s31], $0x4000  }
0x48: {  	[sflag:s31] =	ssyncset.done $0x0  }
0x49: {  	s22 =	rddreg [dreg:$0x1a];
	[sflag:s31] =	ssyncadd.s32 $0xFFFFC000  }
0x4a: {  	[spmem:s22] =	stream.linear.scatter [tilespmem:s12], [sflag:$0x4], $0x4000, $0x38;
	[tilespmem:$0x1DC00] =	vst v63  }
0x4b: {  	_ =	swait.ge [sflag:s31], $0x4000  }
0x4c: {  	[sflag:s31] =	ssyncset.done $0x0  }
0x4d: {  	s23 =	rddreg [dreg:$0x1b];
	[sflag:s31] =	ssyncadd.s32 $0xFFFFC000  }
0x4e: {  	[spmem:s23] =	stream.linear.scatter [tilespmem:s12], [sflag:$0x4], $0x3C00, $0x38;
	[tilespmem:$0x1DC00] =	vst v63  }
0x4f: {  	_ =	swait.ge [sflag:s31], $0x3C00  }
0x50: {  	[sflag:s31] =	ssyncset.done $0x0  }
0x51: {  	[sflag:s31] =	ssyncadd.s32 $0xFFFFC400  }
0x52: {  	[bflag:$0x0] =	sbarrier.arrive $0xFFFF  }
0x53: {  	s5 =	rddreg [dreg:$0x8]  }
0x54: {  	s0 =	rddreg [dreg:$0x7]  }
0x55: {  	[tilespmem:s17], [sflag:$0x3] =	stream.linear.gather [hbm4b:s5+s4], $0x800, $0x38;
	[tilespmem:$0x1DC00] =	vst v63  }
0x56: {  	s9 =	sadd.s32 s0, s8  }
0x57: {  	[tilespmem:s7], [sflag:$0x3] =	stream.linear.gather [hbm4b:s9+s4], $0x800, $0x38;
	[tilespmem:$0x1DC00] =	vst v63  }
0x58: {  	_ = 	snop  }
0x59: {  	[tilespmem:s12], [sflag:$0x2] =	stream.indirect.gather [hbm4b:s1+s2], $0x80, s2, s2, $0xb8;
	[tilespmem:$0x1DC00] =	vst v63  }
0x5a: {  	_ =	swait.ge [sflag:s18], $0x4000  }
0x5b: {  	[sflag:s18] =	ssyncset.done $0x0  }
0x5c: {  	s0 =	simm.s32 $0x1000;
	[sflag:s18] =	ssyncadd.s32 $0xFFFFC000  }
0x5d: {  	[spmem:s3] =	stream.indirect.scatter.add.f32 [tilespmem:s6], [sflag:$0x4], $0x80, s0, s2, $0xb8;
	[tilespmem:$0x1DC00] =	vst v63  }
0x5e: {  	_ =	swait.ge [sflag:s31], $0x4000  }
0x5f: {  	[sflag:s31] =	ssyncset.done $0x0  }
0x60: {  	s21 =	simm.s32 $0x100;
	[sflag:s31] =	ssyncadd.s32 $0xFFFFC000  }
0x61: {  	[tilespmem:s6], [sflag:$0x1] =	stream.indirect.gather [hbm4b:s1+s2], $0x80, s21, s2, $0xb8;
	[tilespmem:$0x1DC00] =	vst v63  }
0x62: {  	_ =	swait.ge [sflag:s20], $0x4000  }
0x63: {  	[sflag:s20] =	ssyncset.done $0x0  }
0x64: {  	s22 =	simm.s32 $0x1080;
	[sflag:s20] =	ssyncadd.s32 $0xFFFFC000  }
0x65: {  	[spmem:s3] =	stream.indirect.scatter.add.f32 [tilespmem:s12], [sflag:$0x4], $0x80, s22, s2, $0xb8;
	[tilespmem:$0x1DC00] =	vst v63  }
0x66: {  	_ =	swait.ge [sflag:s31], $0x4000  }
0x67: {  	[sflag:s31] =	ssyncset.done $0x0  }
0x68: {  	s23 =	simm.s32 $0x180;
	[sflag:s31] =	ssyncadd.s32 $0xFFFFC000  }
0x69: {  	[tilespmem:s12], [sflag:$0x2] =	stream.indirect.gather [hbm4b:s1+s2], $0x80, s23, s2, $0xb8;
	[tilespmem:$0x1DC00] =	vst v63  }
0x6a: {  	_ =	swait.ge [sflag:s18], $0x4000  }
0x6b: {  	[sflag:s18] =	ssyncset.done $0x0  }
0x6c: {  	s9 =	simm.s32 $0x1100;
	[sflag:s18] =	ssyncadd.s32 $0xFFFFC000  }
0x6d: {  	[spmem:s3] =	stream.indirect.scatter.add.f32 [tilespmem:s6], [sflag:$0x4], $0x80, s9, s2, $0xb8;
	[tilespmem:$0x1DC00] =	vst v63  }
0x6e: {  	_ =	swait.ge [sflag:s31], $0x4000  }
0x6f: {  	[sflag:s31] =	ssyncset.done $0x0  }
0x70: {  	s21 =	simm.s32 $0x200;
	[sflag:s31] =	ssyncadd.s32 $0xFFFFC000  }
0x71: {  	[tilespmem:s6], [sflag:$0x1] =	stream.indirect.gather [hbm4b:s1+s2], $0x80, s21, s2, $0xb8;
	[tilespmem:$0x1DC00] =	vst v63  }
0x72: {  	_ =	swait.ge [sflag:s20], $0x4000  }
0x73: {  	[sflag:s20] =	ssyncset.done $0x0  }
0x74: {  	s22 =	simm.s32 $0x1180;
	[sflag:s20] =	ssyncadd.s32 $0xFFFFC000  }
0x75: {  	[spmem:s3] =	stream.indirect.scatter.add.f32 [tilespmem:s12], [sflag:$0x4], $0x80, s22, s2, $0xb8;
	[tilespmem:$0x1DC00] =	vst v63  }
0x76: {  	_ =	swait.ge [sflag:s31], $0x4000  }
0x77: {  	[sflag:s31] =	ssyncset.done $0x0  }
0x78: {  	s23 =	simm.s32 $0x280;
	[sflag:s31] =	ssyncadd.s32 $0xFFFFC000  }
0x79: {  	[tilespmem:s12], [sflag:$0x2] =	stream.indirect.gather [hbm4b:s1+s2], $0x80, s23, s2, $0xb8;
	[tilespmem:$0x1DC00] =	vst v63  }
0x7a: {  	_ =	swait.ge [sflag:s18], $0x4000  }
0x7b: {  	[sflag:s18] =	ssyncset.done $0x0  }
0x7c: {  	s9 =	simm.s32 $0x1200;
	[sflag:s18] =	ssyncadd.s32 $0xFFFFC000  }
0x7d: {  	[spmem:s3] =	stream.indirect.scatter.add.f32 [tilespmem:s6], [sflag:$0x4], $0x80, s9, s2, $0xb8;
	[tilespmem:$0x1DC00] =	vst v63  }
0x7e: {  	_ =	swait.ge [sflag:s31], $0x4000  }
0x7f: {  	[sflag:s31] =	ssyncset.done $0x0  }
0x80: {  	s21 =	simm.s32 $0x300;
	[sflag:s31] =	ssyncadd.s32 $0xFFFFC000  }
0x81: {  	[tilespmem:s6], [sflag:$0x1] =	stream.indirect.gather [hbm4b:s1+s2], $0x80, s21, s2, $0xb8;
	[tilespmem:$0x1DC00] =	vst v63  }
0x82: {  	_ =	swait.ge [sflag:s20], $0x4000  }
0x83: {  	[sflag:s20] =	ssyncset.done $0x0  }
0x84: {  	s22 =	simm.s32 $0x1280;
	[sflag:s20] =	ssyncadd.s32 $0xFFFFC000  }
0x85: {  	[spmem:s3] =	stream.indirect.scatter.add.f32 [tilespmem:s12], [sflag:$0x4], $0x80, s22, s2, $0xb8;
	[tilespmem:$0x1DC00] =	vst v63  }
0x86: {  	_ =	swait.ge [sflag:s31], $0x4000  }
0x87: {  	[sflag:s31] =	ssyncset.done $0x0  }
0x88: {  	s23 =	simm.s32 $0x380;
	[sflag:s31] =	ssyncadd.s32 $0xFFFFC000  }
0x89: {  	[tilespmem:s12], [sflag:$0x2] =	stream.indirect.gather [hbm4b:s1+s2], $0x80, s23, s2, $0xb8;
	[tilespmem:$0x1DC00] =	vst v63  }
0x8a: {  	_ =	swait.ge [sflag:s18], $0x4000  }
0x8b: {  	[sflag:s18] =	ssyncset.done $0x0  }
0x8c: {  	s9 =	simm.s32 $0x1300;
	[sflag:s18] =	ssyncadd.s32 $0xFFFFC000  }
0x8d: {  	[spmem:s3] =	stream.indirect.scatter.add.f32 [tilespmem:s6], [sflag:$0x4], $0x80, s9, s2, $0xb8;
	[tilespmem:$0x1DC00] =	vst v63  }
0x8e: {  	_ =	swait.ge [sflag:s31], $0x4000  }
0x8f: {  	[sflag:s31] =	ssyncset.done $0x0  }
0x90: {  	s21 =	simm.s32 $0x400;
	[sflag:s31] =	ssyncadd.s32 $0xFFFFC000  }
0x91: {  	[tilespmem:s6], [sflag:$0x1] =	stream.indirect.gather [hbm4b:s1+s2], $0x80, s21, s2, $0xb8;
	[tilespmem:$0x1DC00] =	vst v63  }
0x92: {  	_ =	swait.ge [sflag:s20], $0x4000  }
0x93: {  	[sflag:s20] =	ssyncset.done $0x0  }
0x94: {  	s22 =	simm.s32 $0x1380;
	[sflag:s20] =	ssyncadd.s32 $0xFFFFC000  }
0x95: {  	[spmem:s3] =	stream.indirect.scatter.add.f32 [tilespmem:s12], [sflag:$0x4], $0x80, s22, s2, $0xb8;
	[tilespmem:$0x1DC00] =	vst v63  }
0x96: {  	_ =	swait.ge [sflag:s31], $0x4000  }
0x97: {  	[sflag:s31] =	ssyncset.done $0x0  }
0x98: {  	s23 =	simm.s32 $0x480;
	[sflag:s31] =	ssyncadd.s32 $0xFFFFC000  }
0x99: {  	[tilespmem:s12], [sflag:$0x2] =	stream.indirect.gather [hbm4b:s1+s2], $0x80, s23, s2, $0xb8;
	[tilespmem:$0x1DC00] =	vst v63  }
0x9a: {  	_ =	swait.ge [sflag:s18], $0x4000  }
0x9b: {  	[sflag:s18] =	ssyncset.done $0x0  }
0x9c: {  	s9 =	simm.s32 $0x1400;
	[sflag:s18] =	ssyncadd.s32 $0xFFFFC000  }
0x9d: {  	[spmem:s3] =	stream.indirect.scatter.add.f32 [tilespmem:s6], [sflag:$0x4], $0x80, s9, s2, $0xb8;
	[tilespmem:$0x1DC00] =	vst v63  }
0x9e: {  	_ =	swait.ge [sflag:s31], $0x4000  }
0x9f: {  	[sflag:s31] =	ssyncset.done $0x0  }
0xa0: {  	s21 =	simm.s32 $0x500;
	[sflag:s31] =	ssyncadd.s32 $0xFFFFC000  }
0xa1: {  	[tilespmem:s6], [sflag:$0x1] =	stream.indirect.gather [hbm4b:s1+s2], $0x80, s21, s2, $0xb8;
	[tilespmem:$0x1DC00] =	vst v63  }
0xa2: {  	_ =	swait.ge [sflag:s20], $0x4000  }
0xa3: {  	[sflag:s20] =	ssyncset.done $0x0  }
0xa4: {  	s22 =	simm.s32 $0x1480;
	[sflag:s20] =	ssyncadd.s32 $0xFFFFC000  }
0xa5: {  	[spmem:s3] =	stream.indirect.scatter.add.f32 [tilespmem:s12], [sflag:$0x4], $0x80, s22, s2, $0xb8;
	[tilespmem:$0x1DC00] =	vst v63  }
0xa6: {  	_ =	swait.ge [sflag:s31], $0x4000  }
0xa7: {  	[sflag:s31] =	ssyncset.done $0x0  }
0xa8: {  	s23 =	simm.s32 $0x580;
	[sflag:s31] =	ssyncadd.s32 $0xFFFFC000  }
0xa9: {  	[tilespmem:s12], [sflag:$0x2] =	stream.indirect.gather [hbm4b:s1+s2], $0x80, s23, s2, $0xb8;
	[tilespmem:$0x1DC00] =	vst v63  }
0xaa: {  	_ =	swait.ge [sflag:s18], $0x4000  }
0xab: {  	[sflag:s18] =	ssyncset.done $0x0  }
0xac: {  	s9 =	simm.s32 $0x1500;
	[sflag:s18] =	ssyncadd.s32 $0xFFFFC000  }
0xad: {  	[spmem:s3] =	stream.indirect.scatter.add.f32 [tilespmem:s6], [sflag:$0x4], $0x80, s9, s2, $0xb8;
	[tilespmem:$0x1DC00] =	vst v63  }
0xae: {  	_ =	swait.ge [sflag:s31], $0x4000  }
0xaf: {  	[sflag:s31] =	ssyncset.done $0x0  }
0xb0: {  	s21 =	simm.s32 $0x600;
	[sflag:s31] =	ssyncadd.s32 $0xFFFFC000  }
0xb1: {  	[tilespmem:s6], [sflag:$0x1] =	stream.indirect.gather [hbm4b:s1+s2], $0x80, s21, s2, $0xb8;
	[tilespmem:$0x1DC00] =	vst v63  }
0xb2: {  	_ =	swait.ge [sflag:s20], $0x4000  }
0xb3: {  	[sflag:s20] =	ssyncset.done $0x0  }
0xb4: {  	s22 =	simm.s32 $0x1580;
	[sflag:s20] =	ssyncadd.s32 $0xFFFFC000  }
0xb5: {  	[spmem:s3] =	stream.indirect.scatter.add.f32 [tilespmem:s12], [sflag:$0x4], $0x80, s22, s2, $0xb8;
	[tilespmem:$0x1DC00] =	vst v63  }
0xb6: {  	_ =	swait.ge [sflag:s31], $0x4000  }
0xb7: {  	[sflag:s31] =	ssyncset.done $0x0  }
0xb8: {  	s23 =	simm.s32 $0x680;
	[sflag:s31] =	ssyncadd.s32 $0xFFFFC000  }
0xb9: {  	[tilespmem:s12], [sflag:$0x2] =	stream.indirect.gather [hbm4b:s1+s2], $0x80, s23, s2, $0xb8;
	[tilespmem:$0x1DC00] =	vst v63  }
0xba: {  	_ =	swait.ge [sflag:s18], $0x4000  }
0xbb: {  	[sflag:s18] =	ssyncset.done $0x0  }
0xbc: {  	s9 =	simm.s32 $0x1600;
	[sflag:s18] =	ssyncadd.s32 $0xFFFFC000  }
0xbd: {  	[spmem:s3] =	stream.indirect.scatter.add.f32 [tilespmem:s6], [sflag:$0x4], $0x80, s9, s2, $0xb8;
	[tilespmem:$0x1DC00] =	vst v63  }
0xbe: {  	_ =	swait.ge [sflag:s31], $0x4000  }
0xbf: {  	[sflag:s31] =	ssyncset.done $0x0  }
0xc0: {  	s9 =	simm.s32 $0x700;
	[sflag:s31] =	ssyncadd.s32 $0xFFFFC000  }
0xc1: {  	[tilespmem:s6], [sflag:$0x1] =	stream.indirect.gather [hbm4b:s1+s2], $0x80, s9, s2, $0xb8;
	[tilespmem:$0x1DC00] =	vst v63  }
0xc2: {  	_ =	swait.ge [sflag:s20], $0x4000  }
0xc3: {  	[sflag:s20] =	ssyncset.done $0x0  }
0xc4: {  	s21 =	simm.s32 $0x1680;
	[sflag:s20] =	ssyncadd.s32 $0xFFFFC000  }
0xc5: {  	[spmem:s3] =	stream.indirect.scatter.add.f32 [tilespmem:s12], [sflag:$0x4], $0x80, s21, s2, $0xb8;
	[tilespmem:$0x1DC00] =	vst v63  }
0xc6: {  	_ =	swait.ge [sflag:s31], $0x4000  }
0xc7: {  	[sflag:s31] =	ssyncset.done $0x0  }
0xc8: {  	[sflag:s31] =	ssyncadd.s32 $0xFFFFC000  }
0xc9: {  	[tilespmem:s12], [sflag:$0x2] =	stream.indirect.gather [hbm4b:s1+s2], $0x80, s10, s2, $0xb8;
	[tilespmem:$0x1DC00] =	vst v63  }
0xca: {  	_ =	swait.ge [sflag:s18], $0x4000  }
0xcb: {  	[sflag:s18] =	ssyncset.done $0x0  }
0xcc: {  	[sflag:s18] =	ssyncadd.s32 $0xFFFFC000  }
0xcd: {  	[spmem:s3] =	stream.indirect.scatter.add.f32 [tilespmem:s6], [sflag:$0x4], $0x80, s11, s2, $0xb8;
	[tilespmem:$0x1DC00] =	vst v63  }
0xce: {  	_ =	swait.ge [sflag:s31], $0x4000  }
0xcf: {  	[sflag:s31] =	ssyncset.done $0x0  }
0xd0: {  	[sflag:s31] =	ssyncadd.s32 $0xFFFFC000  }
0xd1: {  	_ =	swait.ge [sflag:s20], $0x4000  }
0xd2: {  	[sflag:s20] =	ssyncset.done $0x0  }
0xd3: {  	[sflag:s20] =	ssyncadd.s32 $0xFFFFC000  }
0xd4: {  	[spmem:s3] =	stream.indirect.scatter.add.f32 [tilespmem:s12], [sflag:$0x4], $0x80, s13, s2, $0xb8;
	[tilespmem:$0x1DC00] =	vst v63  }
0xd5: {  	_ =	swait.ge [sflag:s31], $0x4000  }
0xd6: {  	[sflag:s31] =	ssyncset.done $0x0  }
0xd7: {  	[sflag:s31] =	ssyncadd.s32 $0xFFFFC000  }
0xd8: {  	_ =	swait.ge [sflag:s28], $0x800  }
0xd9: {  	[sflag:s28] =	ssyncset.done $0x0  }
0xda: {  	[sflag:s28] =	ssyncadd.s32 $0xFFFFF800  }
0xdb: {  	_ =	swait.ge [sflag:s28], $0x800  }
0xdc: {  	[sflag:s28] =	ssyncset.done $0x0;
	s22 =	rddreg [dreg:$0xa]  }
0xdd: {  	s23 =	rddreg [dreg:$0x9];
	[sflag:s28] =	ssyncadd.s32 $0xFFFFF800  }
0xde: {  	[tilespmem:s4], [sflag:$0x3] =	stream.linear.gather [hbm4b:s22+s4], $0x800, $0x38;
	[tilespmem:$0x1DC00] =	vst v63  }
0xdf: {  	s5 =	sadd.s32 s23, s8  }
0xe0: {  	[tilespmem:s0], [sflag:$0x3] =	stream.linear.gather [hbm4b:s5+s4], $0x800, $0x38;
	[tilespmem:$0x1DC00] =	vst v63  }
0xe1: {  	_ = 	snop  }
0xe2: {  	[tilespmem:s6], [sflag:$0x1] =	stream.indirect.gather [hbm4b:s1+s2], $0x80, s17, s2, $0xb8;
	[tilespmem:$0x1DC00] =	vst v63  }
0xe3: {  	_ = 	snop  }
0xe4: {  	[tilespmem:s12], [sflag:$0x2] =	stream.indirect.gather [hbm4b:s1+s2], $0x80, s14, s2, $0xb8;
	[tilespmem:$0x1DC00] =	vst v63  }
0xe5: {  	_ =	swait.ge [sflag:s18], $0x4000  }
0xe6: {  	[sflag:s18] =	ssyncset.done $0x0  }
0xe7: {  	[sflag:s18] =	ssyncadd.s32 $0xFFFFC000  }
0xe8: {  	[spmem:s3] =	stream.indirect.scatter.add.f32 [tilespmem:s6], [sflag:$0x4], $0x80, s7, s2, $0xb8;
	[tilespmem:$0x1DC00] =	vst v63  }
0xe9: {  	_ =	swait.ge [sflag:s31], $0x4000  }
0xea: {  	[sflag:s31] =	ssyncset.done $0x0  }
0xeb: {  	[sflag:s31] =	ssyncadd.s32 $0xFFFFC000  }
0xec: {  	[tilespmem:s6], [sflag:$0x1] =	stream.indirect.gather [hbm4b:s1+s2], $0x80, s15, s2, $0xb8;
	[tilespmem:$0x1DC00] =	vst v63  }
0xed: {  	_ =	swait.ge [sflag:s20], $0x4000  }
0xee: {  	[sflag:s20] =	ssyncset.done $0x0  }
0xef: {  	[sflag:s20] =	ssyncadd.s32 $0xFFFFC000  }
0xf0: {  	[spmem:s3] =	stream.indirect.scatter.add.f32 [tilespmem:s12], [sflag:$0x4], $0x80, s16, s2, $0xb8;
	[tilespmem:$0x1DC00] =	vst v63  }
0xf1: {  	_ =	swait.ge [sflag:s31], $0x4000  }
0xf2: {  	[sflag:s31] =	ssyncset.done $0x0  }
0xf3: {  	s22 =	simm.s32 $0x980;
	[sflag:s31] =	ssyncadd.s32 $0xFFFFC000  }
0xf4: {  	[tilespmem:s12], [sflag:$0x2] =	stream.indirect.gather [hbm4b:s1+s2], $0x80, s22, s2, $0xb8;
	[tilespmem:$0x1DC00] =	vst v63  }
0xf5: {  	_ =	swait.ge [sflag:s18], $0x4000  }
0xf6: {  	[sflag:s18] =	ssyncset.done $0x0  }
0xf7: {  	s23 =	simm.s32 $0x1900;
	[sflag:s18] =	ssyncadd.s32 $0xFFFFC000  }
0xf8: {  	[spmem:s3] =	stream.indirect.scatter.add.f32 [tilespmem:s6], [sflag:$0x4], $0x80, s23, s2, $0xb8;
	[tilespmem:$0x1DC00] =	vst v63  }
0xf9: {  	_ =	swait.ge [sflag:s31], $0x4000  }
0xfa: {  	[sflag:s31] =	ssyncset.done $0x0  }
0xfb: {  	[sflag:s31] =	ssyncadd.s32 $0xFFFFC000  }
0xfc: {  	[tilespmem:s6], [sflag:$0x1] =	stream.indirect.gather [hbm4b:s1+s2], $0x80, s24, s2, $0xb8;
	[tilespmem:$0x1DC00] =	vst v63  }
0xfd: {  	_ =	swait.ge [sflag:s20], $0x4000  }
0xfe: {  	[sflag:s20] =	ssyncset.done $0x0  }
0xff: {  	[sflag:s20] =	ssyncadd.s32 $0xFFFFC000  }
0x100: {  	[spmem:s3] =	stream.indirect.scatter.add.f32 [tilespmem:s12], [sflag:$0x4], $0x80, s25, s2, $0xb8;
	[tilespmem:$0x1DC00] =	vst v63  }
0x101: {  	_ =	swait.ge [sflag:s31], $0x4000  }
0x102: {  	[sflag:s31] =	ssyncset.done $0x0  }
0x103: {  	[sflag:s31] =	ssyncadd.s32 $0xFFFFC000  }
0x104: {  	[tilespmem:s12], [sflag:$0x2] =	stream.indirect.gather [hbm4b:s1+s2], $0x80, s26, s2, $0xb8;
	[tilespmem:$0x1DC00] =	vst v63  }
0x105: {  	_ =	swait.ge [sflag:s18], $0x4000  }
0x106: {  	[sflag:s18] =	ssyncset.done $0x0  }
0x107: {  	[sflag:s18] =	ssyncadd.s32 $0xFFFFC000  }
0x108: {  	[spmem:s3] =	stream.indirect.scatter.add.f32 [tilespmem:s6], [sflag:$0x4], $0x80, s29, s2, $0xb8;
	[tilespmem:$0x1DC00] =	vst v63  }
0x109: {  	_ =	swait.ge [sflag:s31], $0x4000  }
0x10a: {  	[sflag:s31] =	ssyncset.done $0x0  }
0x10b: {  	[sflag:s31] =	ssyncadd.s32 $0xFFFFC000  }
0x10c: {  	[tilespmem:s6], [sflag:$0x1] =	stream.indirect.gather [hbm4b:s1+s2], $0x80, s30, s2, $0xb8;
	[tilespmem:$0x1DC00] =	vst v63  }
0x10d: {  	_ =	swait.ge [sflag:s20], $0x4000  }
0x10e: {  	[sflag:s20] =	ssyncset.done $0x0  }
0x10f: {  	s21 =	simm.s32 $0x1A80;
	[sflag:s20] =	ssyncadd.s32 $0xFFFFC000  }
0x110: {  	[spmem:s3] =	stream.indirect.scatter.add.f32 [tilespmem:s12], [sflag:$0x4], $0x80, s21, s2, $0xb8;
	[tilespmem:$0x1DC00] =	vst v63  }
0x111: {  	_ =	swait.ge [sflag:s31], $0x4000  }
0x112: {  	[sflag:s31] =	ssyncset.done $0x0  }
0x113: {  	s21 =	simm.s32 $0xB80;
	[sflag:s31] =	ssyncadd.s32 $0xFFFFC000  }
0x114: {  	[tilespmem:s12], [sflag:$0x2] =	stream.indirect.gather [hbm4b:s1+s2], $0x80, s21, s2, $0xb8;
	[tilespmem:$0x1DC00] =	vst v63  }
0x115: {  	_ =	swait.ge [sflag:s18], $0x4000  }
0x116: {  	[sflag:s18] =	ssyncset.done $0x0  }
0x117: {  	s21 =	simm.s32 $0x1B00;
	[sflag:s18] =	ssyncadd.s32 $0xFFFFC000  }
0x118: {  	[spmem:s3] =	stream.indirect.scatter.add.f32 [tilespmem:s6], [sflag:$0x4], $0x80, s21, s2, $0xb8;
	[tilespmem:$0x1DC00] =	vst v63  }
0x119: {  	_ =	swait.ge [sflag:s31], $0x4000  }
0x11a: {  	[sflag:s31] =	ssyncset.done $0x0  }
0x11b: {  	s21 =	simm.s32 $0xC00;
	[sflag:s31] =	ssyncadd.s32 $0xFFFFC000  }
0x11c: {  	[tilespmem:s6], [sflag:$0x1] =	stream.indirect.gather [hbm4b:s1+s2], $0x80, s21, s2, $0xb8;
	[tilespmem:$0x1DC00] =	vst v63  }
0x11d: {  	_ =	swait.ge [sflag:s20], $0x4000  }
0x11e: {  	[sflag:s20] =	ssyncset.done $0x0  }
0x11f: {  	s21 =	simm.s32 $0x1B80;
	[sflag:s20] =	ssyncadd.s32 $0xFFFFC000  }
0x120: {  	[spmem:s3] =	stream.indirect.scatter.add.f32 [tilespmem:s12], [sflag:$0x4], $0x80, s21, s2, $0xb8;
	[tilespmem:$0x1DC00] =	vst v63  }
0x121: {  	_ =	swait.ge [sflag:s31], $0x4000  }
0x122: {  	[sflag:s31] =	ssyncset.done $0x0  }
0x123: {  	s21 =	simm.s32 $0xC80;
	[sflag:s31] =	ssyncadd.s32 $0xFFFFC000  }
0x124: {  	[tilespmem:s12], [sflag:$0x2] =	stream.indirect.gather [hbm4b:s1+s2], $0x80, s21, s2, $0xb8;
	[tilespmem:$0x1DC00] =	vst v63  }
0x125: {  	_ =	swait.ge [sflag:s18], $0x4000  }
0x126: {  	[sflag:s18] =	ssyncset.done $0x0  }
0x127: {  	s21 =	simm.s32 $0x1C00;
	[sflag:s18] =	ssyncadd.s32 $0xFFFFC000  }
0x128: {  	[spmem:s3] =	stream.indirect.scatter.add.f32 [tilespmem:s6], [sflag:$0x4], $0x80, s21, s2, $0xb8;
	[tilespmem:$0x1DC00] =	vst v63  }
0x129: {  	_ =	swait.ge [sflag:s31], $0x4000  }
0x12a: {  	[sflag:s31] =	ssyncset.done $0x0  }
0x12b: {  	s21 =	simm.s32 $0xD00;
	[sflag:s31] =	ssyncadd.s32 $0xFFFFC000  }
0x12c: {  	[tilespmem:s6], [sflag:$0x1] =	stream.indirect.gather [hbm4b:s1+s2], $0x80, s21, s2, $0xb8;
	[tilespmem:$0x1DC00] =	vst v63  }
0x12d: {  	_ =	swait.ge [sflag:s20], $0x4000  }
0x12e: {  	[sflag:s20] =	ssyncset.done $0x0  }
0x12f: {  	s21 =	simm.s32 $0x1C80;
	[sflag:s20] =	ssyncadd.s32 $0xFFFFC000  }
0x130: {  	[spmem:s3] =	stream.indirect.scatter.add.f32 [tilespmem:s12], [sflag:$0x4], $0x80, s21, s2, $0xb8;
	[tilespmem:$0x1DC00] =	vst v63  }
0x131: {  	_ =	swait.ge [sflag:s31], $0x4000  }
0x132: {  	[sflag:s31] =	ssyncset.done $0x0  }
0x133: {  	s21 =	simm.s32 $0xD80;
	[sflag:s31] =	ssyncadd.s32 $0xFFFFC000  }
0x134: {  	[tilespmem:s12], [sflag:$0x2] =	stream.indirect.gather [hbm4b:s1+s2], $0x80, s21, s2, $0xb8;
	[tilespmem:$0x1DC00] =	vst v63  }
0x135: {  	_ =	swait.ge [sflag:s18], $0x4000  }
0x136: {  	[sflag:s18] =	ssyncset.done $0x0  }
0x137: {  	s21 =	simm.s32 $0x1D00;
	[sflag:s18] =	ssyncadd.s32 $0xFFFFC000  }
0x138: {  	[spmem:s3] =	stream.indirect.scatter.add.f32 [tilespmem:s6], [sflag:$0x4], $0x80, s21, s2, $0xb8;
	[tilespmem:$0x1DC00] =	vst v63  }
0x139: {  	_ =	swait.ge [sflag:s31], $0x4000  }
0x13a: {  	[sflag:s31] =	ssyncset.done $0x0  }
0x13b: {  	s21 =	simm.s32 $0xE00;
	[sflag:s31] =	ssyncadd.s32 $0xFFFFC000  }
0x13c: {  	[tilespmem:s6], [sflag:$0x1] =	stream.indirect.gather [hbm4b:s1+s2], $0x80, s21, s2, $0xb8;
	[tilespmem:$0x1DC00] =	vst v63  }
0x13d: {  	_ =	swait.ge [sflag:s20], $0x4000  }
0x13e: {  	[sflag:s20] =	ssyncset.done $0x0  }
0x13f: {  	s21 =	simm.s32 $0x1D80;
	[sflag:s20] =	ssyncadd.s32 $0xFFFFC000  }
0x140: {  	[spmem:s3] =	stream.indirect.scatter.add.f32 [tilespmem:s12], [sflag:$0x4], $0x80, s21, s2, $0xb8;
	[tilespmem:$0x1DC00] =	vst v63  }
0x141: {  	_ =	swait.ge [sflag:s31], $0x4000  }
0x142: {  	[sflag:s31] =	ssyncset.done $0x0  }
0x143: {  	s21 =	simm.s32 $0xE80;
	[sflag:s31] =	ssyncadd.s32 $0xFFFFC000  }
0x144: {  	[tilespmem:s12], [sflag:$0x2] =	stream.indirect.gather [hbm4b:s1+s2], $0x80, s21, s2, $0xb8;
	[tilespmem:$0x1DC00] =	vst v63  }
0x145: {  	_ =	swait.ge [sflag:s18], $0x4000  }
0x146: {  	[sflag:s18] =	ssyncset.done $0x0  }
0x147: {  	s21 =	simm.s32 $0x1E00;
	[sflag:s18] =	ssyncadd.s32 $0xFFFFC000  }
0x148: {  	[spmem:s3] =	stream.indirect.scatter.add.f32 [tilespmem:s6], [sflag:$0x4], $0x80, s21, s2, $0xb8;
	[tilespmem:$0x1DC00] =	vst v63  }
0x149: {  	_ =	swait.ge [sflag:s31], $0x4000  }
0x14a: {  	[sflag:s31] =	ssyncset.done $0x0  }
0x14b: {  	s21 =	simm.s32 $0xF00;
	[sflag:s31] =	ssyncadd.s32 $0xFFFFC000  }
0x14c: {  	[tilespmem:s6], [sflag:$0x1] =	stream.indirect.gather [hbm4b:s1+s2], $0x80, s21, s2, $0xb8;
	[tilespmem:$0x1DC00] =	vst v63  }
0x14d: {  	_ =	swait.ge [sflag:s20], $0x4000  }
0x14e: {  	[sflag:s20] =	ssyncset.done $0x0  }
0x14f: {  	s21 =	simm.s32 $0x1E80;
	[sflag:s20] =	ssyncadd.s32 $0xFFFFC000  }
0x150: {  	[spmem:s3] =	stream.indirect.scatter.add.f32 [tilespmem:s12], [sflag:$0x4], $0x80, s21, s2, $0xb8;
	[tilespmem:$0x1DC00] =	vst v63  }
0x151: {  	_ =	swait.ge [sflag:s31], $0x4000  }
0x152: {  	[sflag:s31] =	ssyncset.done $0x0  }
0x153: {  	s21 =	simm.s32 $0xF80;
	[sflag:s31] =	ssyncadd.s32 $0xFFFFC000  }
0x154: {  	[tilespmem:s12], [sflag:$0x2] =	stream.indirect.gather [hbm4b:s1+s2], $0x80, s21, s2, $0xb8;
	[tilespmem:$0x1DC00] =	vst v63  }
0x155: {  	_ =	swait.ge [sflag:s18], $0x4000  }
0x156: {  	[sflag:s18] =	ssyncset.done $0x0  }
0x157: {  	s21 =	simm.s32 $0x1F00;
	[sflag:s18] =	ssyncadd.s32 $0xFFFFC000  }
0x158: {  	[spmem:s3] =	stream.indirect.scatter.add.f32 [tilespmem:s6], [sflag:$0x4], $0x80, s21, s2, $0xb8;
	[tilespmem:$0x1DC00] =	vst v63  }
0x159: {  	_ =	swait.ge [sflag:s31], $0x4000  }
0x15a: {  	[sflag:s31] =	ssyncset.done $0x0  }
0x15b: {  	[sflag:s31] =	ssyncadd.s32 $0xFFFFC000  }
0x15c: {  	_ =	swait.ge [sflag:s20], $0x4000  }
0x15d: {  	[sflag:s20] =	ssyncset.done $0x0  }
0x15e: {  	s21 =	simm.s32 $0x1F80;
	[sflag:s20] =	ssyncadd.s32 $0xFFFFC000  }
0x15f: {  	[spmem:s3] =	stream.indirect.scatter.add.f32 [tilespmem:s12], [sflag:$0x4], $0x80, s21, s2, $0xb8;
	[tilespmem:$0x1DC00] =	vst v63  }
0x160: {  	_ =	swait.ge [sflag:s31], $0x4000  }
0x161: {  	[sflag:s31] =	ssyncset.done $0x0  }
0x162: {  	[sflag:s31] =	ssyncadd.s32 $0xFFFFC000  }
0x163: {  	_ =	swait.ge [sflag:s28], $0x800  }
0x164: {  	[sflag:s28] =	ssyncset.done $0x0  }
0x165: {  	[sflag:s28] =	ssyncadd.s32 $0xFFFFF800  }
0x166: {  	_ =	swait.ge [sflag:s28], $0x800  }
0x167: {  	[sflag:s28] =	ssyncset.done $0x0  }
0x168: {  	s21 =	rddreg [dreg:$0xd];
	[sflag:s28] =	ssyncadd.s32 $0xFFFFF800  }
0x169: {  	[tilespmem:s17], [sflag:$0x3] =	stream.linear.gather [hbm4b:s21+s4], $0x800, $0x38;
	[tilespmem:$0x1DC00] =	vst v63  }
0x16a: {  	s21 =	rddreg [dreg:$0xb]  }
0x16b: {  	s5 =	sadd.s32 s21, s8  }
0x16c: {  	[tilespmem:s7], [sflag:$0x3] =	stream.linear.gather [hbm4b:s5+s4], $0x800, $0x38;
	[tilespmem:$0x1DC00] =	vst v63  }
0x16d: {  	_ = 	snop  }
0x16e: {  	[tilespmem:s6], [sflag:$0x1] =	stream.indirect.gather [hbm4b:s1+s2], $0x80, s4, s2, $0xb8;
	[tilespmem:$0x1DC00] =	vst v63  }
0x16f: {  	_ = 	snop  }
0x170: {  	[tilespmem:s12], [sflag:$0x2] =	stream.indirect.gather [hbm4b:s1+s2], $0x80, s2, s2, $0xb8;
	[tilespmem:$0x1DC00] =	vst v63  }
0x171: {  	_ =	swait.ge [sflag:s18], $0x4000  }
0x172: {  	[sflag:s18] =	ssyncset.done $0x0  }
0x173: {  	[sflag:s18] =	ssyncadd.s32 $0xFFFFC000  }
0x174: {  	[spmem:s3] =	stream.indirect.scatter.add.f32 [tilespmem:s6], [sflag:$0x4], $0x80, s0, s2, $0xb8;
	[tilespmem:$0x1DC00] =	vst v63  }
0x175: {  	_ =	swait.ge [sflag:s31], $0x4000  }
0x176: {  	[sflag:s31] =	ssyncset.done $0x0  }
0x177: {  	s21 =	simm.s32 $0x100;
	[sflag:s31] =	ssyncadd.s32 $0xFFFFC000  }
0x178: {  	[tilespmem:s6], [sflag:$0x1] =	stream.indirect.gather [hbm4b:s1+s2], $0x80, s21, s2, $0xb8;
	[tilespmem:$0x1DC00] =	vst v63  }
0x179: {  	_ =	swait.ge [sflag:s20], $0x4000  }
0x17a: {  	[sflag:s20] =	ssyncset.done $0x0  }
0x17b: {  	s21 =	simm.s32 $0x1080;
	[sflag:s20] =	ssyncadd.s32 $0xFFFFC000  }
0x17c: {  	[spmem:s3] =	stream.indirect.scatter.add.f32 [tilespmem:s12], [sflag:$0x4], $0x80, s21, s2, $0xb8;
	[tilespmem:$0x1DC00] =	vst v63  }
0x17d: {  	_ =	swait.ge [sflag:s31], $0x4000  }
0x17e: {  	[sflag:s31] =	ssyncset.done $0x0  }
0x17f: {  	s21 =	simm.s32 $0x180;
	[sflag:s31] =	ssyncadd.s32 $0xFFFFC000  }
0x180: {  	[tilespmem:s12], [sflag:$0x2] =	stream.indirect.gather [hbm4b:s1+s2], $0x80, s21, s2, $0xb8;
	[tilespmem:$0x1DC00] =	vst v63  }
0x181: {  	_ =	swait.ge [sflag:s18], $0x4000  }
0x182: {  	[sflag:s18] =	ssyncset.done $0x0  }
0x183: {  	s21 =	simm.s32 $0x1100;
	[sflag:s18] =	ssyncadd.s32 $0xFFFFC000  }
0x184: {  	[spmem:s3] =	stream.indirect.scatter.add.f32 [tilespmem:s6], [sflag:$0x4], $0x80, s21, s2, $0xb8;
	[tilespmem:$0x1DC00] =	vst v63  }
0x185: {  	_ =	swait.ge [sflag:s31], $0x4000  }
0x186: {  	[sflag:s31] =	ssyncset.done $0x0  }
0x187: {  	s21 =	simm.s32 $0x200;
	[sflag:s31] =	ssyncadd.s32 $0xFFFFC000  }
0x188: {  	[tilespmem:s6], [sflag:$0x1] =	stream.indirect.gather [hbm4b:s1+s2], $0x80, s21, s2, $0xb8;
	[tilespmem:$0x1DC00] =	vst v63  }
0x189: {  	_ =	swait.ge [sflag:s20], $0x4000  }
0x18a: {  	[sflag:s20] =	ssyncset.done $0x0  }
0x18b: {  	s21 =	simm.s32 $0x1180;
	[sflag:s20] =	ssyncadd.s32 $0xFFFFC000  }
0x18c: {  	[spmem:s3] =	stream.indirect.scatter.add.f32 [tilespmem:s12], [sflag:$0x4], $0x80, s21, s2, $0xb8;
	[tilespmem:$0x1DC00] =	vst v63  }
0x18d: {  	_ =	swait.ge [sflag:s31], $0x4000  }
0x18e: {  	[sflag:s31] =	ssyncset.done $0x0  }
0x18f: {  	s21 =	simm.s32 $0x280;
	[sflag:s31] =	ssyncadd.s32 $0xFFFFC000  }
0x190: {  	[tilespmem:s12], [sflag:$0x2] =	stream.indirect.gather [hbm4b:s1+s2], $0x80, s21, s2, $0xb8;
	[tilespmem:$0x1DC00] =	vst v63  }
0x191: {  	_ =	swait.ge [sflag:s18], $0x4000  }
0x192: {  	[sflag:s18] =	ssyncset.done $0x0  }
0x193: {  	s21 =	simm.s32 $0x1200;
	[sflag:s18] =	ssyncadd.s32 $0xFFFFC000  }
0x194: {  	[spmem:s3] =	stream.indirect.scatter.add.f32 [tilespmem:s6], [sflag:$0x4], $0x80, s21, s2, $0xb8;
	[tilespmem:$0x1DC00] =	vst v63  }
0x195: {  	_ =	swait.ge [sflag:s31], $0x4000  }
0x196: {  	[sflag:s31] =	ssyncset.done $0x0  }
0x197: {  	s21 =	simm.s32 $0x300;
	[sflag:s31] =	ssyncadd.s32 $0xFFFFC000  }
0x198: {  	[tilespmem:s6], [sflag:$0x1] =	stream.indirect.gather [hbm4b:s1+s2], $0x80, s21, s2, $0xb8;
	[tilespmem:$0x1DC00] =	vst v63  }
0x199: {  	_ =	swait.ge [sflag:s20], $0x4000  }
0x19a: {  	[sflag:s20] =	ssyncset.done $0x0  }
0x19b: {  	s21 =	simm.s32 $0x1280;
	[sflag:s20] =	ssyncadd.s32 $0xFFFFC000  }
0x19c: {  	[spmem:s3] =	stream.indirect.scatter.add.f32 [tilespmem:s12], [sflag:$0x4], $0x80, s21, s2, $0xb8;
	[tilespmem:$0x1DC00] =	vst v63  }
0x19d: {  	_ =	swait.ge [sflag:s31], $0x4000  }
0x19e: {  	[sflag:s31] =	ssyncset.done $0x0  }
0x19f: {  	s21 =	simm.s32 $0x380;
	[sflag:s31] =	ssyncadd.s32 $0xFFFFC000  }
0x1a0: {  	[tilespmem:s12], [sflag:$0x2] =	stream.indirect.gather [hbm4b:s1+s2], $0x80, s21, s2, $0xb8;
	[tilespmem:$0x1DC00] =	vst v63  }
0x1a1: {  	_ =	swait.ge [sflag:s18], $0x4000  }
0x1a2: {  	[sflag:s18] =	ssyncset.done $0x0  }
0x1a3: {  	s21 =	simm.s32 $0x1300;
	[sflag:s18] =	ssyncadd.s32 $0xFFFFC000  }
0x1a4: {  	[spmem:s3] =	stream.indirect.scatter.add.f32 [tilespmem:s6], [sflag:$0x4], $0x80, s21, s2, $0xb8;
	[tilespmem:$0x1DC00] =	vst v63  }
0x1a5: {  	_ =	swait.ge [sflag:s31], $0x4000  }
0x1a6: {  	[sflag:s31] =	ssyncset.done $0x0  }
0x1a7: {  	s21 =	simm.s32 $0x400;
	[sflag:s31] =	ssyncadd.s32 $0xFFFFC000  }
0x1a8: {  	[tilespmem:s6], [sflag:$0x1] =	stream.indirect.gather [hbm4b:s1+s2], $0x80, s21, s2, $0xb8;
	[tilespmem:$0x1DC00] =	vst v63  }
0x1a9: {  	_ =	swait.ge [sflag:s20], $0x4000  }
0x1aa: {  	[sflag:s20] =	ssyncset.done $0x0  }
0x1ab: {  	s21 =	simm.s32 $0x1380;
	[sflag:s20] =	ssyncadd.s32 $0xFFFFC000  }
0x1ac: {  	[spmem:s3] =	stream.indirect.scatter.add.f32 [tilespmem:s12], [sflag:$0x4], $0x80, s21, s2, $0xb8;
	[tilespmem:$0x1DC00] =	vst v63  }
0x1ad: {  	_ =	swait.ge [sflag:s31], $0x4000  }
0x1ae: {  	[sflag:s31] =	ssyncset.done $0x0  }
0x1af: {  	s21 =	simm.s32 $0x480;
	[sflag:s31] =	ssyncadd.s32 $0xFFFFC000  }
0x1b0: {  	[tilespmem:s12], [sflag:$0x2] =	stream.indirect.gather [hbm4b:s1+s2], $0x80, s21, s2, $0xb8;
	[tilespmem:$0x1DC00] =	vst v63  }
0x1b1: {  	_ =	swait.ge [sflag:s18], $0x4000  }
0x1b2: {  	[sflag:s18] =	ssyncset.done $0x0  }
0x1b3: {  	s21 =	simm.s32 $0x1400;
	[sflag:s18] =	ssyncadd.s32 $0xFFFFC000  }
0x1b4: {  	[spmem:s3] =	stream.indirect.scatter.add.f32 [tilespmem:s6], [sflag:$0x4], $0x80, s21, s2, $0xb8;
	[tilespmem:$0x1DC00] =	vst v63  }
0x1b5: {  	_ =	swait.ge [sflag:s31], $0x4000  }
0x1b6: {  	[sflag:s31] =	ssyncset.done $0x0  }
0x1b7: {  	s21 =	simm.s32 $0x500;
	[sflag:s31] =	ssyncadd.s32 $0xFFFFC000  }
0x1b8: {  	[tilespmem:s6], [sflag:$0x1] =	stream.indirect.gather [hbm4b:s1+s2], $0x80, s21, s2, $0xb8;
	[tilespmem:$0x1DC00] =	vst v63  }
0x1b9: {  	_ =	swait.ge [sflag:s20], $0x4000  }
0x1ba: {  	[sflag:s20] =	ssyncset.done $0x0  }
0x1bb: {  	s21 =	simm.s32 $0x1480;
	[sflag:s20] =	ssyncadd.s32 $0xFFFFC000  }
0x1bc: {  	[spmem:s3] =	stream.indirect.scatter.add.f32 [tilespmem:s12], [sflag:$0x4], $0x80, s21, s2, $0xb8;
	[tilespmem:$0x1DC00] =	vst v63  }
0x1bd: {  	_ =	swait.ge [sflag:s31], $0x4000  }
0x1be: {  	[sflag:s31] =	ssyncset.done $0x0  }
0x1bf: {  	s21 =	simm.s32 $0x580;
	[sflag:s31] =	ssyncadd.s32 $0xFFFFC000  }
0x1c0: {  	[tilespmem:s12], [sflag:$0x2] =	stream.indirect.gather [hbm4b:s1+s2], $0x80, s21, s2, $0xb8;
	[tilespmem:$0x1DC00] =	vst v63  }
0x1c1: {  	_ =	swait.ge [sflag:s18], $0x4000  }
0x1c2: {  	[sflag:s18] =	ssyncset.done $0x0  }
0x1c3: {  	s21 =	simm.s32 $0x1500;
	[sflag:s18] =	ssyncadd.s32 $0xFFFFC000  }
0x1c4: {  	[spmem:s3] =	stream.indirect.scatter.add.f32 [tilespmem:s6], [sflag:$0x4], $0x80, s21, s2, $0xb8;
	[tilespmem:$0x1DC00] =	vst v63  }
0x1c5: {  	_ =	swait.ge [sflag:s31], $0x4000  }
0x1c6: {  	[sflag:s31] =	ssyncset.done $0x0  }
0x1c7: {  	s21 =	simm.s32 $0x600;
	[sflag:s31] =	ssyncadd.s32 $0xFFFFC000  }
0x1c8: {  	[tilespmem:s6], [sflag:$0x1] =	stream.indirect.gather [hbm4b:s1+s2], $0x80, s21, s2, $0xb8;
	[tilespmem:$0x1DC00] =	vst v63  }
0x1c9: {  	_ =	swait.ge [sflag:s20], $0x4000  }
0x1ca: {  	[sflag:s20] =	ssyncset.done $0x0  }
0x1cb: {  	s21 =	simm.s32 $0x1580;
	[sflag:s20] =	ssyncadd.s32 $0xFFFFC000  }
0x1cc: {  	[spmem:s3] =	stream.indirect.scatter.add.f32 [tilespmem:s12], [sflag:$0x4], $0x80, s21, s2, $0xb8;
	[tilespmem:$0x1DC00] =	vst v63  }
0x1cd: {  	_ =	swait.ge [sflag:s31], $0x4000  }
0x1ce: {  	[sflag:s31] =	ssyncset.done $0x0  }
0x1cf: {  	s21 =	simm.s32 $0x680;
	[sflag:s31] =	ssyncadd.s32 $0xFFFFC000  }
0x1d0: {  	[tilespmem:s12], [sflag:$0x2] =	stream.indirect.gather [hbm4b:s1+s2], $0x80, s21, s2, $0xb8;
	[tilespmem:$0x1DC00] =	vst v63  }
0x1d1: {  	_ =	swait.ge [sflag:s18], $0x4000  }
0x1d2: {  	[sflag:s18] =	ssyncset.done $0x0  }
0x1d3: {  	s21 =	simm.s32 $0x1600;
	[sflag:s18] =	ssyncadd.s32 $0xFFFFC000  }
0x1d4: {  	[spmem:s3] =	stream.indirect.scatter.add.f32 [tilespmem:s6], [sflag:$0x4], $0x80, s21, s2, $0xb8;
	[tilespmem:$0x1DC00] =	vst v63  }
0x1d5: {  	_ =	swait.ge [sflag:s31], $0x4000  }
0x1d6: {  	[sflag:s31] =	ssyncset.done $0x0  }
0x1d7: {  	[sflag:s31] =	ssyncadd.s32 $0xFFFFC000  }
0x1d8: {  	[tilespmem:s6], [sflag:$0x1] =	stream.indirect.gather [hbm4b:s1+s2], $0x80, s9, s2, $0xb8;
	[tilespmem:$0x1DC00] =	vst v63  }
0x1d9: {  	_ =	swait.ge [sflag:s20], $0x4000  }
0x1da: {  	[sflag:s20] =	ssyncset.done $0x0  }
0x1db: {  	s9 =	simm.s32 $0x1680;
	[sflag:s20] =	ssyncadd.s32 $0xFFFFC000  }
0x1dc: {  	[spmem:s3] =	stream.indirect.scatter.add.f32 [tilespmem:s12], [sflag:$0x4], $0x80, s9, s2, $0xb8;
	[tilespmem:$0x1DC00] =	vst v63  }
0x1dd: {  	_ =	swait.ge [sflag:s31], $0x4000  }
0x1de: {  	[sflag:s31] =	ssyncset.done $0x0  }
0x1df: {  	[sflag:s31] =	ssyncadd.s32 $0xFFFFC000  }
0x1e0: {  	[tilespmem:s12], [sflag:$0x2] =	stream.indirect.gather [hbm4b:s1+s2], $0x80, s10, s2, $0xb8;
	[tilespmem:$0x1DC00] =	vst v63  }
0x1e1: {  	_ =	swait.ge [sflag:s18], $0x4000  }
0x1e2: {  	[sflag:s18] =	ssyncset.done $0x0  }
0x1e3: {  	[sflag:s18] =	ssyncadd.s32 $0xFFFFC000  }
0x1e4: {  	[spmem:s3] =	stream.indirect.scatter.add.f32 [tilespmem:s6], [sflag:$0x4], $0x80, s11, s2, $0xb8;
	[tilespmem:$0x1DC00] =	vst v63  }
0x1e5: {  	_ =	swait.ge [sflag:s31], $0x4000  }
0x1e6: {  	[sflag:s31] =	ssyncset.done $0x0  }
0x1e7: {  	[sflag:s31] =	ssyncadd.s32 $0xFFFFC000  }
0x1e8: {  	_ =	swait.ge [sflag:s20], $0x4000  }
0x1e9: {  	[sflag:s20] =	ssyncset.done $0x0  }
0x1ea: {  	[sflag:s20] =	ssyncadd.s32 $0xFFFFC000  }
0x1eb: {  	[spmem:s3] =	stream.indirect.scatter.add.f32 [tilespmem:s12], [sflag:$0x4], $0x80, s13, s2, $0xb8;
	[tilespmem:$0x1DC00] =	vst v63  }
0x1ec: {  	_ =	swait.ge [sflag:s31], $0x4000  }
0x1ed: {  	[sflag:s31] =	ssyncset.done $0x0  }
0x1ee: {  	[sflag:s31] =	ssyncadd.s32 $0xFFFFC000  }
0x1ef: {  	_ =	swait.ge [sflag:s28], $0x800  }
0x1f0: {  	[sflag:s28] =	ssyncset.done $0x0  }
0x1f1: {  	[sflag:s28] =	ssyncadd.s32 $0xFFFFF800  }
0x1f2: {  	_ =	swait.ge [sflag:s28], $0x800  }
0x1f3: {  	[sflag:s28] =	ssyncset.done $0x0  }
0x1f4: {  	s21 =	rddreg [dreg:$0xe];
	[sflag:s28] =	ssyncadd.s32 $0xFFFFF800  }
0x1f5: {  	[tilespmem:s4], [sflag:$0x3] =	stream.linear.gather [hbm4b:s21+s4], $0x800, $0x38;
	[tilespmem:$0x1DC00] =	vst v63  }
0x1f6: {  	s21 =	rddreg [dreg:$0xc]  }
0x1f7: {  	s5 =	sadd.s32 s21, s8  }
0x1f8: {  	[tilespmem:s0], [sflag:$0x3] =	stream.linear.gather [hbm4b:s5+s4], $0x800, $0x38;
	[tilespmem:$0x1DC00] =	vst v63  }
0x1f9: {  	_ = 	snop  }
0x1fa: {  	[tilespmem:s6], [sflag:$0x1] =	stream.indirect.gather [hbm4b:s1+s2], $0x80, s17, s2, $0xb8;
	[tilespmem:$0x1DC00] =	vst v63  }
0x1fb: {  	_ = 	snop  }
0x1fc: {  	[tilespmem:s12], [sflag:$0x2] =	stream.indirect.gather [hbm4b:s1+s2], $0x80, s14, s2, $0xb8;
	[tilespmem:$0x1DC00] =	vst v63  }
0x1fd: {  	_ =	swait.ge [sflag:s18], $0x4000  }
0x1fe: {  	[sflag:s18] =	ssyncset.done $0x0  }
0x1ff: {  	[sflag:s18] =	ssyncadd.s32 $0xFFFFC000  }
0x200: {  	[spmem:s3] =	stream.indirect.scatter.add.f32 [tilespmem:s6], [sflag:$0x4], $0x80, s7, s2, $0xb8;
	[tilespmem:$0x1DC00] =	vst v63  }
0x201: {  	_ =	swait.ge [sflag:s31], $0x4000  }
0x202: {  	[sflag:s31] =	ssyncset.done $0x0  }
0x203: {  	[sflag:s31] =	ssyncadd.s32 $0xFFFFC000  }
0x204: {  	[tilespmem:s6], [sflag:$0x1] =	stream.indirect.gather [hbm4b:s1+s2], $0x80, s15, s2, $0xb8;
	[tilespmem:$0x1DC00] =	vst v63  }
0x205: {  	_ =	swait.ge [sflag:s20], $0x4000  }
0x206: {  	[sflag:s20] =	ssyncset.done $0x0  }
0x207: {  	[sflag:s20] =	ssyncadd.s32 $0xFFFFC000  }
0x208: {  	[spmem:s3] =	stream.indirect.scatter.add.f32 [tilespmem:s12], [sflag:$0x4], $0x80, s16, s2, $0xb8;
	[tilespmem:$0x1DC00] =	vst v63  }
0x209: {  	_ =	swait.ge [sflag:s31], $0x4000  }
0x20a: {  	[sflag:s31] =	ssyncset.done $0x0  }
0x20b: {  	[sflag:s31] =	ssyncadd.s32 $0xFFFFC000  }
0x20c: {  	[tilespmem:s12], [sflag:$0x2] =	stream.indirect.gather [hbm4b:s1+s2], $0x80, s22, s2, $0xb8;
	[tilespmem:$0x1DC00] =	vst v63  }
0x20d: {  	_ =	swait.ge [sflag:s18], $0x4000  }
0x20e: {  	[sflag:s18] =	ssyncset.done $0x0  }
0x20f: {  	[sflag:s18] =	ssyncadd.s32 $0xFFFFC000  }
0x210: {  	[spmem:s3] =	stream.indirect.scatter.add.f32 [tilespmem:s6], [sflag:$0x4], $0x80, s23, s2, $0xb8;
	[tilespmem:$0x1DC00] =	vst v63  }
0x211: {  	_ =	swait.ge [sflag:s31], $0x4000  }
0x212: {  	[sflag:s31] =	ssyncset.done $0x0  }
0x213: {  	[sflag:s31] =	ssyncadd.s32 $0xFFFFC000  }
0x214: {  	[tilespmem:s6], [sflag:$0x1] =	stream.indirect.gather [hbm4b:s1+s2], $0x80, s24, s2, $0xb8;
	[tilespmem:$0x1DC00] =	vst v63  }
0x215: {  	_ =	swait.ge [sflag:s20], $0x4000  }
0x216: {  	[sflag:s20] =	ssyncset.done $0x0  }
0x217: {  	[sflag:s20] =	ssyncadd.s32 $0xFFFFC000  }
0x218: {  	[spmem:s3] =	stream.indirect.scatter.add.f32 [tilespmem:s12], [sflag:$0x4], $0x80, s25, s2, $0xb8;
	[tilespmem:$0x1DC00] =	vst v63  }
0x219: {  	_ =	swait.ge [sflag:s31], $0x4000  }
0x21a: {  	[sflag:s31] =	ssyncset.done $0x0  }
0x21b: {  	[sflag:s31] =	ssyncadd.s32 $0xFFFFC000  }
0x21c: {  	[tilespmem:s12], [sflag:$0x2] =	stream.indirect.gather [hbm4b:s1+s2], $0x80, s26, s2, $0xb8;
	[tilespmem:$0x1DC00] =	vst v63  }
0x21d: {  	_ =	swait.ge [sflag:s18], $0x4000  }
0x21e: {  	[sflag:s18] =	ssyncset.done $0x0  }
0x21f: {  	[sflag:s18] =	ssyncadd.s32 $0xFFFFC000  }
0x220: {  	[spmem:s3] =	stream.indirect.scatter.add.f32 [tilespmem:s6], [sflag:$0x4], $0x80, s29, s2, $0xb8;
	[tilespmem:$0x1DC00] =	vst v63  }
0x221: {  	_ =	swait.ge [sflag:s31], $0x4000  }
0x222: {  	[sflag:s31] =	ssyncset.done $0x0  }
0x223: {  	[sflag:s31] =	ssyncadd.s32 $0xFFFFC000  }
0x224: {  	[tilespmem:s6], [sflag:$0x1] =	stream.indirect.gather [hbm4b:s1+s2], $0x80, s30, s2, $0xb8;
	[tilespmem:$0x1DC00] =	vst v63  }
0x225: {  	_ =	swait.ge [sflag:s20], $0x4000  }
0x226: {  	[sflag:s20] =	ssyncset.done $0x0  }
0x227: {  	s22 =	simm.s32 $0x1A80;
	[sflag:s20] =	ssyncadd.s32 $0xFFFFC000  }
0x228: {  	[spmem:s3] =	stream.indirect.scatter.add.f32 [tilespmem:s12], [sflag:$0x4], $0x80, s22, s2, $0xb8;
	[tilespmem:$0x1DC00] =	vst v63  }
0x229: {  	_ =	swait.ge [sflag:s31], $0x4000  }
0x22a: {  	[sflag:s31] =	ssyncset.done $0x0  }
0x22b: {  	s23 =	simm.s32 $0xB80;
	[sflag:s31] =	ssyncadd.s32 $0xFFFFC000  }
0x22c: {  	[tilespmem:s12], [sflag:$0x2] =	stream.indirect.gather [hbm4b:s1+s2], $0x80, s23, s2, $0xb8;
	[tilespmem:$0x1DC00] =	vst v63  }
0x22d: {  	_ =	swait.ge [sflag:s18], $0x4000  }
0x22e: {  	[sflag:s18] =	ssyncset.done $0x0  }
0x22f: {  	s21 =	simm.s32 $0x1B00;
	[sflag:s18] =	ssyncadd.s32 $0xFFFFC000  }
0x230: {  	[spmem:s3] =	stream.indirect.scatter.add.f32 [tilespmem:s6], [sflag:$0x4], $0x80, s21, s2, $0xb8;
	[tilespmem:$0x1DC00] =	vst v63  }
0x231: {  	_ =	swait.ge [sflag:s31], $0x4000  }
0x232: {  	[sflag:s31] =	ssyncset.done $0x0  }
0x233: {  	s22 =	simm.s32 $0xC00;
	[sflag:s31] =	ssyncadd.s32 $0xFFFFC000  }
0x234: {  	[tilespmem:s6], [sflag:$0x1] =	stream.indirect.gather [hbm4b:s1+s2], $0x80, s22, s2, $0xb8;
	[tilespmem:$0x1DC00] =	vst v63  }
0x235: {  	_ =	swait.ge [sflag:s20], $0x4000  }
0x236: {  	[sflag:s20] =	ssyncset.done $0x0  }
0x237: {  	s23 =	simm.s32 $0x1B80;
	[sflag:s20] =	ssyncadd.s32 $0xFFFFC000  }
0x238: {  	[spmem:s3] =	stream.indirect.scatter.add.f32 [tilespmem:s12], [sflag:$0x4], $0x80, s23, s2, $0xb8;
	[tilespmem:$0x1DC00] =	vst v63  }
0x239: {  	_ =	swait.ge [sflag:s31], $0x4000  }
0x23a: {  	[sflag:s31] =	ssyncset.done $0x0  }
0x23b: {  	s21 =	simm.s32 $0xC80;
	[sflag:s31] =	ssyncadd.s32 $0xFFFFC000  }
0x23c: {  	[tilespmem:s12], [sflag:$0x2] =	stream.indirect.gather [hbm4b:s1+s2], $0x80, s21, s2, $0xb8;
	[tilespmem:$0x1DC00] =	vst v63  }
0x23d: {  	_ =	swait.ge [sflag:s18], $0x4000  }
0x23e: {  	[sflag:s18] =	ssyncset.done $0x0  }
0x23f: {  	s22 =	simm.s32 $0x1C00;
	[sflag:s18] =	ssyncadd.s32 $0xFFFFC000  }
0x240: {  	[spmem:s3] =	stream.indirect.scatter.add.f32 [tilespmem:s6], [sflag:$0x4], $0x80, s22, s2, $0xb8;
	[tilespmem:$0x1DC00] =	vst v63  }
0x241: {  	_ =	swait.ge [sflag:s31], $0x4000  }
0x242: {  	[sflag:s31] =	ssyncset.done $0x0  }
0x243: {  	s23 =	simm.s32 $0xD00;
	[sflag:s31] =	ssyncadd.s32 $0xFFFFC000  }
0x244: {  	[tilespmem:s6], [sflag:$0x1] =	stream.indirect.gather [hbm4b:s1+s2], $0x80, s23, s2, $0xb8;
	[tilespmem:$0x1DC00] =	vst v63  }
0x245: {  	_ =	swait.ge [sflag:s20], $0x4000  }
0x246: {  	[sflag:s20] =	ssyncset.done $0x0  }
0x247: {  	s21 =	simm.s32 $0x1C80;
	[sflag:s20] =	ssyncadd.s32 $0xFFFFC000  }
0x248: {  	[spmem:s3] =	stream.indirect.scatter.add.f32 [tilespmem:s12], [sflag:$0x4], $0x80, s21, s2, $0xb8;
	[tilespmem:$0x1DC00] =	vst v63  }
0x249: {  	_ =	swait.ge [sflag:s31], $0x4000  }
0x24a: {  	[sflag:s31] =	ssyncset.done $0x0  }
0x24b: {  	s22 =	simm.s32 $0xD80;
	[sflag:s31] =	ssyncadd.s32 $0xFFFFC000  }
0x24c: {  	[tilespmem:s12], [sflag:$0x2] =	stream.indirect.gather [hbm4b:s1+s2], $0x80, s22, s2, $0xb8;
	[tilespmem:$0x1DC00] =	vst v63  }
0x24d: {  	_ =	swait.ge [sflag:s18], $0x4000  }
0x24e: {  	[sflag:s18] =	ssyncset.done $0x0  }
0x24f: {  	s23 =	simm.s32 $0x1D00;
	[sflag:s18] =	ssyncadd.s32 $0xFFFFC000  }
0x250: {  	[spmem:s3] =	stream.indirect.scatter.add.f32 [tilespmem:s6], [sflag:$0x4], $0x80, s23, s2, $0xb8;
	[tilespmem:$0x1DC00] =	vst v63  }
0x251: {  	_ =	swait.ge [sflag:s31], $0x4000  }
0x252: {  	[sflag:s31] =	ssyncset.done $0x0  }
0x253: {  	s21 =	simm.s32 $0xE00;
	[sflag:s31] =	ssyncadd.s32 $0xFFFFC000  }
0x254: {  	[tilespmem:s6], [sflag:$0x1] =	stream.indirect.gather [hbm4b:s1+s2], $0x80, s21, s2, $0xb8;
	[tilespmem:$0x1DC00] =	vst v63  }
0x255: {  	_ =	swait.ge [sflag:s20], $0x4000  }
0x256: {  	[sflag:s20] =	ssyncset.done $0x0  }
0x257: {  	s22 =	simm.s32 $0x1D80;
	[sflag:s20] =	ssyncadd.s32 $0xFFFFC000  }
0x258: {  	[spmem:s3] =	stream.indirect.scatter.add.f32 [tilespmem:s12], [sflag:$0x4], $0x80, s22, s2, $0xb8;
	[tilespmem:$0x1DC00] =	vst v63  }
0x259: {  	_ =	swait.ge [sflag:s31], $0x4000  }
0x25a: {  	[sflag:s31] =	ssyncset.done $0x0  }
0x25b: {  	s23 =	simm.s32 $0xE80;
	[sflag:s31] =	ssyncadd.s32 $0xFFFFC000  }
0x25c: {  	[tilespmem:s12], [sflag:$0x2] =	stream.indirect.gather [hbm4b:s1+s2], $0x80, s23, s2, $0xb8;
	[tilespmem:$0x1DC00] =	vst v63  }
0x25d: {  	_ =	swait.ge [sflag:s18], $0x4000  }
0x25e: {  	[sflag:s18] =	ssyncset.done $0x0  }
0x25f: {  	s21 =	simm.s32 $0x1E00;
	[sflag:s18] =	ssyncadd.s32 $0xFFFFC000  }
0x260: {  	[spmem:s3] =	stream.indirect.scatter.add.f32 [tilespmem:s6], [sflag:$0x4], $0x80, s21, s2, $0xb8;
	[tilespmem:$0x1DC00] =	vst v63  }
0x261: {  	_ =	swait.ge [sflag:s31], $0x4000  }
0x262: {  	[sflag:s31] =	ssyncset.done $0x0  }
0x263: {  	s22 =	simm.s32 $0xF00;
	[sflag:s31] =	ssyncadd.s32 $0xFFFFC000  }
0x264: {  	[tilespmem:s6], [sflag:$0x1] =	stream.indirect.gather [hbm4b:s1+s2], $0x80, s22, s2, $0xb8;
	[tilespmem:$0x1DC00] =	vst v63  }
0x265: {  	_ =	swait.ge [sflag:s20], $0x4000  }
0x266: {  	[sflag:s20] =	ssyncset.done $0x0  }
0x267: {  	s23 =	simm.s32 $0x1E80;
	[sflag:s20] =	ssyncadd.s32 $0xFFFFC000  }
0x268: {  	[spmem:s3] =	stream.indirect.scatter.add.f32 [tilespmem:s12], [sflag:$0x4], $0x80, s23, s2, $0xb8;
	[tilespmem:$0x1DC00] =	vst v63  }
0x269: {  	_ =	swait.ge [sflag:s31], $0x4000  }
0x26a: {  	[sflag:s31] =	ssyncset.done $0x0  }
0x26b: {  	s21 =	simm.s32 $0xF80;
	[sflag:s31] =	ssyncadd.s32 $0xFFFFC000  }
0x26c: {  	[tilespmem:s12], [sflag:$0x2] =	stream.indirect.gather [hbm4b:s1+s2], $0x80, s21, s2, $0xb8;
	[tilespmem:$0x1DC00] =	vst v63  }
0x26d: {  	_ =	swait.ge [sflag:s18], $0x4000  }
0x26e: {  	[sflag:s18] =	ssyncset.done $0x0  }
0x26f: {  	s22 =	simm.s32 $0x1F00;
	[sflag:s18] =	ssyncadd.s32 $0xFFFFC000  }
0x270: {  	[spmem:s3] =	stream.indirect.scatter.add.f32 [tilespmem:s6], [sflag:$0x4], $0x80, s22, s2, $0xb8;
	[tilespmem:$0x1DC00] =	vst v63  }
0x271: {  	_ =	swait.ge [sflag:s31], $0x4000  }
0x272: {  	[sflag:s31] =	ssyncset.done $0x0  }
0x273: {  	[sflag:s31] =	ssyncadd.s32 $0xFFFFC000  }
0x274: {  	_ =	swait.ge [sflag:s20], $0x4000  }
0x275: {  	[sflag:s20] =	ssyncset.done $0x0  }
0x276: {  	s23 =	simm.s32 $0x1F80;
	[sflag:s20] =	ssyncadd.s32 $0xFFFFC000  }
0x277: {  	[spmem:s3] =	stream.indirect.scatter.add.f32 [tilespmem:s12], [sflag:$0x4], $0x80, s23, s2, $0xb8;
	[tilespmem:$0x1DC00] =	vst v63  }
0x278: {  	_ =	swait.ge [sflag:s31], $0x4000  }
0x279: {  	[sflag:s31] =	ssyncset.done $0x0  }
0x27a: {  	[sflag:s31] =	ssyncadd.s32 $0xFFFFC000  }
0x27b: {  	_ =	swait.ge [sflag:s28], $0x800  }
0x27c: {  	[sflag:s28] =	ssyncset.done $0x0  }
0x27d: {  	[sflag:s28] =	ssyncadd.s32 $0xFFFFF800  }
0x27e: {  	_ =	swait.ge [sflag:s28], $0x800  }
0x27f: {  	[sflag:s28] =	ssyncset.done $0x0  }
0x280: {  	[sflag:s28] =	ssyncadd.s32 $0xFFFFF800  }
0x281: {  	[tilespmem:s6], [sflag:$0x1] =	stream.indirect.gather [hbm4b:s1+s2], $0x80, s4, s2, $0xb8;
	[tilespmem:$0x1DC00] =	vst v63  }
0x282: {  	_ = 	snop  }
0x283: {  	[tilespmem:s12], [sflag:$0x2] =	stream.indirect.gather [hbm4b:s1+s2], $0x80, s2, s2, $0xb8;
	[tilespmem:$0x1DC00] =	vst v63  }
0x284: {  	_ =	swait.ge [sflag:s18], $0x4000  }
0x285: {  	[sflag:s18] =	ssyncset.done $0x0  }
0x286: {  	s0 =	simm.s32 $0x1000;
	[sflag:s18] =	ssyncadd.s32 $0xFFFFC000  }
0x287: {  	[spmem:s3] =	stream.indirect.scatter.add.f32 [tilespmem:s6], [sflag:$0x4], $0x80, s0, s2, $0xb8;
	[tilespmem:$0x1DC00] =	vst v63  }
0x288: {  	_ =	swait.ge [sflag:s31], $0x4000  }
0x289: {  	[sflag:s31] =	ssyncset.done $0x0  }
0x28a: {  	s21 =	simm.s32 $0x100;
	[sflag:s31] =	ssyncadd.s32 $0xFFFFC000  }
0x28b: {  	[tilespmem:s6], [sflag:$0x1] =	stream.indirect.gather [hbm4b:s1+s2], $0x80, s21, s2, $0xb8;
	[tilespmem:$0x1DC00] =	vst v63  }
0x28c: {  	_ =	swait.ge [sflag:s20], $0x4000  }
0x28d: {  	[sflag:s20] =	ssyncset.done $0x0  }
0x28e: {  	s22 =	simm.s32 $0x1080;
	[sflag:s20] =	ssyncadd.s32 $0xFFFFC000  }
0x28f: {  	[spmem:s3] =	stream.indirect.scatter.add.f32 [tilespmem:s12], [sflag:$0x4], $0x80, s22, s2, $0xb8;
	[tilespmem:$0x1DC00] =	vst v63  }
0x290: {  	_ =	swait.ge [sflag:s31], $0x4000  }
0x291: {  	[sflag:s31] =	ssyncset.done $0x0  }
0x292: {  	s23 =	simm.s32 $0x180;
	[sflag:s31] =	ssyncadd.s32 $0xFFFFC000  }
0x293: {  	[tilespmem:s12], [sflag:$0x2] =	stream.indirect.gather [hbm4b:s1+s2], $0x80, s23, s2, $0xb8;
	[tilespmem:$0x1DC00] =	vst v63  }
0x294: {  	_ =	swait.ge [sflag:s18], $0x4000  }
0x295: {  	[sflag:s18] =	ssyncset.done $0x0  }
0x296: {  	s21 =	simm.s32 $0x1100;
	[sflag:s18] =	ssyncadd.s32 $0xFFFFC000  }
0x297: {  	[spmem:s3] =	stream.indirect.scatter.add.f32 [tilespmem:s6], [sflag:$0x4], $0x80, s21, s2, $0xb8;
	[tilespmem:$0x1DC00] =	vst v63  }
0x298: {  	_ =	swait.ge [sflag:s31], $0x4000  }
0x299: {  	[sflag:s31] =	ssyncset.done $0x0  }
0x29a: {  	s22 =	simm.s32 $0x200;
	[sflag:s31] =	ssyncadd.s32 $0xFFFFC000  }
0x29b: {  	[tilespmem:s6], [sflag:$0x1] =	stream.indirect.gather [hbm4b:s1+s2], $0x80, s22, s2, $0xb8;
	[tilespmem:$0x1DC00] =	vst v63  }
0x29c: {  	_ =	swait.ge [sflag:s20], $0x4000  }
0x29d: {  	[sflag:s20] =	ssyncset.done $0x0  }
0x29e: {  	s23 =	simm.s32 $0x1180;
	[sflag:s20] =	ssyncadd.s32 $0xFFFFC000  }
0x29f: {  	[spmem:s3] =	stream.indirect.scatter.add.f32 [tilespmem:s12], [sflag:$0x4], $0x80, s23, s2, $0xb8;
	[tilespmem:$0x1DC00] =	vst v63  }
0x2a0: {  	_ =	swait.ge [sflag:s31], $0x4000  }
0x2a1: {  	[sflag:s31] =	ssyncset.done $0x0  }
0x2a2: {  	s21 =	simm.s32 $0x280;
	[sflag:s31] =	ssyncadd.s32 $0xFFFFC000  }
0x2a3: {  	[tilespmem:s12], [sflag:$0x2] =	stream.indirect.gather [hbm4b:s1+s2], $0x80, s21, s2, $0xb8;
	[tilespmem:$0x1DC00] =	vst v63  }
0x2a4: {  	_ =	swait.ge [sflag:s18], $0x4000  }
0x2a5: {  	[sflag:s18] =	ssyncset.done $0x0  }
0x2a6: {  	s22 =	simm.s32 $0x1200;
	[sflag:s18] =	ssyncadd.s32 $0xFFFFC000  }
0x2a7: {  	[spmem:s3] =	stream.indirect.scatter.add.f32 [tilespmem:s6], [sflag:$0x4], $0x80, s22, s2, $0xb8;
	[tilespmem:$0x1DC00] =	vst v63  }
0x2a8: {  	_ =	swait.ge [sflag:s31], $0x4000  }
0x2a9: {  	[sflag:s31] =	ssyncset.done $0x0  }
0x2aa: {  	s23 =	simm.s32 $0x300;
	[sflag:s31] =	ssyncadd.s32 $0xFFFFC000  }
0x2ab: {  	[tilespmem:s6], [sflag:$0x1] =	stream.indirect.gather [hbm4b:s1+s2], $0x80, s23, s2, $0xb8;
	[tilespmem:$0x1DC00] =	vst v63  }
0x2ac: {  	_ =	swait.ge [sflag:s20], $0x4000  }
0x2ad: {  	[sflag:s20] =	ssyncset.done $0x0  }
0x2ae: {  	s21 =	simm.s32 $0x1280;
	[sflag:s20] =	ssyncadd.s32 $0xFFFFC000  }
0x2af: {  	[spmem:s3] =	stream.indirect.scatter.add.f32 [tilespmem:s12], [sflag:$0x4], $0x80, s21, s2, $0xb8;
	[tilespmem:$0x1DC00] =	vst v63  }
0x2b0: {  	_ =	swait.ge [sflag:s31], $0x4000  }
0x2b1: {  	[sflag:s31] =	ssyncset.done $0x0  }
0x2b2: {  	s22 =	simm.s32 $0x380;
	[sflag:s31] =	ssyncadd.s32 $0xFFFFC000  }
0x2b3: {  	[tilespmem:s12], [sflag:$0x2] =	stream.indirect.gather [hbm4b:s1+s2], $0x80, s22, s2, $0xb8;
	[tilespmem:$0x1DC00] =	vst v63  }
0x2b4: {  	_ =	swait.ge [sflag:s18], $0x4000  }
0x2b5: {  	[sflag:s18] =	ssyncset.done $0x0  }
0x2b6: {  	s23 =	simm.s32 $0x1300;
	[sflag:s18] =	ssyncadd.s32 $0xFFFFC000  }
0x2b7: {  	[spmem:s3] =	stream.indirect.scatter.add.f32 [tilespmem:s6], [sflag:$0x4], $0x80, s23, s2, $0xb8;
	[tilespmem:$0x1DC00] =	vst v63  }
0x2b8: {  	_ =	swait.ge [sflag:s31], $0x4000  }
0x2b9: {  	[sflag:s31] =	ssyncset.done $0x0  }
0x2ba: {  	s21 =	simm.s32 $0x400;
	[sflag:s31] =	ssyncadd.s32 $0xFFFFC000  }
0x2bb: {  	[tilespmem:s6], [sflag:$0x1] =	stream.indirect.gather [hbm4b:s1+s2], $0x80, s21, s2, $0xb8;
	[tilespmem:$0x1DC00] =	vst v63  }
0x2bc: {  	_ =	swait.ge [sflag:s20], $0x4000  }
0x2bd: {  	[sflag:s20] =	ssyncset.done $0x0  }
0x2be: {  	s22 =	simm.s32 $0x1380;
	[sflag:s20] =	ssyncadd.s32 $0xFFFFC000  }
0x2bf: {  	[spmem:s3] =	stream.indirect.scatter.add.f32 [tilespmem:s12], [sflag:$0x4], $0x80, s22, s2, $0xb8;
	[tilespmem:$0x1DC00] =	vst v63  }
0x2c0: {  	_ =	swait.ge [sflag:s31], $0x4000  }
0x2c1: {  	[sflag:s31] =	ssyncset.done $0x0  }
0x2c2: {  	s23 =	simm.s32 $0x480;
	[sflag:s31] =	ssyncadd.s32 $0xFFFFC000  }
0x2c3: {  	[tilespmem:s12], [sflag:$0x2] =	stream.indirect.gather [hbm4b:s1+s2], $0x80, s23, s2, $0xb8;
	[tilespmem:$0x1DC00] =	vst v63  }
0x2c4: {  	_ =	swait.ge [sflag:s18], $0x4000  }
0x2c5: {  	[sflag:s18] =	ssyncset.done $0x0  }
0x2c6: {  	s21 =	simm.s32 $0x1400;
	[sflag:s18] =	ssyncadd.s32 $0xFFFFC000  }
0x2c7: {  	[spmem:s3] =	stream.indirect.scatter.add.f32 [tilespmem:s6], [sflag:$0x4], $0x80, s21, s2, $0xb8;
	[tilespmem:$0x1DC00] =	vst v63  }
0x2c8: {  	_ =	swait.ge [sflag:s31], $0x4000  }
0x2c9: {  	[sflag:s31] =	ssyncset.done $0x0  }
0x2ca: {  	s22 =	simm.s32 $0x500;
	[sflag:s31] =	ssyncadd.s32 $0xFFFFC000  }
0x2cb: {  	[tilespmem:s6], [sflag:$0x1] =	stream.indirect.gather [hbm4b:s1+s2], $0x80, s22, s2, $0xb8;
	[tilespmem:$0x1DC00] =	vst v63  }
0x2cc: {  	_ =	swait.ge [sflag:s20], $0x4000  }
0x2cd: {  	[sflag:s20] =	ssyncset.done $0x0  }
0x2ce: {  	s23 =	simm.s32 $0x1480;
	[sflag:s20] =	ssyncadd.s32 $0xFFFFC000  }
0x2cf: {  	[spmem:s3] =	stream.indirect.scatter.add.f32 [tilespmem:s12], [sflag:$0x4], $0x80, s23, s2, $0xb8;
	[tilespmem:$0x1DC00] =	vst v63  }
0x2d0: {  	_ =	swait.ge [sflag:s31], $0x4000  }
0x2d1: {  	[sflag:s31] =	ssyncset.done $0x0  }
0x2d2: {  	s21 =	simm.s32 $0x580;
	[sflag:s31] =	ssyncadd.s32 $0xFFFFC000  }
0x2d3: {  	[tilespmem:s12], [sflag:$0x2] =	stream.indirect.gather [hbm4b:s1+s2], $0x80, s21, s2, $0xb8;
	[tilespmem:$0x1DC00] =	vst v63  }
0x2d4: {  	_ =	swait.ge [sflag:s18], $0x4000  }
0x2d5: {  	[sflag:s18] =	ssyncset.done $0x0  }
0x2d6: {  	s22 =	simm.s32 $0x1500;
	[sflag:s18] =	ssyncadd.s32 $0xFFFFC000  }
0x2d7: {  	[spmem:s3] =	stream.indirect.scatter.add.f32 [tilespmem:s6], [sflag:$0x4], $0x80, s22, s2, $0xb8;
	[tilespmem:$0x1DC00] =	vst v63  }
0x2d8: {  	_ =	swait.ge [sflag:s31], $0x4000  }
0x2d9: {  	[sflag:s31] =	ssyncset.done $0x0  }
0x2da: {  	s23 =	simm.s32 $0x600;
	[sflag:s31] =	ssyncadd.s32 $0xFFFFC000  }
0x2db: {  	[tilespmem:s6], [sflag:$0x1] =	stream.indirect.gather [hbm4b:s1+s2], $0x80, s23, s2, $0xb8;
	[tilespmem:$0x1DC00] =	vst v63  }
0x2dc: {  	_ =	swait.ge [sflag:s20], $0x4000  }
0x2dd: {  	[sflag:s20] =	ssyncset.done $0x0  }
0x2de: {  	s21 =	simm.s32 $0x1580;
	[sflag:s20] =	ssyncadd.s32 $0xFFFFC000  }
0x2df: {  	[spmem:s3] =	stream.indirect.scatter.add.f32 [tilespmem:s12], [sflag:$0x4], $0x80, s21, s2, $0xb8;
	[tilespmem:$0x1DC00] =	vst v63  }
0x2e0: {  	_ =	swait.ge [sflag:s31], $0x4000  }
0x2e1: {  	[sflag:s31] =	ssyncset.done $0x0  }
0x2e2: {  	s22 =	simm.s32 $0x680;
	[sflag:s31] =	ssyncadd.s32 $0xFFFFC000  }
0x2e3: {  	[tilespmem:s12], [sflag:$0x2] =	stream.indirect.gather [hbm4b:s1+s2], $0x80, s22, s2, $0xb8;
	[tilespmem:$0x1DC00] =	vst v63  }
0x2e4: {  	_ =	swait.ge [sflag:s18], $0x4000  }
0x2e5: {  	[sflag:s18] =	ssyncset.done $0x0  }
0x2e6: {  	s23 =	simm.s32 $0x1600;
	[sflag:s18] =	ssyncadd.s32 $0xFFFFC000  }
0x2e7: {  	[spmem:s3] =	stream.indirect.scatter.add.f32 [tilespmem:s6], [sflag:$0x4], $0x80, s23, s2, $0xb8;
	[tilespmem:$0x1DC00] =	vst v63  }
0x2e8: {  	_ =	swait.ge [sflag:s31], $0x4000  }
0x2e9: {  	[sflag:s31] =	ssyncset.done $0x0  }
0x2ea: {  	[sflag:s31] =	ssyncadd.s32 $0xFFFFC000  }
0x2eb: {  	_ =	swait.ge [sflag:s20], $0x4000  }
0x2ec: {  	[sflag:s20] =	ssyncset.done $0x0  }
0x2ed: {  	s9 =	simm.s32 $0x1680;
	[sflag:s20] =	ssyncadd.s32 $0xFFFFC000  }
0x2ee: {  	[spmem:s3] =	stream.indirect.scatter.add.f32 [tilespmem:s12], [sflag:$0x4], $0x80, s9, s2, $0xb8;
	[tilespmem:$0x1DC00] =	vst v63  }
0x2ef: {  	_ =	swait.ge [sflag:s31], $0x4000  }
0x2f0: {  	s21 =	simm.s32 @!p0 $0x0;
	[sflag:s31] =	ssyncset.done $0x0  }
0x2f1: {  	s22 =	simm.s32 @!p0 $0x4;
	s5 =	rddreg [dreg:$0xf];
	[sflag:s31] =	ssyncadd.s32 $0xFFFFC000  }
0x2f2: {  	[tilespmem:s21], [sflag:$0x4] =	stream.linear.gather @!p0 [hbm4b:s5+s21], $0x200, $0x38;
	[tilespmem:$0x1DC00] =	vst v63  }
0x2f3: {  	_ =	swait.ge @!p0 [sflag:s22], $0x200  }
0x2f4: {  	[sflag:s22] =	ssyncset.done @!p0 $0x0  }
0x2f5: {  	s23 =	simm.s32 @!p0 $0x1000;
	s5 =	sadd.s32 @!p0 $0x9C00, s8;
	[sflag:s22] =	ssyncadd.s32 @!p0 $0xFFFFFE00  }
0x2f6: {  	[tilespmem:s23], [sflag:$0x4] =	stream.linear.gather @!p0 [hbm4b:s5+s21], $0x200, $0x38;
	[tilespmem:$0x1DC00] =	vst v63  }
0x2f7: {  	_ =	swait.ge @!p0 [sflag:s22], $0x200  }
0x2f8: {  	s5 =	simm.s32 @!p0 $0x80;
	[sflag:s22] =	ssyncset.done @!p0 $0x0  }
0x2f9: {  	s21 =	simm.s32 @!p0 $0x2000;
	s23 =	rddreg [dreg:$0x16];
	[sflag:s22] =	ssyncadd.s32 @!p0 $0xFFFFFE00  }
0x2fa: {  	[tilespmem:s21], [sflag:$0x4] =	stream.indirect.gather @!p0 [hbm4b:s1+s5], $0x80, s23, s5, $0xb8;
	[tilespmem:$0x1DC00] =	vst v63  }
0x2fb: {  	_ =	swait.ge @!p0 [sflag:s22], $0x4000  }
0x2fc: {  	[sflag:s22] =	ssyncset.done @!p0 $0x0  }
0x2fd: {  	s23 =	rddreg [dreg:$0x17];
	[sflag:s22] =	ssyncadd.s32 @!p0 $0xFFFFC000  }
0x2fe: {  	[spmem:s3] =	stream.indirect.scatter.add.f32 @!p0 [tilespmem:s21], [sflag:$0x4], $0x80, s23, s5, $0xb8;
	[tilespmem:$0x1DC00] =	vst v63  }
0x2ff: {  	_ =	swait.ge @!p0 [sflag:s22], $0x4000  }
0x300: {  	[sflag:s22] =	ssyncset.done @!p0 $0x0  }
0x301: {  	[sflag:s22] =	ssyncadd.s32 @!p0 $0xFFFFC000  }
0x302: {  	[bflag:$0x0] =	sbarrier.arrive $0xFFFF  }
0x303: {  	s21 =	rddreg [dreg:$0x1c]  }
0x304: {  	[tilespmem:s6], [sflag:$0x4] =	stream.linear.gather [spmem:s21], $0x4000, $0x38;
	[tilespmem:$0x1DC00] =	vst v63  }
0x305: {  	_ =	swait.ge [sflag:s31], $0x4000  }
0x306: {  	[sflag:s31] =	ssyncset.done $0x0  }
0x307: {  	s22 =	rddreg [dreg:$0x10];
	[sflag:s31] =	ssyncadd.s32 $0xFFFFC000  }
0x308: {  	[hbm4b:s22+s4] =	stream.linear.scatter [tilespmem:s6], [sflag:$0x3], $0x4000, $0x38;
	[tilespmem:$0x1DC00] =	vst v63  }
0x309: {  	s23 =	rddreg [dreg:$0x18]  }
0x30a: {  	[tilespmem:s12], [sflag:$0x4] =	stream.linear.gather [spmem:s23], $0x4000, $0x38;
	[tilespmem:$0x1DC00] =	vst v63  }
0x30b: {  	_ =	swait.ge [sflag:s31], $0x4000  }
0x30c: {  	[sflag:s31] =	ssyncset.done $0x0  }
0x30d: {  	s9 =	rddreg [dreg:$0x11];
	[sflag:s31] =	ssyncadd.s32 $0xFFFFC000  }
0x30e: {  	[hbm4b:s9+s4] =	stream.linear.scatter [tilespmem:s12], [sflag:$0x3], $0x4000, $0x38;
	[tilespmem:$0x1DC00] =	vst v63  }
0x30f: {  	_ =	swait.ge [sflag:s28], $0x4000  }
0x310: {  	[sflag:s28] =	ssyncset.done $0x0  }
0x311: {  	s21 =	rddreg [dreg:$0x19];
	[sflag:s28] =	ssyncadd.s32 $0xFFFFC000  }
0x312: {  	[tilespmem:s6], [sflag:$0x4] =	stream.linear.gather [spmem:s21], $0x4000, $0x38;
	[tilespmem:$0x1DC00] =	vst v63  }
0x313: {  	_ =	swait.ge [sflag:s31], $0x4000  }
0x314: {  	[sflag:s31] =	ssyncset.done $0x0  }
0x315: {  	s22 =	rddreg [dreg:$0x12];
	[sflag:s31] =	ssyncadd.s32 $0xFFFFC000  }
0x316: {  	[hbm4b:s22+s4] =	stream.linear.scatter [tilespmem:s6], [sflag:$0x3], $0x4000, $0x38;
	[tilespmem:$0x1DC00] =	vst v63  }
0x317: {  	_ =	swait.ge [sflag:s28], $0x4000  }
0x318: {  	[sflag:s28] =	ssyncset.done $0x0  }
0x319: {  	s23 =	rddreg [dreg:$0x1a];
	[sflag:s28] =	ssyncadd.s32 $0xFFFFC000  }
0x31a: {  	[tilespmem:s12], [sflag:$0x4] =	stream.linear.gather [spmem:s23], $0x4000, $0x38;
	[tilespmem:$0x1DC00] =	vst v63  }
0x31b: {  	_ =	swait.ge [sflag:s31], $0x4000  }
0x31c: {  	[sflag:s31] =	ssyncset.done $0x0  }
0x31d: {  	s9 =	rddreg [dreg:$0x13];
	[sflag:s31] =	ssyncadd.s32 $0xFFFFC000  }
0x31e: {  	[hbm4b:s9+s4] =	stream.linear.scatter [tilespmem:s12], [sflag:$0x3], $0x4000, $0x38;
	[tilespmem:$0x1DC00] =	vst v63  }
0x31f: {  	_ =	swait.ge [sflag:s28], $0x4000  }
0x320: {  	[sflag:s28] =	ssyncset.done $0x0  }
0x321: {  	s21 =	rddreg [dreg:$0x1b];
	[sflag:s28] =	ssyncadd.s32 $0xFFFFC000  }
0x322: {  	[tilespmem:s6], [sflag:$0x4] =	stream.linear.gather [spmem:s21], $0x3C00, $0x38;
	[tilespmem:$0x1DC00] =	vst v63  }
0x323: {  	_ =	swait.ge [sflag:s31], $0x3C00  }
0x324: {  	[sflag:s31] =	ssyncset.done $0x0  }
0x325: {  	s22 =	rddreg [dreg:$0x14];
	[sflag:s31] =	ssyncadd.s32 $0xFFFFC400  }
0x326: {  	[hbm4b:s22+s4] =	stream.linear.scatter [tilespmem:s6], [sflag:$0x3], $0x3C00, $0x38;
	[tilespmem:$0x1DC00] =	vst v63  }
0x327: {  	_ =	swait.ge [sflag:s28], $0x4000  }
0x328: {  	[sflag:s28] =	ssyncset.done $0x0  }
0x329: {  	[sflag:s28] =	ssyncadd.s32 $0xFFFFC000  }
0x32a: {  	_ =	swait.ge [sflag:s28], $0x3C00  }
0x32b: {  	s19 =	sadd.s32 $0x1, s19;
	s23 =	rddreg [dreg:$0x15]  }
0x32c: {  	p1 =	sne.s32 s19, s23  }
.Ltmp1:
0x32d: {  	_ = 	snop;
	(pc) =	sbr.rel @p1 .LBB2_1-.Ltmp1, $3  }
0x32e: {  	_ =	sdelay $0x1  }
0x32f: {  	[sflag:s28] =	ssyncset.done $0x0  }
0x330: {  	[sflag:s28] =	ssyncadd.s32 $0xFFFFC400  }
0x331: {  	_ =	sfence.sel $0x180000  }
0x332: {  	[bflag:$0x0] =	sbarrier.arrive $0xFFFF  }
0x333: {  	_ =	strace $0x90000047  }
0x334: {  	s0 =	stileid.u32;
	[bflag:$0x2] =	sbarrier.arrive $0xFFFF  }
0x335: {  	p0 =	sne.s32 s0, $0x0;
	s0 =	rddreg [dreg:$0x4]  }
0x336: {  	s0 =	sadd.s32 @!p0 $0x100000, s0  }
0x337: {  	[sflag:s0] =	ssyncadd.tile.s32 @!p0 $0x1;
	_ =	shalt  }
.Lfunc_end2:
_tile_overlayer_lowered:
.L_overlay_start_2:
0x338: {  	(tag) =	ssettag $0x2  }
0x339: {  	s0 =	rddreg [dreg:$0x0];
	s2 =	stileid.u32  }
0x33a: {  	s1 =	rddreg [dreg:$0x1];
	p0 =	sne.s32 s2, $0x0  }
0x33b: {  	s3 =	rddreg [dreg:$0x2];
	[bflag:$0x3] =	sbarrier.arrive $0xFFFF;
	s2 =	simm.s32 @!p0 $0x1C04  }
0x33c: {  	[timem:s3], [sflag:s2] =	dma.local @!p0 [hbm:s0], s1  }
0x33d: {  	s0 =	simm.s32 @!p0 $0x4  }
0x33e: {  	_ =	swait.ge @!p0 [sflag:s0], s1  }
0x33f: {  	s1 =	ssub.s32 @!p0 $0x0, s1;
	[sflag:s0] =	ssyncset.done @!p0 $0x0  }
0x340: {  	[sflag:s0] =	ssyncadd.s32 @!p0 s1  }
0x341: {  	[bflag:$0x3] =	sbarrier.arrive $0xFFFF  }
0x342: {  	_ =	shalt  }

</sc_bundles>
